<compile_context>
chip_gen: v7x
topology: tpu7x:2x2x1
jax: 0.10.2.dev20260603
libtpu: 0.0.44.dev20260713+nightly
codegen_flags: <defaults>
</compile_context>

<pallas_src>
import jax
import jax.numpy as jnp
from jax import lax
from jax.experimental import pallas as pl
from jax.experimental.pallas import tpu as pltpu
from jax.experimental.pallas import tpu_sc as plsc


def _sc_strips(c_sh, nh, n):
    def body(c_hbm, strip_hbm, s_v, sem):
        cid = lax.axis_index("c")
        sid = lax.axis_index("s")
        wid = sid * 2 + cid
        h = wid // 2
        half = wid % 2
        builds = []
        for i in range(n // 2):
            pw = half * (n // 2) + i
            t = 31 - pw
            smod = (31 - i) % 8
            base = pl.multiple_of(t - smod, 8)
            builds.append(
                pltpu.async_copy(
                    c_hbm.at[h, smod, :, pl.ds(base, n)],
                    s_v.at[i, pl.ds(0, 63), :],
                    sem,
                )
            )
        for b in builds:
            b.wait()
        dumps = []
        for i in range(n // 2):
            pw = half * (n // 2) + i
            dumps.append(
                pltpu.async_copy(s_v.at[i], strip_hbm.at[h, pw], sem)
            )
        for b in dumps:
            b.wait()

    run = pl.kernel(
        body,
        out_type=jax.ShapeDtypeStruct((nh, n, 64, n), jnp.float32),
        mesh=plsc.VectorSubcoreMesh(core_axis_name="c", subcore_axis_name="s"),
        scratch_types=[
            pltpu.VMEM((n // 2, 64, n), jnp.float32),
            pltpu.SemaphoreType.DMA,
        ],
        compiler_params=pltpu.CompilerParams(use_tc_tiling_on_sc=False),
    )
    return run(c_sh)


def _tc_expand(strip2, nh, n):
    hw = n * n
    w = hw + 128

    def body(s_ref, o_ref):
        h = pl.program_id(0)
        for j in range(32):
            ph = j
            t = 31 - ph
            base = pl.multiple_of((t // 4) * 128, 128)
            rem = ((3 - j) % 4) * n
            x = s_ref[h, :, pl.ds(base, w)]
            if rem:
                x = pltpu.roll(x, w - rem, axis=1)
            o_ref[0, 0, j * n:(j + 1) * n, :] = x[:, :hw]

    return pl.pallas_call(
        body,
        grid=(nh,),
        in_specs=[
            pl.BlockSpec((nh, n, 2048), lambda h: (0, 0, 0)),
        ],
        out_specs=pl.BlockSpec((1, 1, hw, hw), lambda h: (0, h, 0, 0)),
        out_shape=jax.ShapeDtypeStruct((1, nh, hw, hw), jnp.float32),
    )(strip2)


def kernel(H, W, relative_position_bias_table):
    table = relative_position_bias_table
    nh = table.shape[1]
    side = int(round(table.shape[0] ** 0.5))
    n = (side + 1) // 2
    off = (jnp.asarray(H, jnp.int32) - n) + (jnp.asarray(W, jnp.int32) - n)
    table = jnp.roll(table, -off, axis=0)
    c = jnp.transpose(table.reshape(side, side, nh)[::-1, ::-1, :], (2, 0, 1))
    c_wide = jnp.pad(c, ((0, 0), (0, 0), (0, 72 - side)))
    c_sh = jnp.stack([c_wide[:, :, s:s + 64] for s in range(8)], axis=1)
    strips = _sc_strips(c_sh, nh, n)
    return _tc_expand(strips.reshape(nh, n, 64 * n), nh, n)

# --- scband reference (transcript-rebuilt; emitter-appended) ---
"""Pipeline reference for scband-relative-position-bias-47485158425075 (READ-ONLY COPY).

The authoritative reference and input builder live on the scoring server;
editing this copy changes nothing except your own understanding.
"""

import jax, jax.numpy as jnp
import numpy as np


def _rel_pos_index(H, W):
    coords_h = np.arange(H)
    coords_w = np.arange(W)
    coords = np.stack(np.meshgrid(coords_h, coords_w, indexing='ij'))
    coords_flatten = coords.reshape(2, -1)
    relative_coords = coords_flatten[:, :, None] - coords_flatten[:, None, :]
    relative_coords = relative_coords.transpose(1, 2, 0).copy()
    relative_coords[:, :, 0] += H - 1
    relative_coords[:, :, 1] += W - 1
    relative_coords[:, :, 0] *= 2 * H - 1
    return jnp.asarray(relative_coords.sum(-1), dtype=jnp.int32)


def setup_inputs(seed: int = 0) -> dict:
    key = jax.random.key(seed)
    H, W = 32, 32
    num_heads = 16
    table = jax.random.normal(key, ((2 * H - 1) * (2 * W - 1), num_heads), dtype=jnp.float32) * 0.02
    return {"H": H, "W": W, "relative_position_bias_table": table}


def reference(H, W, relative_position_bias_table):
    num_heads = relative_position_bias_table.shape[1]
    side = int(round(relative_position_bias_table.shape[0] ** 0.5))
    Hs = (side + 1) // 2
    Ws = (side + 1) // 2
    idx = _rel_pos_index(Hs, Ws)
    idx = idx + (jnp.asarray(H, dtype=jnp.int32) - Hs) + (jnp.asarray(W, dtype=jnp.int32) - Ws)
    relative_position_bias = jnp.take(relative_position_bias_table, idx.reshape(-1), axis=0)
    relative_position_bias = relative_position_bias.reshape(Hs, Ws, Hs * Ws, num_heads)
    # repeat_interleave factors are H // self.H == 1 and W // self.W == 1 (faithful to original)
    relative_position_bias_expand_h = jnp.repeat(relative_position_bias, Hs // Hs, axis=0)
    relative_position_bias_expanded = jnp.repeat(relative_position_bias_expand_h, Ws // Ws, axis=1)
    relative_position_bias_expanded = relative_position_bias_expanded.reshape(Hs * Ws, Hs * Ws, num_heads)
    relative_position_bias_expanded = jnp.transpose(relative_position_bias_expanded, (2, 0, 1))[None, ...]
    return relative_position_bias_expanded

if __name__ == "__main__":
    import jax
    _d = setup_inputs()
    print(jax.jit(kernel)(*tuple(_d.values())))

</pallas_src>

<mosaic_0001>
#map = affine_map<(d0, d1) -> (0, 0, 0, 0)>
module attributes {stable_mosaic.version = 14 : i64} {
  func.func @body(%arg0: i32, %arg1: i32, %arg2: memref<16x8x63x64xf32, #tpu.memory_space<hbm>>, %arg3: memref<16x32x64x32xf32, #tpu.memory_space<hbm>>, %arg4: memref<16x64x32xf32, #tpu.memory_space<vmem>>, %arg5: memref<!tpu.dma_semaphore, #tpu.memory_space<semaphore_mem>>) attributes {dimension_semantics = [#tpu.dimension_semantics<core_parallel>, #tpu.dimension_semantics<subcore_parallel>], iteration_bounds = array<i64: 2, 16>, scalar_prefetch = 0 : i64, scratch_operands = 2 : i64, tpu.core_type = #tpu.core_type<sc_vector_subcore>, window_params = [{transform_indices = #map}, {transform_indices = #map}]} {
    %mul3A = arith.constant 2 : i32
    %mul3A_0 = arith.muli %arg1, %mul3A : i32
    %add3A = arith.addi %mul3A_0, %arg0 : i32
    %jit3A = arith.constant 2 : i32
    %div3A = arith.divsi %add3A, %jit3A : i32
    %sign3A = arith.constant 0 : i32
    %sign3A_1 = arith.cmpi sgt, %add3A, %sign3A : i32
    %sign3A_2 = arith.extui %sign3A_1 : i1 to i32
    %sign3A_3 = arith.constant 0 : i32
    %sign3A_4 = arith.cmpi slt, %add3A, %sign3A_3 : i32
    %sign3A_5 = arith.extui %sign3A_4 : i1 to i32
    %sign3A_6 = arith.subi %sign3A_2, %sign3A_5 : i32
    %sign3A_7 = arith.constant 0 : i32
    %sign3A_8 = arith.cmpi sgt, %jit3A, %sign3A_7 : i32
    %sign3A_9 = arith.extui %sign3A_8 : i1 to i32
    %sign3A_10 = arith.constant 0 : i32
    %sign3A_11 = arith.cmpi slt, %jit3A, %sign3A_10 : i32
    %sign3A_12 = arith.extui %sign3A_11 : i1 to i32
    %sign3A_13 = arith.subi %sign3A_9, %sign3A_12 : i32
    %ne3A = arith.cmpi ne, %sign3A_6, %sign3A_13 : i32
    %rem3A = arith.remsi %add3A, %jit3A : i32
    %ne3A_14 = arith.constant 0 : i32
    %ne3A_15 = arith.cmpi ne, %rem3A, %ne3A_14 : i32
    %and3A = arith.andi %ne3A, %ne3A_15 : i1
    %sub3A = arith.constant 1 : i32
    %sub3A_16 = arith.subi %div3A, %sub3A : i32
    %select_n3A = arith.select %and3A, %sub3A_16, %div3A : i32
    %jit3A_17 = arith.constant 2 : i32
    %eq3A = arith.constant 0 : i32
    %eq3A_18 = arith.cmpi eq, %jit3A_17, %eq3A : i32
    %jit3A_19 = arith.constant 1 : i32
    %select_n3A_20 = arith.select %eq3A_18, %jit3A_19, %jit3A_17 : i32
    %rem3A_21 = arith.remsi %add3A, %select_n3A_20 : i32
    %ne3A_22 = arith.constant 0 : i32
    %ne3A_23 = arith.cmpi ne, %rem3A_21, %ne3A_22 : i32
    %lt3A = arith.constant 0 : i32
    %lt3A_24 = arith.cmpi slt, %rem3A_21, %lt3A : i32
    %lt3A_25 = arith.constant 0 : i32
    %lt3A_26 = arith.cmpi slt, %select_n3A_20, %lt3A_25 : i32
    %ne3A_27 = arith.xori %lt3A_24, %lt3A_26 : i1
    %and3A_28 = arith.andi %ne3A_27, %ne3A_23 : i1
    %add3A_29 = arith.addi %rem3A_21, %select_n3A_20 : i32
    %select_n3A_30 = arith.select %and3A_28, %add3A_29, %rem3A_21 : i32
    %mul3A_31 = arith.constant 16 : i32
    %mul3A_32 = arith.muli %select_n3A_30, %mul3A_31 : i32
    %add3A_33 = arith.constant 0 : i32
    %add3A_34 = arith.addi %mul3A_32, %add3A_33 : i32
    %sub3A_35 = arith.constant 31 : i32
    %sub3A_36 = arith.subi %sub3A_35, %add3A_34 : i32
    %sub3A_37 = arith.constant 7 : i32
    %sub3A_38 = arith.subi %sub3A_36, %sub3A_37 : i32
    %multiple_of3A = tpu.assume_multiple %sub3A_38, 8 : i32
    %dma_start3A = arith.constant 7 : i32
    %dma_start3A_39 = arith.constant 0 : i32
    %dma_start3A_40 = arith.constant 0 : i32
    %dma_start3A_41 = arith.constant 0 : i32
    %dma_start3A_42 = tpu.memref_slice %arg4[%dma_start3A_39, %dma_start3A_40, %dma_start3A_41] : memref<16x64x32xf32, #tpu.memory_space<vmem>> -> memref<1x63x32xf32, #tpu.memory_space<vmem>>
    %dma_start3A_43 = tpu.memref_squeeze %dma_start3A_42 : memref<1x63x32xf32, #tpu.memory_space<vmem>> -> memref<63x32xf32, #tpu.memory_space<vmem>>
    %dma_start3A_44 = arith.constant 0 : i32
    %dma_start3A_45 = tpu.memref_slice %arg2[%select_n3A, %dma_start3A, %dma_start3A_44, %multiple_of3A] : memref<16x8x63x64xf32, #tpu.memory_space<hbm>> -> memref<1x1x63x32xf32, #tpu.memory_space<hbm>>
    %dma_start3A_46 = tpu.memref_squeeze %dma_start3A_45 : memref<1x1x63x32xf32, #tpu.memory_space<hbm>> -> memref<63x32xf32, #tpu.memory_space<hbm>>
    %dma_start3A_47 = arith.constant 0 : i32
    %dma_start3A_48 = arith.constant 0 : i32
    %dma_start3A_49 = tpu.memref_slice %arg4[%dma_start3A_39, %dma_start3A_47, %dma_start3A_48] : memref<16x64x32xf32, #tpu.memory_space<vmem>> -> memref<1x63x32xf32, #tpu.memory_space<vmem>>
    %dma_start3A_50 = tpu.memref_squeeze %dma_start3A_49 : memref<1x63x32xf32, #tpu.memory_space<vmem>> -> memref<63x32xf32, #tpu.memory_space<vmem>>
    %dma_start3A_51 = arith.constant 0 : i32
    %dma_start3A_52 = tpu.memref_slice %arg2[%select_n3A, %dma_start3A, %dma_start3A_51, %multiple_of3A] : memref<16x8x63x64xf32, #tpu.memory_space<hbm>> -> memref<1x1x63x32xf32, #tpu.memory_space<hbm>>
    %dma_start3A_53 = tpu.memref_squeeze %dma_start3A_52 : memref<1x1x63x32xf32, #tpu.memory_space<hbm>> -> memref<63x32xf32, #tpu.memory_space<hbm>>
    tpu.enqueue_dma source(%dma_start3A_53 : memref<63x32xf32, #tpu.memory_space<hbm>>) target(%dma_start3A_50 : memref<63x32xf32, #tpu.memory_space<vmem>>) target_semaphore(%arg5 : memref<!tpu.dma_semaphore, #tpu.memory_space<semaphore_mem>>)
    %mul3A_54 = arith.constant 16 : i32
    %mul3A_55 = arith.muli %select_n3A_30, %mul3A_54 : i32
    %add3A_56 = arith.constant 1 : i32
    %add3A_57 = arith.addi %mul3A_55, %add3A_56 : i32
    %sub3A_58 = arith.constant 31 : i32
    %sub3A_59 = arith.subi %sub3A_58, %add3A_57 : i32
    %sub3A_60 = arith.constant 6 : i32
    %sub3A_61 = arith.subi %sub3A_59, %sub3A_60 : i32
    %multiple_of3A_62 = tpu.assume_multiple %sub3A_61, 8 : i32
    %dma_start3A_63 = arith.constant 6 : i32
    %dma_start3A_64 = arith.constant 1 : i32
    %dma_start3A_65 = arith.constant 0 : i32
    %dma_start3A_66 = arith.constant 0 : i32
    %dma_start3A_67 = tpu.memref_slice %arg4[%dma_start3A_64, %dma_start3A_65, %dma_start3A_66] : memref<16x64x32xf32, #tpu.memory_space<vmem>> -> memref<1x63x32xf32, #tpu.memory_space<vmem>>
    %dma_start3A_68 = tpu.memref_squeeze %dma_start3A_67 : memref<1x63x32xf32, #tpu.memory_space<vmem>> -> memref<63x32xf32, #tpu.memory_space<vmem>>
    %dma_start3A_69 = arith.constant 0 : i32
    %dma_start3A_70 = tpu.memref_slice %arg2[%select_n3A, %dma_start3A_63, %dma_start3A_69, %multiple_of3A_62] : memref<16x8x63x64xf32, #tpu.memory_space<hbm>> -> memref<1x1x63x32xf32, #tpu.memory_space<hbm>>
    %dma_start3A_71 = tpu.memref_squeeze %dma_start3A_70 : memref<1x1x63x32xf32, #tpu.memory_space<hbm>> -> memref<63x32xf32, #tpu.memory_space<hbm>>
    %dma_start3A_72 = arith.constant 0 : i32
    %dma_start3A_73 = arith.constant 0 : i32
    %dma_start3A_74 = tpu.memref_slice %arg4[%dma_start3A_64, %dma_start3A_72, %dma_start3A_73] : memref<16x64x32xf32, #tpu.memory_space<vmem>> -> memref<1x63x32xf32, #tpu.memory_space<vmem>>
    %dma_start3A_75 = tpu.memref_squeeze %dma_start3A_74 : memref<1x63x32xf32, #tpu.memory_space<vmem>> -> memref<63x32xf32, #tpu.memory_space<vmem>>
    %dma_start3A_76 = arith.constant 0 : i32
    %dma_start3A_77 = tpu.memref_slice %arg2[%select_n3A, %dma_start3A_63, %dma_start3A_76, %multiple_of3A_62] : memref<16x8x63x64xf32, #tpu.memory_space<hbm>> -> memref<1x1x63x32xf32, #tpu.memory_space<hbm>>
    %dma_start3A_78 = tpu.memref_squeeze %dma_start3A_77 : memref<1x1x63x32xf32, #tpu.memory_space<hbm>> -> memref<63x32xf32, #tpu.memory_space<hbm>>
    tpu.enqueue_dma source(%dma_start3A_78 : memref<63x32xf32, #tpu.memory_space<hbm>>) target(%dma_start3A_75 : memref<63x32xf32, #tpu.memory_space<vmem>>) target_semaphore(%arg5 : memref<!tpu.dma_semaphore, #tpu.memory_space<semaphore_mem>>)
    %mul3A_79 = arith.constant 16 : i32
    %mul3A_80 = arith.muli %select_n3A_30, %mul3A_79 : i32
    %add3A_81 = arith.constant 2 : i32
    %add3A_82 = arith.addi %mul3A_80, %add3A_81 : i32
    %sub3A_83 = arith.constant 31 : i32
    %sub3A_84 = arith.subi %sub3A_83, %add3A_82 : i32
    %sub3A_85 = arith.constant 5 : i32
    %sub3A_86 = arith.subi %sub3A_84, %sub3A_85 : i32
    %multiple_of3A_87 = tpu.assume_multiple %sub3A_86, 8 : i32
    %dma_start3A_88 = arith.constant 5 : i32
    %dma_start3A_89 = arith.constant 2 : i32
    %dma_start3A_90 = arith.constant 0 : i32
    %dma_start3A_91 = arith.constant 0 : i32
    %dma_start3A_92 = tpu.memref_slice %arg4[%dma_start3A_89, %dma_start3A_90, %dma_start3A_91] : memref<16x64x32xf32, #tpu.memory_space<vmem>> -> memref<1x63x32xf32, #tpu.memory_space<vmem>>
    %dma_start3A_93 = tpu.memref_squeeze %dma_start3A_92 : memref<1x63x32xf32, #tpu.memory_space<vmem>> -> memref<63x32xf32, #tpu.memory_space<vmem>>
    %dma_start3A_94 = arith.constant 0 : i32
    %dma_start3A_95 = tpu.memref_slice %arg2[%select_n3A, %dma_start3A_88, %dma_start3A_94, %multiple_of3A_87] : memref<16x8x63x64xf32, #tpu.memory_space<hbm>> -> memref<1x1x63x32xf32, #tpu.memory_space<hbm>>
    %dma_start3A_96 = tpu.memref_squeeze %dma_start3A_95 : memref<1x1x63x32xf32, #tpu.memory_space<hbm>> -> memref<63x32xf32, #tpu.memory_space<hbm>>
    %dma_start3A_97 = arith.constant 0 : i32
    %dma_start3A_98 = arith.constant 0 : i32
    %dma_start3A_99 = tpu.memref_slice %arg4[%dma_start3A_89, %dma_start3A_97, %dma_start3A_98] : memref<16x64x32xf32, #tpu.memory_space<vmem>> -> memref<1x63x32xf32, #tpu.memory_space<vmem>>
    %dma_start3A_100 = tpu.memref_squeeze %dma_start3A_99 : memref<1x63x32xf32, #tpu.memory_space<vmem>> -> memref<63x32xf32, #tpu.memory_space<vmem>>
    %dma_start3A_101 = arith.constant 0 : i32
    %dma_start3A_102 = tpu.memref_slice %arg2[%select_n3A, %dma_start3A_88, %dma_start3A_101, %multiple_of3A_87] : memref<16x8x63x64xf32, #tpu.memory_space<hbm>> -> memref<1x1x63x32xf32, #tpu.memory_space<hbm>>
    %dma_start3A_103 = tpu.memref_squeeze %dma_start3A_102 : memref<1x1x63x32xf32, #tpu.memory_space<hbm>> -> memref<63x32xf32, #tpu.memory_space<hbm>>
    tpu.enqueue_dma source(%dma_start3A_103 : memref<63x32xf32, #tpu.memory_space<hbm>>) target(%dma_start3A_100 : memref<63x32xf32, #tpu.memory_space<vmem>>) target_semaphore(%arg5 : memref<!tpu.dma_semaphore, #tpu.memory_space<semaphore_mem>>)
    %mul3A_104 = arith.constant 16 : i32
    %mul3A_105 = arith.muli %select_n3A_30, %mul3A_104 : i32
    %add3A_106 = arith.constant 3 : i32
    %add3A_107 = arith.addi %mul3A_105, %add3A_106 : i32
    %sub3A_108 = arith.constant 31 : i32
    %sub3A_109 = arith.subi %sub3A_108, %add3A_107 : i32
    %sub3A_110 = arith.constant 4 : i32
    %sub3A_111 = arith.subi %sub3A_109, %sub3A_110 : i32
    %multiple_of3A_112 = tpu.assume_multiple %sub3A_111, 8 : i32
    %dma_start3A_113 = arith.constant 4 : i32
    %dma_start3A_114 = arith.constant 3 : i32
    %dma_start3A_115 = arith.constant 0 : i32
    %dma_start3A_116 = arith.constant 0 : i32
    %dma_start3A_117 = tpu.memref_slice %arg4[%dma_start3A_114, %dma_start3A_115, %dma_start3A_116] : memref<16x64x32xf32, #tpu.memory_space<vmem>> -> memref<1x63x32xf32, #tpu.memory_space<vmem>>
    %dma_start3A_118 = tpu.memref_squeeze %dma_start3A_117 : memref<1x63x32xf32, #tpu.memory_space<vmem>> -> memref<63x32xf32, #tpu.memory_space<vmem>>
    %dma_start3A_119 = arith.constant 0 : i32
    %dma_start3A_120 = tpu.memref_slice %arg2[%select_n3A, %dma_start3A_113, %dma_start3A_119, %multiple_of3A_112] : memref<16x8x63x64xf32, #tpu.memory_space<hbm>> -> memref<1x1x63x32xf32, #tpu.memory_space<hbm>>
    %dma_start3A_121 = tpu.memref_squeeze %dma_start3A_120 : memref<1x1x63x32xf32, #tpu.memory_space<hbm>> -> memref<63x32xf32, #tpu.memory_space<hbm>>
    %dma_start3A_122 = arith.constant 0 : i32
    %dma_start3A_123 = arith.constant 0 : i32
    %dma_start3A_124 = tpu.memref_slice %arg4[%dma_start3A_114, %dma_start3A_122, %dma_start3A_123] : memref<16x64x32xf32, #tpu.memory_space<vmem>> -> memref<1x63x32xf32, #tpu.memory_space<vmem>>
    %dma_start3A_125 = tpu.memref_squeeze %dma_start3A_124 : memref<1x63x32xf32, #tpu.memory_space<vmem>> -> memref<63x32xf32, #tpu.memory_space<vmem>>
    %dma_start3A_126 = arith.constant 0 : i32
    %dma_start3A_127 = tpu.memref_slice %arg2[%select_n3A, %dma_start3A_113, %dma_start3A_126, %multiple_of3A_112] : memref<16x8x63x64xf32, #tpu.memory_space<hbm>> -> memref<1x1x63x32xf32, #tpu.memory_space<hbm>>
    %dma_start3A_128 = tpu.memref_squeeze %dma_start3A_127 : memref<1x1x63x32xf32, #tpu.memory_space<hbm>> -> memref<63x32xf32, #tpu.memory_space<hbm>>
    tpu.enqueue_dma source(%dma_start3A_128 : memref<63x32xf32, #tpu.memory_space<hbm>>) target(%dma_start3A_125 : memref<63x32xf32, #tpu.memory_space<vmem>>) target_semaphore(%arg5 : memref<!tpu.dma_semaphore, #tpu.memory_space<semaphore_mem>>)
    %mul3A_129 = arith.constant 16 : i32
    %mul3A_130 = arith.muli %select_n3A_30, %mul3A_129 : i32
    %add3A_131 = arith.constant 4 : i32
    %add3A_132 = arith.addi %mul3A_130, %add3A_131 : i32
    %sub3A_133 = arith.constant 31 : i32
    %sub3A_134 = arith.subi %sub3A_133, %add3A_132 : i32
    %sub3A_135 = arith.constant 3 : i32
    %sub3A_136 = arith.subi %sub3A_134, %sub3A_135 : i32
    %multiple_of3A_137 = tpu.assume_multiple %sub3A_136, 8 : i32
    %dma_start3A_138 = arith.constant 3 : i32
    %dma_start3A_139 = arith.constant 4 : i32
    %dma_start3A_140 = arith.constant 0 : i32
    %dma_start3A_141 = arith.constant 0 : i32
    %dma_start3A_142 = tpu.memref_slice %arg4[%dma_start3A_139, %dma_start3A_140, %dma_start3A_141] : memref<16x64x32xf32, #tpu.memory_space<vmem>> -> memref<1x63x32xf32, #tpu.memory_space<vmem>>
    %dma_start3A_143 = tpu.memref_squeeze %dma_start3A_142 : memref<1x63x32xf32, #tpu.memory_space<vmem>> -> memref<63x32xf32, #tpu.memory_space<vmem>>
    %dma_start3A_144 = arith.constant 0 : i32
    %dma_start3A_145 = tpu.memref_slice %arg2[%select_n3A, %dma_start3A_138, %dma_start3A_144, %multiple_of3A_137] : memref<16x8x63x64xf32, #tpu.memory_space<hbm>> -> memref<1x1x63x32xf32, #tpu.memory_space<hbm>>
    %dma_start3A_146 = tpu.memref_squeeze %dma_start3A_145 : memref<1x1x63x32xf32, #tpu.memory_space<hbm>> -> memref<63x32xf32, #tpu.memory_space<hbm>>
    %dma_start3A_147 = arith.constant 0 : i32
    %dma_start3A_148 = arith.constant 0 : i32
    %dma_start3A_149 = tpu.memref_slice %arg4[%dma_start3A_139, %dma_start3A_147, %dma_start3A_148] : memref<16x64x32xf32, #tpu.memory_space<vmem>> -> memref<1x63x32xf32, #tpu.memory_space<vmem>>
    %dma_start3A_150 = tpu.memref_squeeze %dma_start3A_149 : memref<1x63x32xf32, #tpu.memory_space<vmem>> -> memref<63x32xf32, #tpu.memory_space<vmem>>
    %dma_start3A_151 = arith.constant 0 : i32
    %dma_start3A_152 = tpu.memref_slice %arg2[%select_n3A, %dma_start3A_138, %dma_start3A_151, %multiple_of3A_137] : memref<16x8x63x64xf32, #tpu.memory_space<hbm>> -> memref<1x1x63x32xf32, #tpu.memory_space<hbm>>
    %dma_start3A_153 = tpu.memref_squeeze %dma_start3A_152 : memref<1x1x63x32xf32, #tpu.memory_space<hbm>> -> memref<63x32xf32, #tpu.memory_space<hbm>>
    tpu.enqueue_dma source(%dma_start3A_153 : memref<63x32xf32, #tpu.memory_space<hbm>>) target(%dma_start3A_150 : memref<63x32xf32, #tpu.memory_space<vmem>>) target_semaphore(%arg5 : memref<!tpu.dma_semaphore, #tpu.memory_space<semaphore_mem>>)
    %mul3A_154 = arith.constant 16 : i32
    %mul3A_155 = arith.muli %select_n3A_30, %mul3A_154 : i32
    %add3A_156 = arith.constant 5 : i32
    %add3A_157 = arith.addi %mul3A_155, %add3A_156 : i32
    %sub3A_158 = arith.constant 31 : i32
    %sub3A_159 = arith.subi %sub3A_158, %add3A_157 : i32
    %sub3A_160 = arith.constant 2 : i32
    %sub3A_161 = arith.subi %sub3A_159, %sub3A_160 : i32
    %multiple_of3A_162 = tpu.assume_multiple %sub3A_161, 8 : i32
    %dma_start3A_163 = arith.constant 2 : i32
    %dma_start3A_164 = arith.constant 5 : i32
    %dma_start3A_165 = arith.constant 0 : i32
    %dma_start3A_166 = arith.constant 0 : i32
    %dma_start3A_167 = tpu.memref_slice %arg4[%dma_start3A_164, %dma_start3A_165, %dma_start3A_166] : memref<16x64x32xf32, #tpu.memory_space<vmem>> -> memref<1x63x32xf32, #tpu.memory_space<vmem>>
    %dma_start3A_168 = tpu.memref_squeeze %dma_start3A_167 : memref<1x63x32xf32, #tpu.memory_space<vmem>> -> memref<63x32xf32, #tpu.memory_space<vmem>>
    %dma_start3A_169 = arith.constant 0 : i32
    %dma_start3A_170 = tpu.memref_slice %arg2[%select_n3A, %dma_start3A_163, %dma_start3A_169, %multiple_of3A_162] : memref<16x8x63x64xf32, #tpu.memory_space<hbm>> -> memref<1x1x63x32xf32, #tpu.memory_space<hbm>>
    %dma_start3A_171 = tpu.memref_squeeze %dma_start3A_170 : memref<1x1x63x32xf32, #tpu.memory_space<hbm>> -> memref<63x32xf32, #tpu.memory_space<hbm>>
    %dma_start3A_172 = arith.constant 0 : i32
    %dma_start3A_173 = arith.constant 0 : i32
    %dma_start3A_174 = tpu.memref_slice %arg4[%dma_start3A_164, %dma_start3A_172, %dma_start3A_173] : memref<16x64x32xf32, #tpu.memory_space<vmem>> -> memref<1x63x32xf32, #tpu.memory_space<vmem>>
    %dma_start3A_175 = tpu.memref_squeeze %dma_start3A_174 : memref<1x63x32xf32, #tpu.memory_space<vmem>> -> memref<63x32xf32, #tpu.memory_space<vmem>>
    %dma_start3A_176 = arith.constant 0 : i32
    %dma_start3A_177 = tpu.memref_slice %arg2[%select_n3A, %dma_start3A_163, %dma_start3A_176, %multiple_of3A_162] : memref<16x8x63x64xf32, #tpu.memory_space<hbm>> -> memref<1x1x63x32xf32, #tpu.memory_space<hbm>>
    %dma_start3A_178 = tpu.memref_squeeze %dma_start3A_177 : memref<1x1x63x32xf32, #tpu.memory_space<hbm>> -> memref<63x32xf32, #tpu.memory_space<hbm>>
    tpu.enqueue_dma source(%dma_start3A_178 : memref<63x32xf32, #tpu.memory_space<hbm>>) target(%dma_start3A_175 : memref<63x32xf32, #tpu.memory_space<vmem>>) target_semaphore(%arg5 : memref<!tpu.dma_semaphore, #tpu.memory_space<semaphore_mem>>)
    %mul3A_179 = arith.constant 16 : i32
    %mul3A_180 = arith.muli %select_n3A_30, %mul3A_179 : i32
    %add3A_181 = arith.constant 6 : i32
    %add3A_182 = arith.addi %mul3A_180, %add3A_181 : i32
    %sub3A_183 = arith.constant 31 : i32
    %sub3A_184 = arith.subi %sub3A_183, %add3A_182 : i32
    %sub3A_185 = arith.constant 1 : i32
    %sub3A_186 = arith.subi %sub3A_184, %sub3A_185 : i32
    %multiple_of3A_187 = tpu.assume_multiple %sub3A_186, 8 : i32
    %dma_start3A_188 = arith.constant 1 : i32
    %dma_start3A_189 = arith.constant 6 : i32
    %dma_start3A_190 = arith.constant 0 : i32
    %dma_start3A_191 = arith.constant 0 : i32
    %dma_start3A_192 = tpu.memref_slice %arg4[%dma_start3A_189, %dma_start3A_190, %dma_start3A_191] : memref<16x64x32xf32, #tpu.memory_space<vmem>> -> memref<1x63x32xf32, #tpu.memory_space<vmem>>
    %dma_start3A_193 = tpu.memref_squeeze %dma_start3A_192 : memref<1x63x32xf32, #tpu.memory_space<vmem>> -> memref<63x32xf32, #tpu.memory_space<vmem>>
    %dma_start3A_194 = arith.constant 0 : i32
    %dma_start3A_195 = tpu.memref_slice %arg2[%select_n3A, %dma_start3A_188, %dma_start3A_194, %multiple_of3A_187] : memref<16x8x63x64xf32, #tpu.memory_space<hbm>> -> memref<1x1x63x32xf32, #tpu.memory_space<hbm>>
    %dma_start3A_196 = tpu.memref_squeeze %dma_start3A_195 : memref<1x1x63x32xf32, #tpu.memory_space<hbm>> -> memref<63x32xf32, #tpu.memory_space<hbm>>
    %dma_start3A_197 = arith.constant 0 : i32
    %dma_start3A_198 = arith.constant 0 : i32
    %dma_start3A_199 = tpu.memref_slice %arg4[%dma_start3A_189, %dma_start3A_197, %dma_start3A_198] : memref<16x64x32xf32, #tpu.memory_space<vmem>> -> memref<1x63x32xf32, #tpu.memory_space<vmem>>
    %dma_start3A_200 = tpu.memref_squeeze %dma_start3A_199 : memref<1x63x32xf32, #tpu.memory_space<vmem>> -> memref<63x32xf32, #tpu.memory_space<vmem>>
    %dma_start3A_201 = arith.constant 0 : i32
    %dma_start3A_202 = tpu.memref_slice %arg2[%select_n3A, %dma_start3A_188, %dma_start3A_201, %multiple_of3A_187] : memref<16x8x63x64xf32, #tpu.memory_space<hbm>> -> memref<1x1x63x32xf32, #tpu.memory_space<hbm>>
    %dma_start3A_203 = tpu.memref_squeeze %dma_start3A_202 : memref<1x1x63x32xf32, #tpu.memory_space<hbm>> -> memref<63x32xf32, #tpu.memory_space<hbm>>
    tpu.enqueue_dma source(%dma_start3A_203 : memref<63x32xf32, #tpu.memory_space<hbm>>) target(%dma_start3A_200 : memref<63x32xf32, #tpu.memory_space<vmem>>) target_semaphore(%arg5 : memref<!tpu.dma_semaphore, #tpu.memory_space<semaphore_mem>>)
    %mul3A_204 = arith.constant 16 : i32
    %mul3A_205 = arith.muli %select_n3A_30, %mul3A_204 : i32
    %add3A_206 = arith.constant 7 : i32
    %add3A_207 = arith.addi %mul3A_205, %add3A_206 : i32
    %sub3A_208 = arith.constant 31 : i32
    %sub3A_209 = arith.subi %sub3A_208, %add3A_207 : i32
    %sub3A_210 = arith.constant 0 : i32
    %sub3A_211 = arith.subi %sub3A_209, %sub3A_210 : i32
    %multiple_of3A_212 = tpu.assume_multiple %sub3A_211, 8 : i32
    %dma_start3A_213 = arith.constant 0 : i32
    %dma_start3A_214 = arith.constant 7 : i32
    %dma_start3A_215 = arith.constant 0 : i32
    %dma_start3A_216 = arith.constant 0 : i32
    %dma_start3A_217 = tpu.memref_slice %arg4[%dma_start3A_214, %dma_start3A_215, %dma_start3A_216] : memref<16x64x32xf32, #tpu.memory_space<vmem>> -> memref<1x63x32xf32, #tpu.memory_space<vmem>>
    %dma_start3A_218 = tpu.memref_squeeze %dma_start3A_217 : memref<1x63x32xf32, #tpu.memory_space<vmem>> -> memref<63x32xf32, #tpu.memory_space<vmem>>
    %dma_start3A_219 = arith.constant 0 : i32
    %dma_start3A_220 = tpu.memref_slice %arg2[%select_n3A, %dma_start3A_213, %dma_start3A_219, %multiple_of3A_212] : memref<16x8x63x64xf32, #tpu.memory_space<hbm>> -> memref<1x1x63x32xf32, #tpu.memory_space<hbm>>
    %dma_start3A_221 = tpu.memref_squeeze %dma_start3A_220 : memref<1x1x63x32xf32, #tpu.memory_space<hbm>> -> memref<63x32xf32, #tpu.memory_space<hbm>>
    %dma_start3A_222 = arith.constant 0 : i32
    %dma_start3A_223 = arith.constant 0 : i32
    %dma_start3A_224 = tpu.memref_slice %arg4[%dma_start3A_214, %dma_start3A_222, %dma_start3A_223] : memref<16x64x32xf32, #tpu.memory_space<vmem>> -> memref<1x63x32xf32, #tpu.memory_space<vmem>>
    %dma_start3A_225 = tpu.memref_squeeze %dma_start3A_224 : memref<1x63x32xf32, #tpu.memory_space<vmem>> -> memref<63x32xf32, #tpu.memory_space<vmem>>
    %dma_start3A_226 = arith.constant 0 : i32
    %dma_start3A_227 = tpu.memref_slice %arg2[%select_n3A, %dma_start3A_213, %dma_start3A_226, %multiple_of3A_212] : memref<16x8x63x64xf32, #tpu.memory_space<hbm>> -> memref<1x1x63x32xf32, #tpu.memory_space<hbm>>
    %dma_start3A_228 = tpu.memref_squeeze %dma_start3A_227 : memref<1x1x63x32xf32, #tpu.memory_space<hbm>> -> memref<63x32xf32, #tpu.memory_space<hbm>>
    tpu.enqueue_dma source(%dma_start3A_228 : memref<63x32xf32, #tpu.memory_space<hbm>>) target(%dma_start3A_225 : memref<63x32xf32, #tpu.memory_space<vmem>>) target_semaphore(%arg5 : memref<!tpu.dma_semaphore, #tpu.memory_space<semaphore_mem>>)
    %mul3A_229 = arith.constant 16 : i32
    %mul3A_230 = arith.muli %select_n3A_30, %mul3A_229 : i32
    %add3A_231 = arith.constant 8 : i32
    %add3A_232 = arith.addi %mul3A_230, %add3A_231 : i32
    %sub3A_233 = arith.constant 31 : i32
    %sub3A_234 = arith.subi %sub3A_233, %add3A_232 : i32
    %sub3A_235 = arith.constant 7 : i32
    %sub3A_236 = arith.subi %sub3A_234, %sub3A_235 : i32
    %multiple_of3A_237 = tpu.assume_multiple %sub3A_236, 8 : i32
    %dma_start3A_238 = arith.constant 7 : i32
    %dma_start3A_239 = arith.constant 8 : i32
    %dma_start3A_240 = arith.constant 0 : i32
    %dma_start3A_241 = arith.constant 0 : i32
    %dma_start3A_242 = tpu.memref_slice %arg4[%dma_start3A_239, %dma_start3A_240, %dma_start3A_241] : memref<16x64x32xf32, #tpu.memory_space<vmem>> -> memref<1x63x32xf32, #tpu.memory_space<vmem>>
    %dma_start3A_243 = tpu.memref_squeeze %dma_start3A_242 : memref<1x63x32xf32, #tpu.memory_space<vmem>> -> memref<63x32xf32, #tpu.memory_space<vmem>>
    %dma_start3A_244 = arith.constant 0 : i32
    %dma_start3A_245 = tpu.memref_slice %arg2[%select_n3A, %dma_start3A_238, %dma_start3A_244, %multiple_of3A_237] : memref<16x8x63x64xf32, #tpu.memory_space<hbm>> -> memref<1x1x63x32xf32, #tpu.memory_space<hbm>>
    %dma_start3A_246 = tpu.memref_squeeze %dma_start3A_245 : memref<1x1x63x32xf32, #tpu.memory_space<hbm>> -> memref<63x32xf32, #tpu.memory_space<hbm>>
    %dma_start3A_247 = arith.constant 0 : i32
    %dma_start3A_248 = arith.constant 0 : i32
    %dma_start3A_249 = tpu.memref_slice %arg4[%dma_start3A_239, %dma_start3A_247, %dma_start3A_248] : memref<16x64x32xf32, #tpu.memory_space<vmem>> -> memref<1x63x32xf32, #tpu.memory_space<vmem>>
    %dma_start3A_250 = tpu.memref_squeeze %dma_start3A_249 : memref<1x63x32xf32, #tpu.memory_space<vmem>> -> memref<63x32xf32, #tpu.memory_space<vmem>>
    %dma_start3A_251 = arith.constant 0 : i32
    %dma_start3A_252 = tpu.memref_slice %arg2[%select_n3A, %dma_start3A_238, %dma_start3A_251, %multiple_of3A_237] : memref<16x8x63x64xf32, #tpu.memory_space<hbm>> -> memref<1x1x63x32xf32, #tpu.memory_space<hbm>>
    %dma_start3A_253 = tpu.memref_squeeze %dma_start3A_252 : memref<1x1x63x32xf32, #tpu.memory_space<hbm>> -> memref<63x32xf32, #tpu.memory_space<hbm>>
    tpu.enqueue_dma source(%dma_start3A_253 : memref<63x32xf32, #tpu.memory_space<hbm>>) target(%dma_start3A_250 : memref<63x32xf32, #tpu.memory_space<vmem>>) target_semaphore(%arg5 : memref<!tpu.dma_semaphore, #tpu.memory_space<semaphore_mem>>)
    %mul3A_254 = arith.constant 16 : i32
    %mul3A_255 = arith.muli %select_n3A_30, %mul3A_254 : i32
    %add3A_256 = arith.constant 9 : i32
    %add3A_257 = arith.addi %mul3A_255, %add3A_256 : i32
    %sub3A_258 = arith.constant 31 : i32
    %sub3A_259 = arith.subi %sub3A_258, %add3A_257 : i32
    %sub3A_260 = arith.constant 6 : i32
    %sub3A_261 = arith.subi %sub3A_259, %sub3A_260 : i32
    %multiple_of3A_262 = tpu.assume_multiple %sub3A_261, 8 : i32
    %dma_start3A_263 = arith.constant 6 : i32
    %dma_start3A_264 = arith.constant 9 : i32
    %dma_start3A_265 = arith.constant 0 : i32
    %dma_start3A_266 = arith.constant 0 : i32
    %dma_start3A_267 = tpu.memref_slice %arg4[%dma_start3A_264, %dma_start3A_265, %dma_start3A_266] : memref<16x64x32xf32, #tpu.memory_space<vmem>> -> memref<1x63x32xf32, #tpu.memory_space<vmem>>
    %dma_start3A_268 = tpu.memref_squeeze %dma_start3A_267 : memref<1x63x32xf32, #tpu.memory_space<vmem>> -> memref<63x32xf32, #tpu.memory_space<vmem>>
    %dma_start3A_269 = arith.constant 0 : i32
    %dma_start3A_270 = tpu.memref_slice %arg2[%select_n3A, %dma_start3A_263, %dma_start3A_269, %multiple_of3A_262] : memref<16x8x63x64xf32, #tpu.memory_space<hbm>> -> memref<1x1x63x32xf32, #tpu.memory_space<hbm>>
    %dma_start3A_271 = tpu.memref_squeeze %dma_start3A_270 : memref<1x1x63x32xf32, #tpu.memory_space<hbm>> -> memref<63x32xf32, #tpu.memory_space<hbm>>
    %dma_start3A_272 = arith.constant 0 : i32
    %dma_start3A_273 = arith.constant 0 : i32
    %dma_start3A_274 = tpu.memref_slice %arg4[%dma_start3A_264, %dma_start3A_272, %dma_start3A_273] : memref<16x64x32xf32, #tpu.memory_space<vmem>> -> memref<1x63x32xf32, #tpu.memory_space<vmem>>
    %dma_start3A_275 = tpu.memref_squeeze %dma_start3A_274 : memref<1x63x32xf32, #tpu.memory_space<vmem>> -> memref<63x32xf32, #tpu.memory_space<vmem>>
    %dma_start3A_276 = arith.constant 0 : i32
    %dma_start3A_277 = tpu.memref_slice %arg2[%select_n3A, %dma_start3A_263, %dma_start3A_276, %multiple_of3A_262] : memref<16x8x63x64xf32, #tpu.memory_space<hbm>> -> memref<1x1x63x32xf32, #tpu.memory_space<hbm>>
    %dma_start3A_278 = tpu.memref_squeeze %dma_start3A_277 : memref<1x1x63x32xf32, #tpu.memory_space<hbm>> -> memref<63x32xf32, #tpu.memory_space<hbm>>
    tpu.enqueue_dma source(%dma_start3A_278 : memref<63x32xf32, #tpu.memory_space<hbm>>) target(%dma_start3A_275 : memref<63x32xf32, #tpu.memory_space<vmem>>) target_semaphore(%arg5 : memref<!tpu.dma_semaphore, #tpu.memory_space<semaphore_mem>>)
    %mul3A_279 = arith.constant 16 : i32
    %mul3A_280 = arith.muli %select_n3A_30, %mul3A_279 : i32
    %add3A_281 = arith.constant 10 : i32
    %add3A_282 = arith.addi %mul3A_280, %add3A_281 : i32
    %sub3A_283 = arith.constant 31 : i32
    %sub3A_284 = arith.subi %sub3A_283, %add3A_282 : i32
    %sub3A_285 = arith.constant 5 : i32
    %sub3A_286 = arith.subi %sub3A_284, %sub3A_285 : i32
    %multiple_of3A_287 = tpu.assume_multiple %sub3A_286, 8 : i32
    %dma_start3A_288 = arith.constant 5 : i32
    %dma_start3A_289 = arith.constant 10 : i32
    %dma_start3A_290 = arith.constant 0 : i32
    %dma_start3A_291 = arith.constant 0 : i32
    %dma_start3A_292 = tpu.memref_slice %arg4[%dma_start3A_289, %dma_start3A_290, %dma_start3A_291] : memref<16x64x32xf32, #tpu.memory_space<vmem>> -> memref<1x63x32xf32, #tpu.memory_space<vmem>>
    %dma_start3A_293 = tpu.memref_squeeze %dma_start3A_292 : memref<1x63x32xf32, #tpu.memory_space<vmem>> -> memref<63x32xf32, #tpu.memory_space<vmem>>
    %dma_start3A_294 = arith.constant 0 : i32
    %dma_start3A_295 = tpu.memref_slice %arg2[%select_n3A, %dma_start3A_288, %dma_start3A_294, %multiple_of3A_287] : memref<16x8x63x64xf32, #tpu.memory_space<hbm>> -> memref<1x1x63x32xf32, #tpu.memory_space<hbm>>
    %dma_start3A_296 = tpu.memref_squeeze %dma_start3A_295 : memref<1x1x63x32xf32, #tpu.memory_space<hbm>> -> memref<63x32xf32, #tpu.memory_space<hbm>>
    %dma_start3A_297 = arith.constant 0 : i32
    %dma_start3A_298 = arith.constant 0 : i32
    %dma_start3A_299 = tpu.memref_slice %arg4[%dma_start3A_289, %dma_start3A_297, %dma_start3A_298] : memref<16x64x32xf32, #tpu.memory_space<vmem>> -> memref<1x63x32xf32, #tpu.memory_space<vmem>>
    %dma_start3A_300 = tpu.memref_squeeze %dma_start3A_299 : memref<1x63x32xf32, #tpu.memory_space<vmem>> -> memref<63x32xf32, #tpu.memory_space<vmem>>
    %dma_start3A_301 = arith.constant 0 : i32
    %dma_start3A_302 = tpu.memref_slice %arg2[%select_n3A, %dma_start3A_288, %dma_start3A_301, %multiple_of3A_287] : memref<16x8x63x64xf32, #tpu.memory_space<hbm>> -> memref<1x1x63x32xf32, #tpu.memory_space<hbm>>
    %dma_start3A_303 = tpu.memref_squeeze %dma_start3A_302 : memref<1x1x63x32xf32, #tpu.memory_space<hbm>> -> memref<63x32xf32, #tpu.memory_space<hbm>>
    tpu.enqueue_dma source(%dma_start3A_303 : memref<63x32xf32, #tpu.memory_space<hbm>>) target(%dma_start3A_300 : memref<63x32xf32, #tpu.memory_space<vmem>>) target_semaphore(%arg5 : memref<!tpu.dma_semaphore, #tpu.memory_space<semaphore_mem>>)
    %mul3A_304 = arith.constant 16 : i32
    %mul3A_305 = arith.muli %select_n3A_30, %mul3A_304 : i32
    %add3A_306 = arith.constant 11 : i32
    %add3A_307 = arith.addi %mul3A_305, %add3A_306 : i32
    %sub3A_308 = arith.constant 31 : i32
    %sub3A_309 = arith.subi %sub3A_308, %add3A_307 : i32
    %sub3A_310 = arith.constant 4 : i32
    %sub3A_311 = arith.subi %sub3A_309, %sub3A_310 : i32
    %multiple_of3A_312 = tpu.assume_multiple %sub3A_311, 8 : i32
    %dma_start3A_313 = arith.constant 4 : i32
    %dma_start3A_314 = arith.constant 11 : i32
    %dma_start3A_315 = arith.constant 0 : i32
    %dma_start3A_316 = arith.constant 0 : i32
    %dma_start3A_317 = tpu.memref_slice %arg4[%dma_start3A_314, %dma_start3A_315, %dma_start3A_316] : memref<16x64x32xf32, #tpu.memory_space<vmem>> -> memref<1x63x32xf32, #tpu.memory_space<vmem>>
    %dma_start3A_318 = tpu.memref_squeeze %dma_start3A_317 : memref<1x63x32xf32, #tpu.memory_space<vmem>> -> memref<63x32xf32, #tpu.memory_space<vmem>>
    %dma_start3A_319 = arith.constant 0 : i32
    %dma_start3A_320 = tpu.memref_slice %arg2[%select_n3A, %dma_start3A_313, %dma_start3A_319, %multiple_of3A_312] : memref<16x8x63x64xf32, #tpu.memory_space<hbm>> -> memref<1x1x63x32xf32, #tpu.memory_space<hbm>>
    %dma_start3A_321 = tpu.memref_squeeze %dma_start3A_320 : memref<1x1x63x32xf32, #tpu.memory_space<hbm>> -> memref<63x32xf32, #tpu.memory_space<hbm>>
    %dma_start3A_322 = arith.constant 0 : i32
    %dma_start3A_323 = arith.constant 0 : i32
    %dma_start3A_324 = tpu.memref_slice %arg4[%dma_start3A_314, %dma_start3A_322, %dma_start3A_323] : memref<16x64x32xf32, #tpu.memory_space<vmem>> -> memref<1x63x32xf32, #tpu.memory_space<vmem>>
    %dma_start3A_325 = tpu.memref_squeeze %dma_start3A_324 : memref<1x63x32xf32, #tpu.memory_space<vmem>> -> memref<63x32xf32, #tpu.memory_space<vmem>>
    %dma_start3A_326 = arith.constant 0 : i32
    %dma_start3A_327 = tpu.memref_slice %arg2[%select_n3A, %dma_start3A_313, %dma_start3A_326, %multiple_of3A_312] : memref<16x8x63x64xf32, #tpu.memory_space<hbm>> -> memref<1x1x63x32xf32, #tpu.memory_space<hbm>>
    %dma_start3A_328 = tpu.memref_squeeze %dma_start3A_327 : memref<1x1x63x32xf32, #tpu.memory_space<hbm>> -> memref<63x32xf32, #tpu.memory_space<hbm>>
    tpu.enqueue_dma source(%dma_start3A_328 : memref<63x32xf32, #tpu.memory_space<hbm>>) target(%dma_start3A_325 : memref<63x32xf32, #tpu.memory_space<vmem>>) target_semaphore(%arg5 : memref<!tpu.dma_semaphore, #tpu.memory_space<semaphore_mem>>)
    %mul3A_329 = arith.constant 16 : i32
    %mul3A_330 = arith.muli %select_n3A_30, %mul3A_329 : i32
    %add3A_331 = arith.constant 12 : i32
    %add3A_332 = arith.addi %mul3A_330, %add3A_331 : i32
    %sub3A_333 = arith.constant 31 : i32
    %sub3A_334 = arith.subi %sub3A_333, %add3A_332 : i32
    %sub3A_335 = arith.constant 3 : i32
    %sub3A_336 = arith.subi %sub3A_334, %sub3A_335 : i32
    %multiple_of3A_337 = tpu.assume_multiple %sub3A_336, 8 : i32
    %dma_start3A_338 = arith.constant 3 : i32
    %dma_start3A_339 = arith.constant 12 : i32
    %dma_start3A_340 = arith.constant 0 : i32
    %dma_start3A_341 = arith.constant 0 : i32
    %dma_start3A_342 = tpu.memref_slice %arg4[%dma_start3A_339, %dma_start3A_340, %dma_start3A_341] : memref<16x64x32xf32, #tpu.memory_space<vmem>> -> memref<1x63x32xf32, #tpu.memory_space<vmem>>
    %dma_start3A_343 = tpu.memref_squeeze %dma_start3A_342 : memref<1x63x32xf32, #tpu.memory_space<vmem>> -> memref<63x32xf32, #tpu.memory_space<vmem>>
    %dma_start3A_344 = arith.constant 0 : i32
    %dma_start3A_345 = tpu.memref_slice %arg2[%select_n3A, %dma_start3A_338, %dma_start3A_344, %multiple_of3A_337] : memref<16x8x63x64xf32, #tpu.memory_space<hbm>> -> memref<1x1x63x32xf32, #tpu.memory_space<hbm>>
    %dma_start3A_346 = tpu.memref_squeeze %dma_start3A_345 : memref<1x1x63x32xf32, #tpu.memory_space<hbm>> -> memref<63x32xf32, #tpu.memory_space<hbm>>
    %dma_start3A_347 = arith.constant 0 : i32
    %dma_start3A_348 = arith.constant 0 : i32
    %dma_start3A_349 = tpu.memref_slice %arg4[%dma_start3A_339, %dma_start3A_347, %dma_start3A_348] : memref<16x64x32xf32, #tpu.memory_space<vmem>> -> memref<1x63x32xf32, #tpu.memory_space<vmem>>
    %dma_start3A_350 = tpu.memref_squeeze %dma_start3A_349 : memref<1x63x32xf32, #tpu.memory_space<vmem>> -> memref<63x32xf32, #tpu.memory_space<vmem>>
    %dma_start3A_351 = arith.constant 0 : i32
    %dma_start3A_352 = tpu.memref_slice %arg2[%select_n3A, %dma_start3A_338, %dma_start3A_351, %multiple_of3A_337] : memref<16x8x63x64xf32, #tpu.memory_space<hbm>> -> memref<1x1x63x32xf32, #tpu.memory_space<hbm>>
    %dma_start3A_353 = tpu.memref_squeeze %dma_start3A_352 : memref<1x1x63x32xf32, #tpu.memory_space<hbm>> -> memref<63x32xf32, #tpu.memory_space<hbm>>
    tpu.enqueue_dma source(%dma_start3A_353 : memref<63x32xf32, #tpu.memory_space<hbm>>) target(%dma_start3A_350 : memref<63x32xf32, #tpu.memory_space<vmem>>) target_semaphore(%arg5 : memref<!tpu.dma_semaphore, #tpu.memory_space<semaphore_mem>>)
    %mul3A_354 = arith.constant 16 : i32
    %mul3A_355 = arith.muli %select_n3A_30, %mul3A_354 : i32
    %add3A_356 = arith.constant 13 : i32
    %add3A_357 = arith.addi %mul3A_355, %add3A_356 : i32
    %sub3A_358 = arith.constant 31 : i32
    %sub3A_359 = arith.subi %sub3A_358, %add3A_357 : i32
    %sub3A_360 = arith.constant 2 : i32
    %sub3A_361 = arith.subi %sub3A_359, %sub3A_360 : i32
    %multiple_of3A_362 = tpu.assume_multiple %sub3A_361, 8 : i32
    %dma_start3A_363 = arith.constant 2 : i32
    %dma_start3A_364 = arith.constant 13 : i32
    %dma_start3A_365 = arith.constant 0 : i32
    %dma_start3A_366 = arith.constant 0 : i32
    %dma_start3A_367 = tpu.memref_slice %arg4[%dma_start3A_364, %dma_start3A_365, %dma_start3A_366] : memref<16x64x32xf32, #tpu.memory_space<vmem>> -> memref<1x63x32xf32, #tpu.memory_space<vmem>>
    %dma_start3A_368 = tpu.memref_squeeze %dma_start3A_367 : memref<1x63x32xf32, #tpu.memory_space<vmem>> -> memref<63x32xf32, #tpu.memory_space<vmem>>
    %dma_start3A_369 = arith.constant 0 : i32
    %dma_start3A_370 = tpu.memref_slice %arg2[%select_n3A, %dma_start3A_363, %dma_start3A_369, %multiple_of3A_362] : memref<16x8x63x64xf32, #tpu.memory_space<hbm>> -> memref<1x1x63x32xf32, #tpu.memory_space<hbm>>
    %dma_start3A_371 = tpu.memref_squeeze %dma_start3A_370 : memref<1x1x63x32xf32, #tpu.memory_space<hbm>> -> memref<63x32xf32, #tpu.memory_space<hbm>>
    %dma_start3A_372 = arith.constant 0 : i32
    %dma_start3A_373 = arith.constant 0 : i32
    %dma_start3A_374 = tpu.memref_slice %arg4[%dma_start3A_364, %dma_start3A_372, %dma_start3A_373] : memref<16x64x32xf32, #tpu.memory_space<vmem>> -> memref<1x63x32xf32, #tpu.memory_space<vmem>>
    %dma_start3A_375 = tpu.memref_squeeze %dma_start3A_374 : memref<1x63x32xf32, #tpu.memory_space<vmem>> -> memref<63x32xf32, #tpu.memory_space<vmem>>
    %dma_start3A_376 = arith.constant 0 : i32
    %dma_start3A_377 = tpu.memref_slice %arg2[%select_n3A, %dma_start3A_363, %dma_start3A_376, %multiple_of3A_362] : memref<16x8x63x64xf32, #tpu.memory_space<hbm>> -> memref<1x1x63x32xf32, #tpu.memory_space<hbm>>
    %dma_start3A_378 = tpu.memref_squeeze %dma_start3A_377 : memref<1x1x63x32xf32, #tpu.memory_space<hbm>> -> memref<63x32xf32, #tpu.memory_space<hbm>>
    tpu.enqueue_dma source(%dma_start3A_378 : memref<63x32xf32, #tpu.memory_space<hbm>>) target(%dma_start3A_375 : memref<63x32xf32, #tpu.memory_space<vmem>>) target_semaphore(%arg5 : memref<!tpu.dma_semaphore, #tpu.memory_space<semaphore_mem>>)
    %mul3A_379 = arith.constant 16 : i32
    %mul3A_380 = arith.muli %select_n3A_30, %mul3A_379 : i32
    %add3A_381 = arith.constant 14 : i32
    %add3A_382 = arith.addi %mul3A_380, %add3A_381 : i32
    %sub3A_383 = arith.constant 31 : i32
    %sub3A_384 = arith.subi %sub3A_383, %add3A_382 : i32
    %sub3A_385 = arith.constant 1 : i32
    %sub3A_386 = arith.subi %sub3A_384, %sub3A_385 : i32
    %multiple_of3A_387 = tpu.assume_multiple %sub3A_386, 8 : i32
    %dma_start3A_388 = arith.constant 1 : i32
    %dma_start3A_389 = arith.constant 14 : i32
    %dma_start3A_390 = arith.constant 0 : i32
    %dma_start3A_391 = arith.constant 0 : i32
    %dma_start3A_392 = tpu.memref_slice %arg4[%dma_start3A_389, %dma_start3A_390, %dma_start3A_391] : memref<16x64x32xf32, #tpu.memory_space<vmem>> -> memref<1x63x32xf32, #tpu.memory_space<vmem>>
    %dma_start3A_393 = tpu.memref_squeeze %dma_start3A_392 : memref<1x63x32xf32, #tpu.memory_space<vmem>> -> memref<63x32xf32, #tpu.memory_space<vmem>>
    %dma_start3A_394 = arith.constant 0 : i32
    %dma_start3A_395 = tpu.memref_slice %arg2[%select_n3A, %dma_start3A_388, %dma_start3A_394, %multiple_of3A_387] : memref<16x8x63x64xf32, #tpu.memory_space<hbm>> -> memref<1x1x63x32xf32, #tpu.memory_space<hbm>>
    %dma_start3A_396 = tpu.memref_squeeze %dma_start3A_395 : memref<1x1x63x32xf32, #tpu.memory_space<hbm>> -> memref<63x32xf32, #tpu.memory_space<hbm>>
    %dma_start3A_397 = arith.constant 0 : i32
    %dma_start3A_398 = arith.constant 0 : i32
    %dma_start3A_399 = tpu.memref_slice %arg4[%dma_start3A_389, %dma_start3A_397, %dma_start3A_398] : memref<16x64x32xf32, #tpu.memory_space<vmem>> -> memref<1x63x32xf32, #tpu.memory_space<vmem>>
    %dma_start3A_400 = tpu.memref_squeeze %dma_start3A_399 : memref<1x63x32xf32, #tpu.memory_space<vmem>> -> memref<63x32xf32, #tpu.memory_space<vmem>>
    %dma_start3A_401 = arith.constant 0 : i32
    %dma_start3A_402 = tpu.memref_slice %arg2[%select_n3A, %dma_start3A_388, %dma_start3A_401, %multiple_of3A_387] : memref<16x8x63x64xf32, #tpu.memory_space<hbm>> -> memref<1x1x63x32xf32, #tpu.memory_space<hbm>>
    %dma_start3A_403 = tpu.memref_squeeze %dma_start3A_402 : memref<1x1x63x32xf32, #tpu.memory_space<hbm>> -> memref<63x32xf32, #tpu.memory_space<hbm>>
    tpu.enqueue_dma source(%dma_start3A_403 : memref<63x32xf32, #tpu.memory_space<hbm>>) target(%dma_start3A_400 : memref<63x32xf32, #tpu.memory_space<vmem>>) target_semaphore(%arg5 : memref<!tpu.dma_semaphore, #tpu.memory_space<semaphore_mem>>)
    %mul3A_404 = arith.constant 16 : i32
    %mul3A_405 = arith.muli %select_n3A_30, %mul3A_404 : i32
    %add3A_406 = arith.constant 15 : i32
    %add3A_407 = arith.addi %mul3A_405, %add3A_406 : i32
    %sub3A_408 = arith.constant 31 : i32
    %sub3A_409 = arith.subi %sub3A_408, %add3A_407 : i32
    %sub3A_410 = arith.constant 0 : i32
    %sub3A_411 = arith.subi %sub3A_409, %sub3A_410 : i32
    %multiple_of3A_412 = tpu.assume_multiple %sub3A_411, 8 : i32
    %dma_start3A_413 = arith.constant 0 : i32
    %dma_start3A_414 = arith.constant 15 : i32
    %dma_start3A_415 = arith.constant 0 : i32
    %dma_start3A_416 = arith.constant 0 : i32
    %dma_start3A_417 = tpu.memref_slice %arg4[%dma_start3A_414, %dma_start3A_415, %dma_start3A_416] : memref<16x64x32xf32, #tpu.memory_space<vmem>> -> memref<1x63x32xf32, #tpu.memory_space<vmem>>
    %dma_start3A_418 = tpu.memref_squeeze %dma_start3A_417 : memref<1x63x32xf32, #tpu.memory_space<vmem>> -> memref<63x32xf32, #tpu.memory_space<vmem>>
    %dma_start3A_419 = arith.constant 0 : i32
    %dma_start3A_420 = tpu.memref_slice %arg2[%select_n3A, %dma_start3A_413, %dma_start3A_419, %multiple_of3A_412] : memref<16x8x63x64xf32, #tpu.memory_space<hbm>> -> memref<1x1x63x32xf32, #tpu.memory_space<hbm>>
    %dma_start3A_421 = tpu.memref_squeeze %dma_start3A_420 : memref<1x1x63x32xf32, #tpu.memory_space<hbm>> -> memref<63x32xf32, #tpu.memory_space<hbm>>
    %dma_start3A_422 = arith.constant 0 : i32
    %dma_start3A_423 = arith.constant 0 : i32
    %dma_start3A_424 = tpu.memref_slice %arg4[%dma_start3A_414, %dma_start3A_422, %dma_start3A_423] : memref<16x64x32xf32, #tpu.memory_space<vmem>> -> memref<1x63x32xf32, #tpu.memory_space<vmem>>
    %dma_start3A_425 = tpu.memref_squeeze %dma_start3A_424 : memref<1x63x32xf32, #tpu.memory_space<vmem>> -> memref<63x32xf32, #tpu.memory_space<vmem>>
    %dma_start3A_426 = arith.constant 0 : i32
    %dma_start3A_427 = tpu.memref_slice %arg2[%select_n3A, %dma_start3A_413, %dma_start3A_426, %multiple_of3A_412] : memref<16x8x63x64xf32, #tpu.memory_space<hbm>> -> memref<1x1x63x32xf32, #tpu.memory_space<hbm>>
    %dma_start3A_428 = tpu.memref_squeeze %dma_start3A_427 : memref<1x1x63x32xf32, #tpu.memory_space<hbm>> -> memref<63x32xf32, #tpu.memory_space<hbm>>
    tpu.enqueue_dma source(%dma_start3A_428 : memref<63x32xf32, #tpu.memory_space<hbm>>) target(%dma_start3A_425 : memref<63x32xf32, #tpu.memory_space<vmem>>) target_semaphore(%arg5 : memref<!tpu.dma_semaphore, #tpu.memory_space<semaphore_mem>>)
    %dma_wait3A = arith.constant 7 : i32
    %dma_wait3A_429 = arith.constant 0 : i32
    %dma_wait3A_430 = arith.constant 0 : i32
    %dma_wait3A_431 = arith.constant 0 : i32
    %dma_wait3A_432 = tpu.memref_slice %arg4[%dma_wait3A_429, %dma_wait3A_430, %dma_wait3A_431] : memref<16x64x32xf32, #tpu.memory_space<vmem>> -> memref<1x63x32xf32, #tpu.memory_space<vmem>>
    %dma_wait3A_433 = tpu.memref_squeeze %dma_wait3A_432 : memref<1x63x32xf32, #tpu.memory_space<vmem>> -> memref<63x32xf32, #tpu.memory_space<vmem>>
    %dma_wait3A_434 = arith.constant 0 : i32
    %dma_wait3A_435 = tpu.memref_slice %arg2[%select_n3A, %dma_wait3A, %dma_wait3A_434, %multiple_of3A] : memref<16x8x63x64xf32, #tpu.memory_space<hbm>> -> memref<1x1x63x32xf32, #tpu.memory_space<hbm>>
    %dma_wait3A_436 = tpu.memref_squeeze %dma_wait3A_435 : memref<1x1x63x32xf32, #tpu.memory_space<hbm>> -> memref<63x32xf32, #tpu.memory_space<hbm>>
    %dma_wait3A_437 = arith.constant 0 : i32
    %dma_wait3A_438 = arith.constant 0 : i32
    %dma_wait3A_439 = tpu.memref_slice %arg4[%dma_wait3A_429, %dma_wait3A_437, %dma_wait3A_438] : memref<16x64x32xf32, #tpu.memory_space<vmem>> -> memref<1x63x32xf32, #tpu.memory_space<vmem>>
    %dma_wait3A_440 = tpu.memref_squeeze %dma_wait3A_439 : memref<1x63x32xf32, #tpu.memory_space<vmem>> -> memref<63x32xf32, #tpu.memory_space<vmem>>
    %dma_wait3A_441 = arith.constant 0 : i32
    %dma_wait3A_442 = tpu.memref_slice %arg2[%select_n3A, %dma_wait3A, %dma_wait3A_441, %multiple_of3A] : memref<16x8x63x64xf32, #tpu.memory_space<hbm>> -> memref<1x1x63x32xf32, #tpu.memory_space<hbm>>
    %dma_wait3A_443 = tpu.memref_squeeze %dma_wait3A_442 : memref<1x1x63x32xf32, #tpu.memory_space<hbm>> -> memref<63x32xf32, #tpu.memory_space<hbm>>
    tpu.wait_dma2 semaphore(%arg5 : memref<!tpu.dma_semaphore, #tpu.memory_space<semaphore_mem>>) src(%dma_wait3A_443 : memref<63x32xf32, #tpu.memory_space<hbm>>) dst(%dma_wait3A_440 : memref<63x32xf32, #tpu.memory_space<vmem>>)
    %dma_wait3A_444 = arith.constant 6 : i32
    %dma_wait3A_445 = arith.constant 1 : i32
    %dma_wait3A_446 = arith.constant 0 : i32
    %dma_wait3A_447 = arith.constant 0 : i32
    %dma_wait3A_448 = tpu.memref_slice %arg4[%dma_wait3A_445, %dma_wait3A_446, %dma_wait3A_447] : memref<16x64x32xf32, #tpu.memory_space<vmem>> -> memref<1x63x32xf32, #tpu.memory_space<vmem>>
    %dma_wait3A_449 = tpu.memref_squeeze %dma_wait3A_448 : memref<1x63x32xf32, #tpu.memory_space<vmem>> -> memref<63x32xf32, #tpu.memory_space<vmem>>
    %dma_wait3A_450 = arith.constant 0 : i32
    %dma_wait3A_451 = tpu.memref_slice %arg2[%select_n3A, %dma_wait3A_444, %dma_wait3A_450, %multiple_of3A_62] : memref<16x8x63x64xf32, #tpu.memory_space<hbm>> -> memref<1x1x63x32xf32, #tpu.memory_space<hbm>>
    %dma_wait3A_452 = tpu.memref_squeeze %dma_wait3A_451 : memref<1x1x63x32xf32, #tpu.memory_space<hbm>> -> memref<63x32xf32, #tpu.memory_space<hbm>>
    %dma_wait3A_453 = arith.constant 0 : i32
    %dma_wait3A_454 = arith.constant 0 : i32
    %dma_wait3A_455 = tpu.memref_slice %arg4[%dma_wait3A_445, %dma_wait3A_453, %dma_wait3A_454] : memref<16x64x32xf32, #tpu.memory_space<vmem>> -> memref<1x63x32xf32, #tpu.memory_space<vmem>>
    %dma_wait3A_456 = tpu.memref_squeeze %dma_wait3A_455 : memref<1x63x32xf32, #tpu.memory_space<vmem>> -> memref<63x32xf32, #tpu.memory_space<vmem>>
    %dma_wait3A_457 = arith.constant 0 : i32
    %dma_wait3A_458 = tpu.memref_slice %arg2[%select_n3A, %dma_wait3A_444, %dma_wait3A_457, %multiple_of3A_62] : memref<16x8x63x64xf32, #tpu.memory_space<hbm>> -> memref<1x1x63x32xf32, #tpu.memory_space<hbm>>
    %dma_wait3A_459 = tpu.memref_squeeze %dma_wait3A_458 : memref<1x1x63x32xf32, #tpu.memory_space<hbm>> -> memref<63x32xf32, #tpu.memory_space<hbm>>
    tpu.wait_dma2 semaphore(%arg5 : memref<!tpu.dma_semaphore, #tpu.memory_space<semaphore_mem>>) src(%dma_wait3A_459 : memref<63x32xf32, #tpu.memory_space<hbm>>) dst(%dma_wait3A_456 : memref<63x32xf32, #tpu.memory_space<vmem>>)
    %dma_wait3A_460 = arith.constant 5 : i32
    %dma_wait3A_461 = arith.constant 2 : i32
    %dma_wait3A_462 = arith.constant 0 : i32
    %dma_wait3A_463 = arith.constant 0 : i32
    %dma_wait3A_464 = tpu.memref_slice %arg4[%dma_wait3A_461, %dma_wait3A_462, %dma_wait3A_463] : memref<16x64x32xf32, #tpu.memory_space<vmem>> -> memref<1x63x32xf32, #tpu.memory_space<vmem>>
    %dma_wait3A_465 = tpu.memref_squeeze %dma_wait3A_464 : memref<1x63x32xf32, #tpu.memory_space<vmem>> -> memref<63x32xf32, #tpu.memory_space<vmem>>
    %dma_wait3A_466 = arith.constant 0 : i32
    %dma_wait3A_467 = tpu.memref_slice %arg2[%select_n3A, %dma_wait3A_460, %dma_wait3A_466, %multiple_of3A_87] : memref<16x8x63x64xf32, #tpu.memory_space<hbm>> -> memref<1x1x63x32xf32, #tpu.memory_space<hbm>>
    %dma_wait3A_468 = tpu.memref_squeeze %dma_wait3A_467 : memref<1x1x63x32xf32, #tpu.memory_space<hbm>> -> memref<63x32xf32, #tpu.memory_space<hbm>>
    %dma_wait3A_469 = arith.constant 0 : i32
    %dma_wait3A_470 = arith.constant 0 : i32
    %dma_wait3A_471 = tpu.memref_slice %arg4[%dma_wait3A_461, %dma_wait3A_469, %dma_wait3A_470] : memref<16x64x32xf32, #tpu.memory_space<vmem>> -> memref<1x63x32xf32, #tpu.memory_space<vmem>>
    %dma_wait3A_472 = tpu.memref_squeeze %dma_wait3A_471 : memref<1x63x32xf32, #tpu.memory_space<vmem>> -> memref<63x32xf32, #tpu.memory_space<vmem>>
    %dma_wait3A_473 = arith.constant 0 : i32
    %dma_wait3A_474 = tpu.memref_slice %arg2[%select_n3A, %dma_wait3A_460, %dma_wait3A_473, %multiple_of3A_87] : memref<16x8x63x64xf32, #tpu.memory_space<hbm>> -> memref<1x1x63x32xf32, #tpu.memory_space<hbm>>
    %dma_wait3A_475 = tpu.memref_squeeze %dma_wait3A_474 : memref<1x1x63x32xf32, #tpu.memory_space<hbm>> -> memref<63x32xf32, #tpu.memory_space<hbm>>
    tpu.wait_dma2 semaphore(%arg5 : memref<!tpu.dma_semaphore, #tpu.memory_space<semaphore_mem>>) src(%dma_wait3A_475 : memref<63x32xf32, #tpu.memory_space<hbm>>) dst(%dma_wait3A_472 : memref<63x32xf32, #tpu.memory_space<vmem>>)
    %dma_wait3A_476 = arith.constant 4 : i32
    %dma_wait3A_477 = arith.constant 3 : i32
    %dma_wait3A_478 = arith.constant 0 : i32
    %dma_wait3A_479 = arith.constant 0 : i32
    %dma_wait3A_480 = tpu.memref_slice %arg4[%dma_wait3A_477, %dma_wait3A_478, %dma_wait3A_479] : memref<16x64x32xf32, #tpu.memory_space<vmem>> -> memref<1x63x32xf32, #tpu.memory_space<vmem>>
    %dma_wait3A_481 = tpu.memref_squeeze %dma_wait3A_480 : memref<1x63x32xf32, #tpu.memory_space<vmem>> -> memref<63x32xf32, #tpu.memory_space<vmem>>
    %dma_wait3A_482 = arith.constant 0 : i32
    %dma_wait3A_483 = tpu.memref_slice %arg2[%select_n3A, %dma_wait3A_476, %dma_wait3A_482, %multiple_of3A_112] : memref<16x8x63x64xf32, #tpu.memory_space<hbm>> -> memref<1x1x63x32xf32, #tpu.memory_space<hbm>>
    %dma_wait3A_484 = tpu.memref_squeeze %dma_wait3A_483 : memref<1x1x63x32xf32, #tpu.memory_space<hbm>> -> memref<63x32xf32, #tpu.memory_space<hbm>>
    %dma_wait3A_485 = arith.constant 0 : i32
    %dma_wait3A_486 = arith.constant 0 : i32
    %dma_wait3A_487 = tpu.memref_slice %arg4[%dma_wait3A_477, %dma_wait3A_485, %dma_wait3A_486] : memref<16x64x32xf32, #tpu.memory_space<vmem>> -> memref<1x63x32xf32, #tpu.memory_space<vmem>>
    %dma_wait3A_488 = tpu.memref_squeeze %dma_wait3A_487 : memref<1x63x32xf32, #tpu.memory_space<vmem>> -> memref<63x32xf32, #tpu.memory_space<vmem>>
    %dma_wait3A_489 = arith.constant 0 : i32
    %dma_wait3A_490 = tpu.memref_slice %arg2[%select_n3A, %dma_wait3A_476, %dma_wait3A_489, %multiple_of3A_112] : memref<16x8x63x64xf32, #tpu.memory_space<hbm>> -> memref<1x1x63x32xf32, #tpu.memory_space<hbm>>
    %dma_wait3A_491 = tpu.memref_squeeze %dma_wait3A_490 : memref<1x1x63x32xf32, #tpu.memory_space<hbm>> -> memref<63x32xf32, #tpu.memory_space<hbm>>
    tpu.wait_dma2 semaphore(%arg5 : memref<!tpu.dma_semaphore, #tpu.memory_space<semaphore_mem>>) src(%dma_wait3A_491 : memref<63x32xf32, #tpu.memory_space<hbm>>) dst(%dma_wait3A_488 : memref<63x32xf32, #tpu.memory_space<vmem>>)
    %dma_wait3A_492 = arith.constant 3 : i32
    %dma_wait3A_493 = arith.constant 4 : i32
    %dma_wait3A_494 = arith.constant 0 : i32
    %dma_wait3A_495 = arith.constant 0 : i32
    %dma_wait3A_496 = tpu.memref_slice %arg4[%dma_wait3A_493, %dma_wait3A_494, %dma_wait3A_495] : memref<16x64x32xf32, #tpu.memory_space<vmem>> -> memref<1x63x32xf32, #tpu.memory_space<vmem>>
    %dma_wait3A_497 = tpu.memref_squeeze %dma_wait3A_496 : memref<1x63x32xf32, #tpu.memory_space<vmem>> -> memref<63x32xf32, #tpu.memory_space<vmem>>
    %dma_wait3A_498 = arith.constant 0 : i32
    %dma_wait3A_499 = tpu.memref_slice %arg2[%select_n3A, %dma_wait3A_492, %dma_wait3A_498, %multiple_of3A_137] : memref<16x8x63x64xf32, #tpu.memory_space<hbm>> -> memref<1x1x63x32xf32, #tpu.memory_space<hbm>>
    %dma_wait3A_500 = tpu.memref_squeeze %dma_wait3A_499 : memref<1x1x63x32xf32, #tpu.memory_space<hbm>> -> memref<63x32xf32, #tpu.memory_space<hbm>>
    %dma_wait3A_501 = arith.constant 0 : i32
    %dma_wait3A_502 = arith.constant 0 : i32
    %dma_wait3A_503 = tpu.memref_slice %arg4[%dma_wait3A_493, %dma_wait3A_501, %dma_wait3A_502] : memref<16x64x32xf32, #tpu.memory_space<vmem>> -> memref<1x63x32xf32, #tpu.memory_space<vmem>>
    %dma_wait3A_504 = tpu.memref_squeeze %dma_wait3A_503 : memref<1x63x32xf32, #tpu.memory_space<vmem>> -> memref<63x32xf32, #tpu.memory_space<vmem>>
    %dma_wait3A_505 = arith.constant 0 : i32
    %dma_wait3A_506 = tpu.memref_slice %arg2[%select_n3A, %dma_wait3A_492, %dma_wait3A_505, %multiple_of3A_137] : memref<16x8x63x64xf32, #tpu.memory_space<hbm>> -> memref<1x1x63x32xf32, #tpu.memory_space<hbm>>
    %dma_wait3A_507 = tpu.memref_squeeze %dma_wait3A_506 : memref<1x1x63x32xf32, #tpu.memory_space<hbm>> -> memref<63x32xf32, #tpu.memory_space<hbm>>
    tpu.wait_dma2 semaphore(%arg5 : memref<!tpu.dma_semaphore, #tpu.memory_space<semaphore_mem>>) src(%dma_wait3A_507 : memref<63x32xf32, #tpu.memory_space<hbm>>) dst(%dma_wait3A_504 : memref<63x32xf32, #tpu.memory_space<vmem>>)
    %dma_wait3A_508 = arith.constant 2 : i32
    %dma_wait3A_509 = arith.constant 5 : i32
    %dma_wait3A_510 = arith.constant 0 : i32
    %dma_wait3A_511 = arith.constant 0 : i32
    %dma_wait3A_512 = tpu.memref_slice %arg4[%dma_wait3A_509, %dma_wait3A_510, %dma_wait3A_511] : memref<16x64x32xf32, #tpu.memory_space<vmem>> -> memref<1x63x32xf32, #tpu.memory_space<vmem>>
    %dma_wait3A_513 = tpu.memref_squeeze %dma_wait3A_512 : memref<1x63x32xf32, #tpu.memory_space<vmem>> -> memref<63x32xf32, #tpu.memory_space<vmem>>
    %dma_wait3A_514 = arith.constant 0 : i32
    %dma_wait3A_515 = tpu.memref_slice %arg2[%select_n3A, %dma_wait3A_508, %dma_wait3A_514, %multiple_of3A_162] : memref<16x8x63x64xf32, #tpu.memory_space<hbm>> -> memref<1x1x63x32xf32, #tpu.memory_space<hbm>>
    %dma_wait3A_516 = tpu.memref_squeeze %dma_wait3A_515 : memref<1x1x63x32xf32, #tpu.memory_space<hbm>> -> memref<63x32xf32, #tpu.memory_space<hbm>>
    %dma_wait3A_517 = arith.constant 0 : i32
    %dma_wait3A_518 = arith.constant 0 : i32
    %dma_wait3A_519 = tpu.memref_slice %arg4[%dma_wait3A_509, %dma_wait3A_517, %dma_wait3A_518] : memref<16x64x32xf32, #tpu.memory_space<vmem>> -> memref<1x63x32xf32, #tpu.memory_space<vmem>>
    %dma_wait3A_520 = tpu.memref_squeeze %dma_wait3A_519 : memref<1x63x32xf32, #tpu.memory_space<vmem>> -> memref<63x32xf32, #tpu.memory_space<vmem>>
    %dma_wait3A_521 = arith.constant 0 : i32
    %dma_wait3A_522 = tpu.memref_slice %arg2[%select_n3A, %dma_wait3A_508, %dma_wait3A_521, %multiple_of3A_162] : memref<16x8x63x64xf32, #tpu.memory_space<hbm>> -> memref<1x1x63x32xf32, #tpu.memory_space<hbm>>
    %dma_wait3A_523 = tpu.memref_squeeze %dma_wait3A_522 : memref<1x1x63x32xf32, #tpu.memory_space<hbm>> -> memref<63x32xf32, #tpu.memory_space<hbm>>
    tpu.wait_dma2 semaphore(%arg5 : memref<!tpu.dma_semaphore, #tpu.memory_space<semaphore_mem>>) src(%dma_wait3A_523 : memref<63x32xf32, #tpu.memory_space<hbm>>) dst(%dma_wait3A_520 : memref<63x32xf32, #tpu.memory_space<vmem>>)
    %dma_wait3A_524 = arith.constant 1 : i32
    %dma_wait3A_525 = arith.constant 6 : i32
    %dma_wait3A_526 = arith.constant 0 : i32
    %dma_wait3A_527 = arith.constant 0 : i32
    %dma_wait3A_528 = tpu.memref_slice %arg4[%dma_wait3A_525, %dma_wait3A_526, %dma_wait3A_527] : memref<16x64x32xf32, #tpu.memory_space<vmem>> -> memref<1x63x32xf32, #tpu.memory_space<vmem>>
    %dma_wait3A_529 = tpu.memref_squeeze %dma_wait3A_528 : memref<1x63x32xf32, #tpu.memory_space<vmem>> -> memref<63x32xf32, #tpu.memory_space<vmem>>
    %dma_wait3A_530 = arith.constant 0 : i32
    %dma_wait3A_531 = tpu.memref_slice %arg2[%select_n3A, %dma_wait3A_524, %dma_wait3A_530, %multiple_of3A_187] : memref<16x8x63x64xf32, #tpu.memory_space<hbm>> -> memref<1x1x63x32xf32, #tpu.memory_space<hbm>>
    %dma_wait3A_532 = tpu.memref_squeeze %dma_wait3A_531 : memref<1x1x63x32xf32, #tpu.memory_space<hbm>> -> memref<63x32xf32, #tpu.memory_space<hbm>>
    %dma_wait3A_533 = arith.constant 0 : i32
    %dma_wait3A_534 = arith.constant 0 : i32
    %dma_wait3A_535 = tpu.memref_slice %arg4[%dma_wait3A_525, %dma_wait3A_533, %dma_wait3A_534] : memref<16x64x32xf32, #tpu.memory_space<vmem>> -> memref<1x63x32xf32, #tpu.memory_space<vmem>>
    %dma_wait3A_536 = tpu.memref_squeeze %dma_wait3A_535 : memref<1x63x32xf32, #tpu.memory_space<vmem>> -> memref<63x32xf32, #tpu.memory_space<vmem>>
    %dma_wait3A_537 = arith.constant 0 : i32
    %dma_wait3A_538 = tpu.memref_slice %arg2[%select_n3A, %dma_wait3A_524, %dma_wait3A_537, %multiple_of3A_187] : memref<16x8x63x64xf32, #tpu.memory_space<hbm>> -> memref<1x1x63x32xf32, #tpu.memory_space<hbm>>
    %dma_wait3A_539 = tpu.memref_squeeze %dma_wait3A_538 : memref<1x1x63x32xf32, #tpu.memory_space<hbm>> -> memref<63x32xf32, #tpu.memory_space<hbm>>
    tpu.wait_dma2 semaphore(%arg5 : memref<!tpu.dma_semaphore, #tpu.memory_space<semaphore_mem>>) src(%dma_wait3A_539 : memref<63x32xf32, #tpu.memory_space<hbm>>) dst(%dma_wait3A_536 : memref<63x32xf32, #tpu.memory_space<vmem>>)
    %dma_wait3A_540 = arith.constant 0 : i32
    %dma_wait3A_541 = arith.constant 7 : i32
    %dma_wait3A_542 = arith.constant 0 : i32
    %dma_wait3A_543 = arith.constant 0 : i32
    %dma_wait3A_544 = tpu.memref_slice %arg4[%dma_wait3A_541, %dma_wait3A_542, %dma_wait3A_543] : memref<16x64x32xf32, #tpu.memory_space<vmem>> -> memref<1x63x32xf32, #tpu.memory_space<vmem>>
    %dma_wait3A_545 = tpu.memref_squeeze %dma_wait3A_544 : memref<1x63x32xf32, #tpu.memory_space<vmem>> -> memref<63x32xf32, #tpu.memory_space<vmem>>
    %dma_wait3A_546 = arith.constant 0 : i32
    %dma_wait3A_547 = tpu.memref_slice %arg2[%select_n3A, %dma_wait3A_540, %dma_wait3A_546, %multiple_of3A_212] : memref<16x8x63x64xf32, #tpu.memory_space<hbm>> -> memref<1x1x63x32xf32, #tpu.memory_space<hbm>>
    %dma_wait3A_548 = tpu.memref_squeeze %dma_wait3A_547 : memref<1x1x63x32xf32, #tpu.memory_space<hbm>> -> memref<63x32xf32, #tpu.memory_space<hbm>>
    %dma_wait3A_549 = arith.constant 0 : i32
    %dma_wait3A_550 = arith.constant 0 : i32
    %dma_wait3A_551 = tpu.memref_slice %arg4[%dma_wait3A_541, %dma_wait3A_549, %dma_wait3A_550] : memref<16x64x32xf32, #tpu.memory_space<vmem>> -> memref<1x63x32xf32, #tpu.memory_space<vmem>>
    %dma_wait3A_552 = tpu.memref_squeeze %dma_wait3A_551 : memref<1x63x32xf32, #tpu.memory_space<vmem>> -> memref<63x32xf32, #tpu.memory_space<vmem>>
    %dma_wait3A_553 = arith.constant 0 : i32
    %dma_wait3A_554 = tpu.memref_slice %arg2[%select_n3A, %dma_wait3A_540, %dma_wait3A_553, %multiple_of3A_212] : memref<16x8x63x64xf32, #tpu.memory_space<hbm>> -> memref<1x1x63x32xf32, #tpu.memory_space<hbm>>
    %dma_wait3A_555 = tpu.memref_squeeze %dma_wait3A_554 : memref<1x1x63x32xf32, #tpu.memory_space<hbm>> -> memref<63x32xf32, #tpu.memory_space<hbm>>
    tpu.wait_dma2 semaphore(%arg5 : memref<!tpu.dma_semaphore, #tpu.memory_space<semaphore_mem>>) src(%dma_wait3A_555 : memref<63x32xf32, #tpu.memory_space<hbm>>) dst(%dma_wait3A_552 : memref<63x32xf32, #tpu.memory_space<vmem>>)
    %dma_wait3A_556 = arith.constant 7 : i32
    %dma_wait3A_557 = arith.constant 8 : i32
    %dma_wait3A_558 = arith.constant 0 : i32
    %dma_wait3A_559 = arith.constant 0 : i32
    %dma_wait3A_560 = tpu.memref_slice %arg4[%dma_wait3A_557, %dma_wait3A_558, %dma_wait3A_559] : memref<16x64x32xf32, #tpu.memory_space<vmem>> -> memref<1x63x32xf32, #tpu.memory_space<vmem>>
    %dma_wait3A_561 = tpu.memref_squeeze %dma_wait3A_560 : memref<1x63x32xf32, #tpu.memory_space<vmem>> -> memref<63x32xf32, #tpu.memory_space<vmem>>
    %dma_wait3A_562 = arith.constant 0 : i32
    %dma_wait3A_563 = tpu.memref_slice %arg2[%select_n3A, %dma_wait3A_556, %dma_wait3A_562, %multiple_of3A_237] : memref<16x8x63x64xf32, #tpu.memory_space<hbm>> -> memref<1x1x63x32xf32, #tpu.memory_space<hbm>>
    %dma_wait3A_564 = tpu.memref_squeeze %dma_wait3A_563 : memref<1x1x63x32xf32, #tpu.memory_space<hbm>> -> memref<63x32xf32, #tpu.memory_space<hbm>>
    %dma_wait3A_565 = arith.constant 0 : i32
    %dma_wait3A_566 = arith.constant 0 : i32
    %dma_wait3A_567 = tpu.memref_slice %arg4[%dma_wait3A_557, %dma_wait3A_565, %dma_wait3A_566] : memref<16x64x32xf32, #tpu.memory_space<vmem>> -> memref<1x63x32xf32, #tpu.memory_space<vmem>>
    %dma_wait3A_568 = tpu.memref_squeeze %dma_wait3A_567 : memref<1x63x32xf32, #tpu.memory_space<vmem>> -> memref<63x32xf32, #tpu.memory_space<vmem>>
    %dma_wait3A_569 = arith.constant 0 : i32
    %dma_wait3A_570 = tpu.memref_slice %arg2[%select_n3A, %dma_wait3A_556, %dma_wait3A_569, %multiple_of3A_237] : memref<16x8x63x64xf32, #tpu.memory_space<hbm>> -> memref<1x1x63x32xf32, #tpu.memory_space<hbm>>
    %dma_wait3A_571 = tpu.memref_squeeze %dma_wait3A_570 : memref<1x1x63x32xf32, #tpu.memory_space<hbm>> -> memref<63x32xf32, #tpu.memory_space<hbm>>
    tpu.wait_dma2 semaphore(%arg5 : memref<!tpu.dma_semaphore, #tpu.memory_space<semaphore_mem>>) src(%dma_wait3A_571 : memref<63x32xf32, #tpu.memory_space<hbm>>) dst(%dma_wait3A_568 : memref<63x32xf32, #tpu.memory_space<vmem>>)
    %dma_wait3A_572 = arith.constant 6 : i32
    %dma_wait3A_573 = arith.constant 9 : i32
    %dma_wait3A_574 = arith.constant 0 : i32
    %dma_wait3A_575 = arith.constant 0 : i32
    %dma_wait3A_576 = tpu.memref_slice %arg4[%dma_wait3A_573, %dma_wait3A_574, %dma_wait3A_575] : memref<16x64x32xf32, #tpu.memory_space<vmem>> -> memref<1x63x32xf32, #tpu.memory_space<vmem>>
    %dma_wait3A_577 = tpu.memref_squeeze %dma_wait3A_576 : memref<1x63x32xf32, #tpu.memory_space<vmem>> -> memref<63x32xf32, #tpu.memory_space<vmem>>
    %dma_wait3A_578 = arith.constant 0 : i32
    %dma_wait3A_579 = tpu.memref_slice %arg2[%select_n3A, %dma_wait3A_572, %dma_wait3A_578, %multiple_of3A_262] : memref<16x8x63x64xf32, #tpu.memory_space<hbm>> -> memref<1x1x63x32xf32, #tpu.memory_space<hbm>>
    %dma_wait3A_580 = tpu.memref_squeeze %dma_wait3A_579 : memref<1x1x63x32xf32, #tpu.memory_space<hbm>> -> memref<63x32xf32, #tpu.memory_space<hbm>>
    %dma_wait3A_581 = arith.constant 0 : i32
    %dma_wait3A_582 = arith.constant 0 : i32
    %dma_wait3A_583 = tpu.memref_slice %arg4[%dma_wait3A_573, %dma_wait3A_581, %dma_wait3A_582] : memref<16x64x32xf32, #tpu.memory_space<vmem>> -> memref<1x63x32xf32, #tpu.memory_space<vmem>>
    %dma_wait3A_584 = tpu.memref_squeeze %dma_wait3A_583 : memref<1x63x32xf32, #tpu.memory_space<vmem>> -> memref<63x32xf32, #tpu.memory_space<vmem>>
    %dma_wait3A_585 = arith.constant 0 : i32
    %dma_wait3A_586 = tpu.memref_slice %arg2[%select_n3A, %dma_wait3A_572, %dma_wait3A_585, %multiple_of3A_262] : memref<16x8x63x64xf32, #tpu.memory_space<hbm>> -> memref<1x1x63x32xf32, #tpu.memory_space<hbm>>
    %dma_wait3A_587 = tpu.memref_squeeze %dma_wait3A_586 : memref<1x1x63x32xf32, #tpu.memory_space<hbm>> -> memref<63x32xf32, #tpu.memory_space<hbm>>
    tpu.wait_dma2 semaphore(%arg5 : memref<!tpu.dma_semaphore, #tpu.memory_space<semaphore_mem>>) src(%dma_wait3A_587 : memref<63x32xf32, #tpu.memory_space<hbm>>) dst(%dma_wait3A_584 : memref<63x32xf32, #tpu.memory_space<vmem>>)
    %dma_wait3A_588 = arith.constant 5 : i32
    %dma_wait3A_589 = arith.constant 10 : i32
    %dma_wait3A_590 = arith.constant 0 : i32
    %dma_wait3A_591 = arith.constant 0 : i32
    %dma_wait3A_592 = tpu.memref_slice %arg4[%dma_wait3A_589, %dma_wait3A_590, %dma_wait3A_591] : memref<16x64x32xf32, #tpu.memory_space<vmem>> -> memref<1x63x32xf32, #tpu.memory_space<vmem>>
    %dma_wait3A_593 = tpu.memref_squeeze %dma_wait3A_592 : memref<1x63x32xf32, #tpu.memory_space<vmem>> -> memref<63x32xf32, #tpu.memory_space<vmem>>
    %dma_wait3A_594 = arith.constant 0 : i32
    %dma_wait3A_595 = tpu.memref_slice %arg2[%select_n3A, %dma_wait3A_588, %dma_wait3A_594, %multiple_of3A_287] : memref<16x8x63x64xf32, #tpu.memory_space<hbm>> -> memref<1x1x63x32xf32, #tpu.memory_space<hbm>>
    %dma_wait3A_596 = tpu.memref_squeeze %dma_wait3A_595 : memref<1x1x63x32xf32, #tpu.memory_space<hbm>> -> memref<63x32xf32, #tpu.memory_space<hbm>>
    %dma_wait3A_597 = arith.constant 0 : i32
    %dma_wait3A_598 = arith.constant 0 : i32
    %dma_wait3A_599 = tpu.memref_slice %arg4[%dma_wait3A_589, %dma_wait3A_597, %dma_wait3A_598] : memref<16x64x32xf32, #tpu.memory_space<vmem>> -> memref<1x63x32xf32, #tpu.memory_space<vmem>>
    %dma_wait3A_600 = tpu.memref_squeeze %dma_wait3A_599 : memref<1x63x32xf32, #tpu.memory_space<vmem>> -> memref<63x32xf32, #tpu.memory_space<vmem>>
    %dma_wait3A_601 = arith.constant 0 : i32
    %dma_wait3A_602 = tpu.memref_slice %arg2[%select_n3A, %dma_wait3A_588, %dma_wait3A_601, %multiple_of3A_287] : memref<16x8x63x64xf32, #tpu.memory_space<hbm>> -> memref<1x1x63x32xf32, #tpu.memory_space<hbm>>
    %dma_wait3A_603 = tpu.memref_squeeze %dma_wait3A_602 : memref<1x1x63x32xf32, #tpu.memory_space<hbm>> -> memref<63x32xf32, #tpu.memory_space<hbm>>
    tpu.wait_dma2 semaphore(%arg5 : memref<!tpu.dma_semaphore, #tpu.memory_space<semaphore_mem>>) src(%dma_wait3A_603 : memref<63x32xf32, #tpu.memory_space<hbm>>) dst(%dma_wait3A_600 : memref<63x32xf32, #tpu.memory_space<vmem>>)
    %dma_wait3A_604 = arith.constant 4 : i32
    %dma_wait3A_605 = arith.constant 11 : i32
    %dma_wait3A_606 = arith.constant 0 : i32
    %dma_wait3A_607 = arith.constant 0 : i32
    %dma_wait3A_608 = tpu.memref_slice %arg4[%dma_wait3A_605, %dma_wait3A_606, %dma_wait3A_607] : memref<16x64x32xf32, #tpu.memory_space<vmem>> -> memref<1x63x32xf32, #tpu.memory_space<vmem>>
    %dma_wait3A_609 = tpu.memref_squeeze %dma_wait3A_608 : memref<1x63x32xf32, #tpu.memory_space<vmem>> -> memref<63x32xf32, #tpu.memory_space<vmem>>
    %dma_wait3A_610 = arith.constant 0 : i32
    %dma_wait3A_611 = tpu.memref_slice %arg2[%select_n3A, %dma_wait3A_604, %dma_wait3A_610, %multiple_of3A_312] : memref<16x8x63x64xf32, #tpu.memory_space<hbm>> -> memref<1x1x63x32xf32, #tpu.memory_space<hbm>>
    %dma_wait3A_612 = tpu.memref_squeeze %dma_wait3A_611 : memref<1x1x63x32xf32, #tpu.memory_space<hbm>> -> memref<63x32xf32, #tpu.memory_space<hbm>>
    %dma_wait3A_613 = arith.constant 0 : i32
    %dma_wait3A_614 = arith.constant 0 : i32
    %dma_wait3A_615 = tpu.memref_slice %arg4[%dma_wait3A_605, %dma_wait3A_613, %dma_wait3A_614] : memref<16x64x32xf32, #tpu.memory_space<vmem>> -> memref<1x63x32xf32, #tpu.memory_space<vmem>>
    %dma_wait3A_616 = tpu.memref_squeeze %dma_wait3A_615 : memref<1x63x32xf32, #tpu.memory_space<vmem>> -> memref<63x32xf32, #tpu.memory_space<vmem>>
    %dma_wait3A_617 = arith.constant 0 : i32
    %dma_wait3A_618 = tpu.memref_slice %arg2[%select_n3A, %dma_wait3A_604, %dma_wait3A_617, %multiple_of3A_312] : memref<16x8x63x64xf32, #tpu.memory_space<hbm>> -> memref<1x1x63x32xf32, #tpu.memory_space<hbm>>
    %dma_wait3A_619 = tpu.memref_squeeze %dma_wait3A_618 : memref<1x1x63x32xf32, #tpu.memory_space<hbm>> -> memref<63x32xf32, #tpu.memory_space<hbm>>
    tpu.wait_dma2 semaphore(%arg5 : memref<!tpu.dma_semaphore, #tpu.memory_space<semaphore_mem>>) src(%dma_wait3A_619 : memref<63x32xf32, #tpu.memory_space<hbm>>) dst(%dma_wait3A_616 : memref<63x32xf32, #tpu.memory_space<vmem>>)
    %dma_wait3A_620 = arith.constant 3 : i32
    %dma_wait3A_621 = arith.constant 12 : i32
    %dma_wait3A_622 = arith.constant 0 : i32
    %dma_wait3A_623 = arith.constant 0 : i32
    %dma_wait3A_624 = tpu.memref_slice %arg4[%dma_wait3A_621, %dma_wait3A_622, %dma_wait3A_623] : memref<16x64x32xf32, #tpu.memory_space<vmem>> -> memref<1x63x32xf32, #tpu.memory_space<vmem>>
    %dma_wait3A_625 = tpu.memref_squeeze %dma_wait3A_624 : memref<1x63x32xf32, #tpu.memory_space<vmem>> -> memref<63x32xf32, #tpu.memory_space<vmem>>
    %dma_wait3A_626 = arith.constant 0 : i32
    %dma_wait3A_627 = tpu.memref_slice %arg2[%select_n3A, %dma_wait3A_620, %dma_wait3A_626, %multiple_of3A_337] : memref<16x8x63x64xf32, #tpu.memory_space<hbm>> -> memref<1x1x63x32xf32, #tpu.memory_space<hbm>>
    %dma_wait3A_628 = tpu.memref_squeeze %dma_wait3A_627 : memref<1x1x63x32xf32, #tpu.memory_space<hbm>> -> memref<63x32xf32, #tpu.memory_space<hbm>>
    %dma_wait3A_629 = arith.constant 0 : i32
    %dma_wait3A_630 = arith.constant 0 : i32
    %dma_wait3A_631 = tpu.memref_slice %arg4[%dma_wait3A_621, %dma_wait3A_629, %dma_wait3A_630] : memref<16x64x32xf32, #tpu.memory_space<vmem>> -> memref<1x63x32xf32, #tpu.memory_space<vmem>>
    %dma_wait3A_632 = tpu.memref_squeeze %dma_wait3A_631 : memref<1x63x32xf32, #tpu.memory_space<vmem>> -> memref<63x32xf32, #tpu.memory_space<vmem>>
    %dma_wait3A_633 = arith.constant 0 : i32
    %dma_wait3A_634 = tpu.memref_slice %arg2[%select_n3A, %dma_wait3A_620, %dma_wait3A_633, %multiple_of3A_337] : memref<16x8x63x64xf32, #tpu.memory_space<hbm>> -> memref<1x1x63x32xf32, #tpu.memory_space<hbm>>
    %dma_wait3A_635 = tpu.memref_squeeze %dma_wait3A_634 : memref<1x1x63x32xf32, #tpu.memory_space<hbm>> -> memref<63x32xf32, #tpu.memory_space<hbm>>
    tpu.wait_dma2 semaphore(%arg5 : memref<!tpu.dma_semaphore, #tpu.memory_space<semaphore_mem>>) src(%dma_wait3A_635 : memref<63x32xf32, #tpu.memory_space<hbm>>) dst(%dma_wait3A_632 : memref<63x32xf32, #tpu.memory_space<vmem>>)
    %dma_wait3A_636 = arith.constant 2 : i32
    %dma_wait3A_637 = arith.constant 13 : i32
    %dma_wait3A_638 = arith.constant 0 : i32
    %dma_wait3A_639 = arith.constant 0 : i32
    %dma_wait3A_640 = tpu.memref_slice %arg4[%dma_wait3A_637, %dma_wait3A_638, %dma_wait3A_639] : memref<16x64x32xf32, #tpu.memory_space<vmem>> -> memref<1x63x32xf32, #tpu.memory_space<vmem>>
    %dma_wait3A_641 = tpu.memref_squeeze %dma_wait3A_640 : memref<1x63x32xf32, #tpu.memory_space<vmem>> -> memref<63x32xf32, #tpu.memory_space<vmem>>
    %dma_wait3A_642 = arith.constant 0 : i32
    %dma_wait3A_643 = tpu.memref_slice %arg2[%select_n3A, %dma_wait3A_636, %dma_wait3A_642, %multiple_of3A_362] : memref<16x8x63x64xf32, #tpu.memory_space<hbm>> -> memref<1x1x63x32xf32, #tpu.memory_space<hbm>>
    %dma_wait3A_644 = tpu.memref_squeeze %dma_wait3A_643 : memref<1x1x63x32xf32, #tpu.memory_space<hbm>> -> memref<63x32xf32, #tpu.memory_space<hbm>>
    %dma_wait3A_645 = arith.constant 0 : i32
    %dma_wait3A_646 = arith.constant 0 : i32
    %dma_wait3A_647 = tpu.memref_slice %arg4[%dma_wait3A_637, %dma_wait3A_645, %dma_wait3A_646] : memref<16x64x32xf32, #tpu.memory_space<vmem>> -> memref<1x63x32xf32, #tpu.memory_space<vmem>>
    %dma_wait3A_648 = tpu.memref_squeeze %dma_wait3A_647 : memref<1x63x32xf32, #tpu.memory_space<vmem>> -> memref<63x32xf32, #tpu.memory_space<vmem>>
    %dma_wait3A_649 = arith.constant 0 : i32
    %dma_wait3A_650 = tpu.memref_slice %arg2[%select_n3A, %dma_wait3A_636, %dma_wait3A_649, %multiple_of3A_362] : memref<16x8x63x64xf32, #tpu.memory_space<hbm>> -> memref<1x1x63x32xf32, #tpu.memory_space<hbm>>
    %dma_wait3A_651 = tpu.memref_squeeze %dma_wait3A_650 : memref<1x1x63x32xf32, #tpu.memory_space<hbm>> -> memref<63x32xf32, #tpu.memory_space<hbm>>
    tpu.wait_dma2 semaphore(%arg5 : memref<!tpu.dma_semaphore, #tpu.memory_space<semaphore_mem>>) src(%dma_wait3A_651 : memref<63x32xf32, #tpu.memory_space<hbm>>) dst(%dma_wait3A_648 : memref<63x32xf32, #tpu.memory_space<vmem>>)
    %dma_wait3A_652 = arith.constant 1 : i32
    %dma_wait3A_653 = arith.constant 14 : i32
    %dma_wait3A_654 = arith.constant 0 : i32
    %dma_wait3A_655 = arith.constant 0 : i32
    %dma_wait3A_656 = tpu.memref_slice %arg4[%dma_wait3A_653, %dma_wait3A_654, %dma_wait3A_655] : memref<16x64x32xf32, #tpu.memory_space<vmem>> -> memref<1x63x32xf32, #tpu.memory_space<vmem>>
    %dma_wait3A_657 = tpu.memref_squeeze %dma_wait3A_656 : memref<1x63x32xf32, #tpu.memory_space<vmem>> -> memref<63x32xf32, #tpu.memory_space<vmem>>
    %dma_wait3A_658 = arith.constant 0 : i32
    %dma_wait3A_659 = tpu.memref_slice %arg2[%select_n3A, %dma_wait3A_652, %dma_wait3A_658, %multiple_of3A_387] : memref<16x8x63x64xf32, #tpu.memory_space<hbm>> -> memref<1x1x63x32xf32, #tpu.memory_space<hbm>>
    %dma_wait3A_660 = tpu.memref_squeeze %dma_wait3A_659 : memref<1x1x63x32xf32, #tpu.memory_space<hbm>> -> memref<63x32xf32, #tpu.memory_space<hbm>>
    %dma_wait3A_661 = arith.constant 0 : i32
    %dma_wait3A_662 = arith.constant 0 : i32
    %dma_wait3A_663 = tpu.memref_slice %arg4[%dma_wait3A_653, %dma_wait3A_661, %dma_wait3A_662] : memref<16x64x32xf32, #tpu.memory_space<vmem>> -> memref<1x63x32xf32, #tpu.memory_space<vmem>>
    %dma_wait3A_664 = tpu.memref_squeeze %dma_wait3A_663 : memref<1x63x32xf32, #tpu.memory_space<vmem>> -> memref<63x32xf32, #tpu.memory_space<vmem>>
    %dma_wait3A_665 = arith.constant 0 : i32
    %dma_wait3A_666 = tpu.memref_slice %arg2[%select_n3A, %dma_wait3A_652, %dma_wait3A_665, %multiple_of3A_387] : memref<16x8x63x64xf32, #tpu.memory_space<hbm>> -> memref<1x1x63x32xf32, #tpu.memory_space<hbm>>
    %dma_wait3A_667 = tpu.memref_squeeze %dma_wait3A_666 : memref<1x1x63x32xf32, #tpu.memory_space<hbm>> -> memref<63x32xf32, #tpu.memory_space<hbm>>
    tpu.wait_dma2 semaphore(%arg5 : memref<!tpu.dma_semaphore, #tpu.memory_space<semaphore_mem>>) src(%dma_wait3A_667 : memref<63x32xf32, #tpu.memory_space<hbm>>) dst(%dma_wait3A_664 : memref<63x32xf32, #tpu.memory_space<vmem>>)
    %dma_wait3A_668 = arith.constant 0 : i32
    %dma_wait3A_669 = arith.constant 15 : i32
    %dma_wait3A_670 = arith.constant 0 : i32
    %dma_wait3A_671 = arith.constant 0 : i32
    %dma_wait3A_672 = tpu.memref_slice %arg4[%dma_wait3A_669, %dma_wait3A_670, %dma_wait3A_671] : memref<16x64x32xf32, #tpu.memory_space<vmem>> -> memref<1x63x32xf32, #tpu.memory_space<vmem>>
    %dma_wait3A_673 = tpu.memref_squeeze %dma_wait3A_672 : memref<1x63x32xf32, #tpu.memory_space<vmem>> -> memref<63x32xf32, #tpu.memory_space<vmem>>
    %dma_wait3A_674 = arith.constant 0 : i32
    %dma_wait3A_675 = tpu.memref_slice %arg2[%select_n3A, %dma_wait3A_668, %dma_wait3A_674, %multiple_of3A_412] : memref<16x8x63x64xf32, #tpu.memory_space<hbm>> -> memref<1x1x63x32xf32, #tpu.memory_space<hbm>>
    %dma_wait3A_676 = tpu.memref_squeeze %dma_wait3A_675 : memref<1x1x63x32xf32, #tpu.memory_space<hbm>> -> memref<63x32xf32, #tpu.memory_space<hbm>>
    %dma_wait3A_677 = arith.constant 0 : i32
    %dma_wait3A_678 = arith.constant 0 : i32
    %dma_wait3A_679 = tpu.memref_slice %arg4[%dma_wait3A_669, %dma_wait3A_677, %dma_wait3A_678] : memref<16x64x32xf32, #tpu.memory_space<vmem>> -> memref<1x63x32xf32, #tpu.memory_space<vmem>>
    %dma_wait3A_680 = tpu.memref_squeeze %dma_wait3A_679 : memref<1x63x32xf32, #tpu.memory_space<vmem>> -> memref<63x32xf32, #tpu.memory_space<vmem>>
    %dma_wait3A_681 = arith.constant 0 : i32
    %dma_wait3A_682 = tpu.memref_slice %arg2[%select_n3A, %dma_wait3A_668, %dma_wait3A_681, %multiple_of3A_412] : memref<16x8x63x64xf32, #tpu.memory_space<hbm>> -> memref<1x1x63x32xf32, #tpu.memory_space<hbm>>
    %dma_wait3A_683 = tpu.memref_squeeze %dma_wait3A_682 : memref<1x1x63x32xf32, #tpu.memory_space<hbm>> -> memref<63x32xf32, #tpu.memory_space<hbm>>
    tpu.wait_dma2 semaphore(%arg5 : memref<!tpu.dma_semaphore, #tpu.memory_space<semaphore_mem>>) src(%dma_wait3A_683 : memref<63x32xf32, #tpu.memory_space<hbm>>) dst(%dma_wait3A_680 : memref<63x32xf32, #tpu.memory_space<vmem>>)
    %mul3A_684 = arith.constant 16 : i32
    %mul3A_685 = arith.muli %select_n3A_30, %mul3A_684 : i32
    %add3A_686 = arith.constant 0 : i32
    %add3A_687 = arith.addi %mul3A_685, %add3A_686 : i32
    %dma_start3A_688 = arith.constant 0 : i32
    %dma_start3A_689 = arith.constant 0 : i32
    %dma_start3A_690 = arith.constant 0 : i32
    %dma_start3A_691 = tpu.memref_slice %arg4[%dma_start3A_688, %dma_start3A_689, %dma_start3A_690] : memref<16x64x32xf32, #tpu.memory_space<vmem>> -> memref<1x64x32xf32, #tpu.memory_space<vmem>>
    %dma_start3A_692 = tpu.memref_squeeze %dma_start3A_691 : memref<1x64x32xf32, #tpu.memory_space<vmem>> -> memref<64x32xf32, #tpu.memory_space<vmem>>
    %dma_start3A_693 = arith.constant 0 : i32
    %dma_start3A_694 = arith.constant 0 : i32
    %dma_start3A_695 = tpu.memref_slice %arg3[%select_n3A, %add3A_687, %dma_start3A_693, %dma_start3A_694] : memref<16x32x64x32xf32, #tpu.memory_space<hbm>> -> memref<1x1x64x32xf32, #tpu.memory_space<hbm>>
    %dma_start3A_696 = tpu.memref_squeeze %dma_start3A_695 : memref<1x1x64x32xf32, #tpu.memory_space<hbm>> -> memref<64x32xf32, #tpu.memory_space<hbm>>
    %dma_start3A_697 = arith.constant 0 : i32
    %dma_start3A_698 = arith.constant 0 : i32
    %dma_start3A_699 = tpu.memref_slice %arg3[%select_n3A, %add3A_687, %dma_start3A_697, %dma_start3A_698] : memref<16x32x64x32xf32, #tpu.memory_space<hbm>> -> memref<1x1x64x32xf32, #tpu.memory_space<hbm>>
    %dma_start3A_700 = tpu.memref_squeeze %dma_start3A_699 : memref<1x1x64x32xf32, #tpu.memory_space<hbm>> -> memref<64x32xf32, #tpu.memory_space<hbm>>
    %dma_start3A_701 = arith.constant 0 : i32
    %dma_start3A_702 = arith.constant 0 : i32
    %dma_start3A_703 = tpu.memref_slice %arg4[%dma_start3A_688, %dma_start3A_701, %dma_start3A_702] : memref<16x64x32xf32, #tpu.memory_space<vmem>> -> memref<1x64x32xf32, #tpu.memory_space<vmem>>
    %dma_start3A_704 = tpu.memref_squeeze %dma_start3A_703 : memref<1x64x32xf32, #tpu.memory_space<vmem>> -> memref<64x32xf32, #tpu.memory_space<vmem>>
    tpu.enqueue_dma source(%dma_start3A_704 : memref<64x32xf32, #tpu.memory_space<vmem>>) target(%dma_start3A_700 : memref<64x32xf32, #tpu.memory_space<hbm>>) target_semaphore(%arg5 : memref<!tpu.dma_semaphore, #tpu.memory_space<semaphore_mem>>)
    %mul3A_705 = arith.constant 16 : i32
    %mul3A_706 = arith.muli %select_n3A_30, %mul3A_705 : i32
    %add3A_707 = arith.constant 1 : i32
    %add3A_708 = arith.addi %mul3A_706, %add3A_707 : i32
    %dma_start3A_709 = arith.constant 1 : i32
    %dma_start3A_710 = arith.constant 0 : i32
    %dma_start3A_711 = arith.constant 0 : i32
    %dma_start3A_712 = tpu.memref_slice %arg4[%dma_start3A_709, %dma_start3A_710, %dma_start3A_711] : memref<16x64x32xf32, #tpu.memory_space<vmem>> -> memref<1x64x32xf32, #tpu.memory_space<vmem>>
    %dma_start3A_713 = tpu.memref_squeeze %dma_start3A_712 : memref<1x64x32xf32, #tpu.memory_space<vmem>> -> memref<64x32xf32, #tpu.memory_space<vmem>>
    %dma_start3A_714 = arith.constant 0 : i32
    %dma_start3A_715 = arith.constant 0 : i32
    %dma_start3A_716 = tpu.memref_slice %arg3[%select_n3A, %add3A_708, %dma_start3A_714, %dma_start3A_715] : memref<16x32x64x32xf32, #tpu.memory_space<hbm>> -> memref<1x1x64x32xf32, #tpu.memory_space<hbm>>
    %dma_start3A_717 = tpu.memref_squeeze %dma_start3A_716 : memref<1x1x64x32xf32, #tpu.memory_space<hbm>> -> memref<64x32xf32, #tpu.memory_space<hbm>>
    %dma_start3A_718 = arith.constant 0 : i32
    %dma_start3A_719 = arith.constant 0 : i32
    %dma_start3A_720 = tpu.memref_slice %arg3[%select_n3A, %add3A_708, %dma_start3A_718, %dma_start3A_719] : memref<16x32x64x32xf32, #tpu.memory_space<hbm>> -> memref<1x1x64x32xf32, #tpu.memory_space<hbm>>
    %dma_start3A_721 = tpu.memref_squeeze %dma_start3A_720 : memref<1x1x64x32xf32, #tpu.memory_space<hbm>> -> memref<64x32xf32, #tpu.memory_space<hbm>>
    %dma_start3A_722 = arith.constant 0 : i32
    %dma_start3A_723 = arith.constant 0 : i32
    %dma_start3A_724 = tpu.memref_slice %arg4[%dma_start3A_709, %dma_start3A_722, %dma_start3A_723] : memref<16x64x32xf32, #tpu.memory_space<vmem>> -> memref<1x64x32xf32, #tpu.memory_space<vmem>>
    %dma_start3A_725 = tpu.memref_squeeze %dma_start3A_724 : memref<1x64x32xf32, #tpu.memory_space<vmem>> -> memref<64x32xf32, #tpu.memory_space<vmem>>
    tpu.enqueue_dma source(%dma_start3A_725 : memref<64x32xf32, #tpu.memory_space<vmem>>) target(%dma_start3A_721 : memref<64x32xf32, #tpu.memory_space<hbm>>) target_semaphore(%arg5 : memref<!tpu.dma_semaphore, #tpu.memory_space<semaphore_mem>>)
    %mul3A_726 = arith.constant 16 : i32
    %mul3A_727 = arith.muli %select_n3A_30, %mul3A_726 : i32
    %add3A_728 = arith.constant 2 : i32
    %add3A_729 = arith.addi %mul3A_727, %add3A_728 : i32
    %dma_start3A_730 = arith.constant 2 : i32
    %dma_start3A_731 = arith.constant 0 : i32
    %dma_start3A_732 = arith.constant 0 : i32
    %dma_start3A_733 = tpu.memref_slice %arg4[%dma_start3A_730, %dma_start3A_731, %dma_start3A_732] : memref<16x64x32xf32, #tpu.memory_space<vmem>> -> memref<1x64x32xf32, #tpu.memory_space<vmem>>
    %dma_start3A_734 = tpu.memref_squeeze %dma_start3A_733 : memref<1x64x32xf32, #tpu.memory_space<vmem>> -> memref<64x32xf32, #tpu.memory_space<vmem>>
    %dma_start3A_735 = arith.constant 0 : i32
    %dma_start3A_736 = arith.constant 0 : i32
    %dma_start3A_737 = tpu.memref_slice %arg3[%select_n3A, %add3A_729, %dma_start3A_735, %dma_start3A_736] : memref<16x32x64x32xf32, #tpu.memory_space<hbm>> -> memref<1x1x64x32xf32, #tpu.memory_space<hbm>>
    %dma_start3A_738 = tpu.memref_squeeze %dma_start3A_737 : memref<1x1x64x32xf32, #tpu.memory_space<hbm>> -> memref<64x32xf32, #tpu.memory_space<hbm>>
    %dma_start3A_739 = arith.constant 0 : i32
    %dma_start3A_740 = arith.constant 0 : i32
    %dma_start3A_741 = tpu.memref_slice %arg3[%select_n3A, %add3A_729, %dma_start3A_739, %dma_start3A_740] : memref<16x32x64x32xf32, #tpu.memory_space<hbm>> -> memref<1x1x64x32xf32, #tpu.memory_space<hbm>>
    %dma_start3A_742 = tpu.memref_squeeze %dma_start3A_741 : memref<1x1x64x32xf32, #tpu.memory_space<hbm>> -> memref<64x32xf32, #tpu.memory_space<hbm>>
    %dma_start3A_743 = arith.constant 0 : i32
    %dma_start3A_744 = arith.constant 0 : i32
    %dma_start3A_745 = tpu.memref_slice %arg4[%dma_start3A_730, %dma_start3A_743, %dma_start3A_744] : memref<16x64x32xf32, #tpu.memory_space<vmem>> -> memref<1x64x32xf32, #tpu.memory_space<vmem>>
    %dma_start3A_746 = tpu.memref_squeeze %dma_start3A_745 : memref<1x64x32xf32, #tpu.memory_space<vmem>> -> memref<64x32xf32, #tpu.memory_space<vmem>>
    tpu.enqueue_dma source(%dma_start3A_746 : memref<64x32xf32, #tpu.memory_space<vmem>>) target(%dma_start3A_742 : memref<64x32xf32, #tpu.memory_space<hbm>>) target_semaphore(%arg5 : memref<!tpu.dma_semaphore, #tpu.memory_space<semaphore_mem>>)
    %mul3A_747 = arith.constant 16 : i32
    %mul3A_748 = arith.muli %select_n3A_30, %mul3A_747 : i32
    %add3A_749 = arith.constant 3 : i32
    %add3A_750 = arith.addi %mul3A_748, %add3A_749 : i32
    %dma_start3A_751 = arith.constant 3 : i32
    %dma_start3A_752 = arith.constant 0 : i32
    %dma_start3A_753 = arith.constant 0 : i32
    %dma_start3A_754 = tpu.memref_slice %arg4[%dma_start3A_751, %dma_start3A_752, %dma_start3A_753] : memref<16x64x32xf32, #tpu.memory_space<vmem>> -> memref<1x64x32xf32, #tpu.memory_space<vmem>>
    %dma_start3A_755 = tpu.memref_squeeze %dma_start3A_754 : memref<1x64x32xf32, #tpu.memory_space<vmem>> -> memref<64x32xf32, #tpu.memory_space<vmem>>
    %dma_start3A_756 = arith.constant 0 : i32
    %dma_start3A_757 = arith.constant 0 : i32
    %dma_start3A_758 = tpu.memref_slice %arg3[%select_n3A, %add3A_750, %dma_start3A_756, %dma_start3A_757] : memref<16x32x64x32xf32, #tpu.memory_space<hbm>> -> memref<1x1x64x32xf32, #tpu.memory_space<hbm>>
    %dma_start3A_759 = tpu.memref_squeeze %dma_start3A_758 : memref<1x1x64x32xf32, #tpu.memory_space<hbm>> -> memref<64x32xf32, #tpu.memory_space<hbm>>
    %dma_start3A_760 = arith.constant 0 : i32
    %dma_start3A_761 = arith.constant 0 : i32
    %dma_start3A_762 = tpu.memref_slice %arg3[%select_n3A, %add3A_750, %dma_start3A_760, %dma_start3A_761] : memref<16x32x64x32xf32, #tpu.memory_space<hbm>> -> memref<1x1x64x32xf32, #tpu.memory_space<hbm>>
    %dma_start3A_763 = tpu.memref_squeeze %dma_start3A_762 : memref<1x1x64x32xf32, #tpu.memory_space<hbm>> -> memref<64x32xf32, #tpu.memory_space<hbm>>
    %dma_start3A_764 = arith.constant 0 : i32
    %dma_start3A_765 = arith.constant 0 : i32
    %dma_start3A_766 = tpu.memref_slice %arg4[%dma_start3A_751, %dma_start3A_764, %dma_start3A_765] : memref<16x64x32xf32, #tpu.memory_space<vmem>> -> memref<1x64x32xf32, #tpu.memory_space<vmem>>
    %dma_start3A_767 = tpu.memref_squeeze %dma_start3A_766 : memref<1x64x32xf32, #tpu.memory_space<vmem>> -> memref<64x32xf32, #tpu.memory_space<vmem>>
    tpu.enqueue_dma source(%dma_start3A_767 : memref<64x32xf32, #tpu.memory_space<vmem>>) target(%dma_start3A_763 : memref<64x32xf32, #tpu.memory_space<hbm>>) target_semaphore(%arg5 : memref<!tpu.dma_semaphore, #tpu.memory_space<semaphore_mem>>)
    %mul3A_768 = arith.constant 16 : i32
    %mul3A_769 = arith.muli %select_n3A_30, %mul3A_768 : i32
    %add3A_770 = arith.constant 4 : i32
    %add3A_771 = arith.addi %mul3A_769, %add3A_770 : i32
    %dma_start3A_772 = arith.constant 4 : i32
    %dma_start3A_773 = arith.constant 0 : i32
    %dma_start3A_774 = arith.constant 0 : i32
    %dma_start3A_775 = tpu.memref_slice %arg4[%dma_start3A_772, %dma_start3A_773, %dma_start3A_774] : memref<16x64x32xf32, #tpu.memory_space<vmem>> -> memref<1x64x32xf32, #tpu.memory_space<vmem>>
    %dma_start3A_776 = tpu.memref_squeeze %dma_start3A_775 : memref<1x64x32xf32, #tpu.memory_space<vmem>> -> memref<64x32xf32, #tpu.memory_space<vmem>>
    %dma_start3A_777 = arith.constant 0 : i32
    %dma_start3A_778 = arith.constant 0 : i32
    %dma_start3A_779 = tpu.memref_slice %arg3[%select_n3A, %add3A_771, %dma_start3A_777, %dma_start3A_778] : memref<16x32x64x32xf32, #tpu.memory_space<hbm>> -> memref<1x1x64x32xf32, #tpu.memory_space<hbm>>
    %dma_start3A_780 = tpu.memref_squeeze %dma_start3A_779 : memref<1x1x64x32xf32, #tpu.memory_space<hbm>> -> memref<64x32xf32, #tpu.memory_space<hbm>>
    %dma_start3A_781 = arith.constant 0 : i32
    %dma_start3A_782 = arith.constant 0 : i32
    %dma_start3A_783 = tpu.memref_slice %arg3[%select_n3A, %add3A_771, %dma_start3A_781, %dma_start3A_782] : memref<16x32x64x32xf32, #tpu.memory_space<hbm>> -> memref<1x1x64x32xf32, #tpu.memory_space<hbm>>
    %dma_start3A_784 = tpu.memref_squeeze %dma_start3A_783 : memref<1x1x64x32xf32, #tpu.memory_space<hbm>> -> memref<64x32xf32, #tpu.memory_space<hbm>>
    %dma_start3A_785 = arith.constant 0 : i32
    %dma_start3A_786 = arith.constant 0 : i32
    %dma_start3A_787 = tpu.memref_slice %arg4[%dma_start3A_772, %dma_start3A_785, %dma_start3A_786] : memref<16x64x32xf32, #tpu.memory_space<vmem>> -> memref<1x64x32xf32, #tpu.memory_space<vmem>>
    %dma_start3A_788 = tpu.memref_squeeze %dma_start3A_787 : memref<1x64x32xf32, #tpu.memory_space<vmem>> -> memref<64x32xf32, #tpu.memory_space<vmem>>
    tpu.enqueue_dma source(%dma_start3A_788 : memref<64x32xf32, #tpu.memory_space<vmem>>) target(%dma_start3A_784 : memref<64x32xf32, #tpu.memory_space<hbm>>) target_semaphore(%arg5 : memref<!tpu.dma_semaphore, #tpu.memory_space<semaphore_mem>>)
    %mul3A_789 = arith.constant 16 : i32
    %mul3A_790 = arith.muli %select_n3A_30, %mul3A_789 : i32
    %add3A_791 = arith.constant 5 : i32
    %add3A_792 = arith.addi %mul3A_790, %add3A_791 : i32
    %dma_start3A_793 = arith.constant 5 : i32
    %dma_start3A_794 = arith.constant 0 : i32
    %dma_start3A_795 = arith.constant 0 : i32
    %dma_start3A_796 = tpu.memref_slice %arg4[%dma_start3A_793, %dma_start3A_794, %dma_start3A_795] : memref<16x64x32xf32, #tpu.memory_space<vmem>> -> memref<1x64x32xf32, #tpu.memory_space<vmem>>
    %dma_start3A_797 = tpu.memref_squeeze %dma_start3A_796 : memref<1x64x32xf32, #tpu.memory_space<vmem>> -> memref<64x32xf32, #tpu.memory_space<vmem>>
    %dma_start3A_798 = arith.constant 0 : i32
    %dma_start3A_799 = arith.constant 0 : i32
    %dma_start3A_800 = tpu.memref_slice %arg3[%select_n3A, %add3A_792, %dma_start3A_798, %dma_start3A_799] : memref<16x32x64x32xf32, #tpu.memory_space<hbm>> -> memref<1x1x64x32xf32, #tpu.memory_space<hbm>>
    %dma_start3A_801 = tpu.memref_squeeze %dma_start3A_800 : memref<1x1x64x32xf32, #tpu.memory_space<hbm>> -> memref<64x32xf32, #tpu.memory_space<hbm>>
    %dma_start3A_802 = arith.constant 0 : i32
    %dma_start3A_803 = arith.constant 0 : i32
    %dma_start3A_804 = tpu.memref_slice %arg3[%select_n3A, %add3A_792, %dma_start3A_802, %dma_start3A_803] : memref<16x32x64x32xf32, #tpu.memory_space<hbm>> -> memref<1x1x64x32xf32, #tpu.memory_space<hbm>>
    %dma_start3A_805 = tpu.memref_squeeze %dma_start3A_804 : memref<1x1x64x32xf32, #tpu.memory_space<hbm>> -> memref<64x32xf32, #tpu.memory_space<hbm>>
    %dma_start3A_806 = arith.constant 0 : i32
    %dma_start3A_807 = arith.constant 0 : i32
    %dma_start3A_808 = tpu.memref_slice %arg4[%dma_start3A_793, %dma_start3A_806, %dma_start3A_807] : memref<16x64x32xf32, #tpu.memory_space<vmem>> -> memref<1x64x32xf32, #tpu.memory_space<vmem>>
    %dma_start3A_809 = tpu.memref_squeeze %dma_start3A_808 : memref<1x64x32xf32, #tpu.memory_space<vmem>> -> memref<64x32xf32, #tpu.memory_space<vmem>>
    tpu.enqueue_dma source(%dma_start3A_809 : memref<64x32xf32, #tpu.memory_space<vmem>>) target(%dma_start3A_805 : memref<64x32xf32, #tpu.memory_space<hbm>>) target_semaphore(%arg5 : memref<!tpu.dma_semaphore, #tpu.memory_space<semaphore_mem>>)
    %mul3A_810 = arith.constant 16 : i32
    %mul3A_811 = arith.muli %select_n3A_30, %mul3A_810 : i32
    %add3A_812 = arith.constant 6 : i32
    %add3A_813 = arith.addi %mul3A_811, %add3A_812 : i32
    %dma_start3A_814 = arith.constant 6 : i32
    %dma_start3A_815 = arith.constant 0 : i32
    %dma_start3A_816 = arith.constant 0 : i32
    %dma_start3A_817 = tpu.memref_slice %arg4[%dma_start3A_814, %dma_start3A_815, %dma_start3A_816] : memref<16x64x32xf32, #tpu.memory_space<vmem>> -> memref<1x64x32xf32, #tpu.memory_space<vmem>>
    %dma_start3A_818 = tpu.memref_squeeze %dma_start3A_817 : memref<1x64x32xf32, #tpu.memory_space<vmem>> -> memref<64x32xf32, #tpu.memory_space<vmem>>
    %dma_start3A_819 = arith.constant 0 : i32
    %dma_start3A_820 = arith.constant 0 : i32
    %dma_start3A_821 = tpu.memref_slice %arg3[%select_n3A, %add3A_813, %dma_start3A_819, %dma_start3A_820] : memref<16x32x64x32xf32, #tpu.memory_space<hbm>> -> memref<1x1x64x32xf32, #tpu.memory_space<hbm>>
    %dma_start3A_822 = tpu.memref_squeeze %dma_start3A_821 : memref<1x1x64x32xf32, #tpu.memory_space<hbm>> -> memref<64x32xf32, #tpu.memory_space<hbm>>
    %dma_start3A_823 = arith.constant 0 : i32
    %dma_start3A_824 = arith.constant 0 : i32
    %dma_start3A_825 = tpu.memref_slice %arg3[%select_n3A, %add3A_813, %dma_start3A_823, %dma_start3A_824] : memref<16x32x64x32xf32, #tpu.memory_space<hbm>> -> memref<1x1x64x32xf32, #tpu.memory_space<hbm>>
    %dma_start3A_826 = tpu.memref_squeeze %dma_start3A_825 : memref<1x1x64x32xf32, #tpu.memory_space<hbm>> -> memref<64x32xf32, #tpu.memory_space<hbm>>
    %dma_start3A_827 = arith.constant 0 : i32
    %dma_start3A_828 = arith.constant 0 : i32
    %dma_start3A_829 = tpu.memref_slice %arg4[%dma_start3A_814, %dma_start3A_827, %dma_start3A_828] : memref<16x64x32xf32, #tpu.memory_space<vmem>> -> memref<1x64x32xf32, #tpu.memory_space<vmem>>
    %dma_start3A_830 = tpu.memref_squeeze %dma_start3A_829 : memref<1x64x32xf32, #tpu.memory_space<vmem>> -> memref<64x32xf32, #tpu.memory_space<vmem>>
    tpu.enqueue_dma source(%dma_start3A_830 : memref<64x32xf32, #tpu.memory_space<vmem>>) target(%dma_start3A_826 : memref<64x32xf32, #tpu.memory_space<hbm>>) target_semaphore(%arg5 : memref<!tpu.dma_semaphore, #tpu.memory_space<semaphore_mem>>)
    %mul3A_831 = arith.constant 16 : i32
    %mul3A_832 = arith.muli %select_n3A_30, %mul3A_831 : i32
    %add3A_833 = arith.constant 7 : i32
    %add3A_834 = arith.addi %mul3A_832, %add3A_833 : i32
    %dma_start3A_835 = arith.constant 7 : i32
    %dma_start3A_836 = arith.constant 0 : i32
    %dma_start3A_837 = arith.constant 0 : i32
    %dma_start3A_838 = tpu.memref_slice %arg4[%dma_start3A_835, %dma_start3A_836, %dma_start3A_837] : memref<16x64x32xf32, #tpu.memory_space<vmem>> -> memref<1x64x32xf32, #tpu.memory_space<vmem>>
    %dma_start3A_839 = tpu.memref_squeeze %dma_start3A_838 : memref<1x64x32xf32, #tpu.memory_space<vmem>> -> memref<64x32xf32, #tpu.memory_space<vmem>>
    %dma_start3A_840 = arith.constant 0 : i32
    %dma_start3A_841 = arith.constant 0 : i32
    %dma_start3A_842 = tpu.memref_slice %arg3[%select_n3A, %add3A_834, %dma_start3A_840, %dma_start3A_841] : memref<16x32x64x32xf32, #tpu.memory_space<hbm>> -> memref<1x1x64x32xf32, #tpu.memory_space<hbm>>
    %dma_start3A_843 = tpu.memref_squeeze %dma_start3A_842 : memref<1x1x64x32xf32, #tpu.memory_space<hbm>> -> memref<64x32xf32, #tpu.memory_space<hbm>>
    %dma_start3A_844 = arith.constant 0 : i32
    %dma_start3A_845 = arith.constant 0 : i32
    %dma_start3A_846 = tpu.memref_slice %arg3[%select_n3A, %add3A_834, %dma_start3A_844, %dma_start3A_845] : memref<16x32x64x32xf32, #tpu.memory_space<hbm>> -> memref<1x1x64x32xf32, #tpu.memory_space<hbm>>
    %dma_start3A_847 = tpu.memref_squeeze %dma_start3A_846 : memref<1x1x64x32xf32, #tpu.memory_space<hbm>> -> memref<64x32xf32, #tpu.memory_space<hbm>>
    %dma_start3A_848 = arith.constant 0 : i32
    %dma_start3A_849 = arith.constant 0 : i32
    %dma_start3A_850 = tpu.memref_slice %arg4[%dma_start3A_835, %dma_start3A_848, %dma_start3A_849] : memref<16x64x32xf32, #tpu.memory_space<vmem>> -> memref<1x64x32xf32, #tpu.memory_space<vmem>>
    %dma_start3A_851 = tpu.memref_squeeze %dma_start3A_850 : memref<1x64x32xf32, #tpu.memory_space<vmem>> -> memref<64x32xf32, #tpu.memory_space<vmem>>
    tpu.enqueue_dma source(%dma_start3A_851 : memref<64x32xf32, #tpu.memory_space<vmem>>) target(%dma_start3A_847 : memref<64x32xf32, #tpu.memory_space<hbm>>) target_semaphore(%arg5 : memref<!tpu.dma_semaphore, #tpu.memory_space<semaphore_mem>>)
    %mul3A_852 = arith.constant 16 : i32
    %mul3A_853 = arith.muli %select_n3A_30, %mul3A_852 : i32
    %add3A_854 = arith.constant 8 : i32
    %add3A_855 = arith.addi %mul3A_853, %add3A_854 : i32
    %dma_start3A_856 = arith.constant 8 : i32
    %dma_start3A_857 = arith.constant 0 : i32
    %dma_start3A_858 = arith.constant 0 : i32
    %dma_start3A_859 = tpu.memref_slice %arg4[%dma_start3A_856, %dma_start3A_857, %dma_start3A_858] : memref<16x64x32xf32, #tpu.memory_space<vmem>> -> memref<1x64x32xf32, #tpu.memory_space<vmem>>
    %dma_start3A_860 = tpu.memref_squeeze %dma_start3A_859 : memref<1x64x32xf32, #tpu.memory_space<vmem>> -> memref<64x32xf32, #tpu.memory_space<vmem>>
    %dma_start3A_861 = arith.constant 0 : i32
    %dma_start3A_862 = arith.constant 0 : i32
    %dma_start3A_863 = tpu.memref_slice %arg3[%select_n3A, %add3A_855, %dma_start3A_861, %dma_start3A_862] : memref<16x32x64x32xf32, #tpu.memory_space<hbm>> -> memref<1x1x64x32xf32, #tpu.memory_space<hbm>>
    %dma_start3A_864 = tpu.memref_squeeze %dma_start3A_863 : memref<1x1x64x32xf32, #tpu.memory_space<hbm>> -> memref<64x32xf32, #tpu.memory_space<hbm>>
    %dma_start3A_865 = arith.constant 0 : i32
    %dma_start3A_866 = arith.constant 0 : i32
    %dma_start3A_867 = tpu.memref_slice %arg3[%select_n3A, %add3A_855, %dma_start3A_865, %dma_start3A_866] : memref<16x32x64x32xf32, #tpu.memory_space<hbm>> -> memref<1x1x64x32xf32, #tpu.memory_space<hbm>>
    %dma_start3A_868 = tpu.memref_squeeze %dma_start3A_867 : memref<1x1x64x32xf32, #tpu.memory_space<hbm>> -> memref<64x32xf32, #tpu.memory_space<hbm>>
    %dma_start3A_869 = arith.constant 0 : i32
    %dma_start3A_870 = arith.constant 0 : i32
    %dma_start3A_871 = tpu.memref_slice %arg4[%dma_start3A_856, %dma_start3A_869, %dma_start3A_870] : memref<16x64x32xf32, #tpu.memory_space<vmem>> -> memref<1x64x32xf32, #tpu.memory_space<vmem>>
    %dma_start3A_872 = tpu.memref_squeeze %dma_start3A_871 : memref<1x64x32xf32, #tpu.memory_space<vmem>> -> memref<64x32xf32, #tpu.memory_space<vmem>>
    tpu.enqueue_dma source(%dma_start3A_872 : memref<64x32xf32, #tpu.memory_space<vmem>>) target(%dma_start3A_868 : memref<64x32xf32, #tpu.memory_space<hbm>>) target_semaphore(%arg5 : memref<!tpu.dma_semaphore, #tpu.memory_space<semaphore_mem>>)
    %mul3A_873 = arith.constant 16 : i32
    %mul3A_874 = arith.muli %select_n3A_30, %mul3A_873 : i32
    %add3A_875 = arith.constant 9 : i32
    %add3A_876 = arith.addi %mul3A_874, %add3A_875 : i32
    %dma_start3A_877 = arith.constant 9 : i32
    %dma_start3A_878 = arith.constant 0 : i32
    %dma_start3A_879 = arith.constant 0 : i32
    %dma_start3A_880 = tpu.memref_slice %arg4[%dma_start3A_877, %dma_start3A_878, %dma_start3A_879] : memref<16x64x32xf32, #tpu.memory_space<vmem>> -> memref<1x64x32xf32, #tpu.memory_space<vmem>>
    %dma_start3A_881 = tpu.memref_squeeze %dma_start3A_880 : memref<1x64x32xf32, #tpu.memory_space<vmem>> -> memref<64x32xf32, #tpu.memory_space<vmem>>
    %dma_start3A_882 = arith.constant 0 : i32
    %dma_start3A_883 = arith.constant 0 : i32
    %dma_start3A_884 = tpu.memref_slice %arg3[%select_n3A, %add3A_876, %dma_start3A_882, %dma_start3A_883] : memref<16x32x64x32xf32, #tpu.memory_space<hbm>> -> memref<1x1x64x32xf32, #tpu.memory_space<hbm>>
    %dma_start3A_885 = tpu.memref_squeeze %dma_start3A_884 : memref<1x1x64x32xf32, #tpu.memory_space<hbm>> -> memref<64x32xf32, #tpu.memory_space<hbm>>
    %dma_start3A_886 = arith.constant 0 : i32
    %dma_start3A_887 = arith.constant 0 : i32
    %dma_start3A_888 = tpu.memref_slice %arg3[%select_n3A, %add3A_876, %dma_start3A_886, %dma_start3A_887] : memref<16x32x64x32xf32, #tpu.memory_space<hbm>> -> memref<1x1x64x32xf32, #tpu.memory_space<hbm>>
    %dma_start3A_889 = tpu.memref_squeeze %dma_start3A_888 : memref<1x1x64x32xf32, #tpu.memory_space<hbm>> -> memref<64x32xf32, #tpu.memory_space<hbm>>
    %dma_start3A_890 = arith.constant 0 : i32
    %dma_start3A_891 = arith.constant 0 : i32
    %dma_start3A_892 = tpu.memref_slice %arg4[%dma_start3A_877, %dma_start3A_890, %dma_start3A_891] : memref<16x64x32xf32, #tpu.memory_space<vmem>> -> memref<1x64x32xf32, #tpu.memory_space<vmem>>
    %dma_start3A_893 = tpu.memref_squeeze %dma_start3A_892 : memref<1x64x32xf32, #tpu.memory_space<vmem>> -> memref<64x32xf32, #tpu.memory_space<vmem>>
    tpu.enqueue_dma source(%dma_start3A_893 : memref<64x32xf32, #tpu.memory_space<vmem>>) target(%dma_start3A_889 : memref<64x32xf32, #tpu.memory_space<hbm>>) target_semaphore(%arg5 : memref<!tpu.dma_semaphore, #tpu.memory_space<semaphore_mem>>)
    %mul3A_894 = arith.constant 16 : i32
    %mul3A_895 = arith.muli %select_n3A_30, %mul3A_894 : i32
    %add3A_896 = arith.constant 10 : i32
    %add3A_897 = arith.addi %mul3A_895, %add3A_896 : i32
    %dma_start3A_898 = arith.constant 10 : i32
    %dma_start3A_899 = arith.constant 0 : i32
    %dma_start3A_900 = arith.constant 0 : i32
    %dma_start3A_901 = tpu.memref_slice %arg4[%dma_start3A_898, %dma_start3A_899, %dma_start3A_900] : memref<16x64x32xf32, #tpu.memory_space<vmem>> -> memref<1x64x32xf32, #tpu.memory_space<vmem>>
    %dma_start3A_902 = tpu.memref_squeeze %dma_start3A_901 : memref<1x64x32xf32, #tpu.memory_space<vmem>> -> memref<64x32xf32, #tpu.memory_space<vmem>>
    %dma_start3A_903 = arith.constant 0 : i32
    %dma_start3A_904 = arith.constant 0 : i32
    %dma_start3A_905 = tpu.memref_slice %arg3[%select_n3A, %add3A_897, %dma_start3A_903, %dma_start3A_904] : memref<16x32x64x32xf32, #tpu.memory_space<hbm>> -> memref<1x1x64x32xf32, #tpu.memory_space<hbm>>
    %dma_start3A_906 = tpu.memref_squeeze %dma_start3A_905 : memref<1x1x64x32xf32, #tpu.memory_space<hbm>> -> memref<64x32xf32, #tpu.memory_space<hbm>>
    %dma_start3A_907 = arith.constant 0 : i32
    %dma_start3A_908 = arith.constant 0 : i32
    %dma_start3A_909 = tpu.memref_slice %arg3[%select_n3A, %add3A_897, %dma_start3A_907, %dma_start3A_908] : memref<16x32x64x32xf32, #tpu.memory_space<hbm>> -> memref<1x1x64x32xf32, #tpu.memory_space<hbm>>
    %dma_start3A_910 = tpu.memref_squeeze %dma_start3A_909 : memref<1x1x64x32xf32, #tpu.memory_space<hbm>> -> memref<64x32xf32, #tpu.memory_space<hbm>>
    %dma_start3A_911 = arith.constant 0 : i32
    %dma_start3A_912 = arith.constant 0 : i32
    %dma_start3A_913 = tpu.memref_slice %arg4[%dma_start3A_898, %dma_start3A_911, %dma_start3A_912] : memref<16x64x32xf32, #tpu.memory_space<vmem>> -> memref<1x64x32xf32, #tpu.memory_space<vmem>>
    %dma_start3A_914 = tpu.memref_squeeze %dma_start3A_913 : memref<1x64x32xf32, #tpu.memory_space<vmem>> -> memref<64x32xf32, #tpu.memory_space<vmem>>
    tpu.enqueue_dma source(%dma_start3A_914 : memref<64x32xf32, #tpu.memory_space<vmem>>) target(%dma_start3A_910 : memref<64x32xf32, #tpu.memory_space<hbm>>) target_semaphore(%arg5 : memref<!tpu.dma_semaphore, #tpu.memory_space<semaphore_mem>>)
    %mul3A_915 = arith.constant 16 : i32
    %mul3A_916 = arith.muli %select_n3A_30, %mul3A_915 : i32
    %add3A_917 = arith.constant 11 : i32
    %add3A_918 = arith.addi %mul3A_916, %add3A_917 : i32
    %dma_start3A_919 = arith.constant 11 : i32
    %dma_start3A_920 = arith.constant 0 : i32
    %dma_start3A_921 = arith.constant 0 : i32
    %dma_start3A_922 = tpu.memref_slice %arg4[%dma_start3A_919, %dma_start3A_920, %dma_start3A_921] : memref<16x64x32xf32, #tpu.memory_space<vmem>> -> memref<1x64x32xf32, #tpu.memory_space<vmem>>
    %dma_start3A_923 = tpu.memref_squeeze %dma_start3A_922 : memref<1x64x32xf32, #tpu.memory_space<vmem>> -> memref<64x32xf32, #tpu.memory_space<vmem>>
    %dma_start3A_924 = arith.constant 0 : i32
    %dma_start3A_925 = arith.constant 0 : i32
    %dma_start3A_926 = tpu.memref_slice %arg3[%select_n3A, %add3A_918, %dma_start3A_924, %dma_start3A_925] : memref<16x32x64x32xf32, #tpu.memory_space<hbm>> -> memref<1x1x64x32xf32, #tpu.memory_space<hbm>>
    %dma_start3A_927 = tpu.memref_squeeze %dma_start3A_926 : memref<1x1x64x32xf32, #tpu.memory_space<hbm>> -> memref<64x32xf32, #tpu.memory_space<hbm>>
    %dma_start3A_928 = arith.constant 0 : i32
    %dma_start3A_929 = arith.constant 0 : i32
    %dma_start3A_930 = tpu.memref_slice %arg3[%select_n3A, %add3A_918, %dma_start3A_928, %dma_start3A_929] : memref<16x32x64x32xf32, #tpu.memory_space<hbm>> -> memref<1x1x64x32xf32, #tpu.memory_space<hbm>>
    %dma_start3A_931 = tpu.memref_squeeze %dma_start3A_930 : memref<1x1x64x32xf32, #tpu.memory_space<hbm>> -> memref<64x32xf32, #tpu.memory_space<hbm>>
    %dma_start3A_932 = arith.constant 0 : i32
    %dma_start3A_933 = arith.constant 0 : i32
    %dma_start3A_934 = tpu.memref_slice %arg4[%dma_start3A_919, %dma_start3A_932, %dma_start3A_933] : memref<16x64x32xf32, #tpu.memory_space<vmem>> -> memref<1x64x32xf32, #tpu.memory_space<vmem>>
    %dma_start3A_935 = tpu.memref_squeeze %dma_start3A_934 : memref<1x64x32xf32, #tpu.memory_space<vmem>> -> memref<64x32xf32, #tpu.memory_space<vmem>>
    tpu.enqueue_dma source(%dma_start3A_935 : memref<64x32xf32, #tpu.memory_space<vmem>>) target(%dma_start3A_931 : memref<64x32xf32, #tpu.memory_space<hbm>>) target_semaphore(%arg5 : memref<!tpu.dma_semaphore, #tpu.memory_space<semaphore_mem>>)
    %mul3A_936 = arith.constant 16 : i32
    %mul3A_937 = arith.muli %select_n3A_30, %mul3A_936 : i32
    %add3A_938 = arith.constant 12 : i32
    %add3A_939 = arith.addi %mul3A_937, %add3A_938 : i32
    %dma_start3A_940 = arith.constant 12 : i32
    %dma_start3A_941 = arith.constant 0 : i32
    %dma_start3A_942 = arith.constant 0 : i32
    %dma_start3A_943 = tpu.memref_slice %arg4[%dma_start3A_940, %dma_start3A_941, %dma_start3A_942] : memref<16x64x32xf32, #tpu.memory_space<vmem>> -> memref<1x64x32xf32, #tpu.memory_space<vmem>>
    %dma_start3A_944 = tpu.memref_squeeze %dma_start3A_943 : memref<1x64x32xf32, #tpu.memory_space<vmem>> -> memref<64x32xf32, #tpu.memory_space<vmem>>
    %dma_start3A_945 = arith.constant 0 : i32
    %dma_start3A_946 = arith.constant 0 : i32
    %dma_start3A_947 = tpu.memref_slice %arg3[%select_n3A, %add3A_939, %dma_start3A_945, %dma_start3A_946] : memref<16x32x64x32xf32, #tpu.memory_space<hbm>> -> memref<1x1x64x32xf32, #tpu.memory_space<hbm>>
    %dma_start3A_948 = tpu.memref_squeeze %dma_start3A_947 : memref<1x1x64x32xf32, #tpu.memory_space<hbm>> -> memref<64x32xf32, #tpu.memory_space<hbm>>
    %dma_start3A_949 = arith.constant 0 : i32
    %dma_start3A_950 = arith.constant 0 : i32
    %dma_start3A_951 = tpu.memref_slice %arg3[%select_n3A, %add3A_939, %dma_start3A_949, %dma_start3A_950] : memref<16x32x64x32xf32, #tpu.memory_space<hbm>> -> memref<1x1x64x32xf32, #tpu.memory_space<hbm>>
    %dma_start3A_952 = tpu.memref_squeeze %dma_start3A_951 : memref<1x1x64x32xf32, #tpu.memory_space<hbm>> -> memref<64x32xf32, #tpu.memory_space<hbm>>
    %dma_start3A_953 = arith.constant 0 : i32
    %dma_start3A_954 = arith.constant 0 : i32
    %dma_start3A_955 = tpu.memref_slice %arg4[%dma_start3A_940, %dma_start3A_953, %dma_start3A_954] : memref<16x64x32xf32, #tpu.memory_space<vmem>> -> memref<1x64x32xf32, #tpu.memory_space<vmem>>
    %dma_start3A_956 = tpu.memref_squeeze %dma_start3A_955 : memref<1x64x32xf32, #tpu.memory_space<vmem>> -> memref<64x32xf32, #tpu.memory_space<vmem>>
    tpu.enqueue_dma source(%dma_start3A_956 : memref<64x32xf32, #tpu.memory_space<vmem>>) target(%dma_start3A_952 : memref<64x32xf32, #tpu.memory_space<hbm>>) target_semaphore(%arg5 : memref<!tpu.dma_semaphore, #tpu.memory_space<semaphore_mem>>)
    %mul3A_957 = arith.constant 16 : i32
    %mul3A_958 = arith.muli %select_n3A_30, %mul3A_957 : i32
    %add3A_959 = arith.constant 13 : i32
    %add3A_960 = arith.addi %mul3A_958, %add3A_959 : i32
    %dma_start3A_961 = arith.constant 13 : i32
    %dma_start3A_962 = arith.constant 0 : i32
    %dma_start3A_963 = arith.constant 0 : i32
    %dma_start3A_964 = tpu.memref_slice %arg4[%dma_start3A_961, %dma_start3A_962, %dma_start3A_963] : memref<16x64x32xf32, #tpu.memory_space<vmem>> -> memref<1x64x32xf32, #tpu.memory_space<vmem>>
    %dma_start3A_965 = tpu.memref_squeeze %dma_start3A_964 : memref<1x64x32xf32, #tpu.memory_space<vmem>> -> memref<64x32xf32, #tpu.memory_space<vmem>>
    %dma_start3A_966 = arith.constant 0 : i32
    %dma_start3A_967 = arith.constant 0 : i32
    %dma_start3A_968 = tpu.memref_slice %arg3[%select_n3A, %add3A_960, %dma_start3A_966, %dma_start3A_967] : memref<16x32x64x32xf32, #tpu.memory_space<hbm>> -> memref<1x1x64x32xf32, #tpu.memory_space<hbm>>
    %dma_start3A_969 = tpu.memref_squeeze %dma_start3A_968 : memref<1x1x64x32xf32, #tpu.memory_space<hbm>> -> memref<64x32xf32, #tpu.memory_space<hbm>>
    %dma_start3A_970 = arith.constant 0 : i32
    %dma_start3A_971 = arith.constant 0 : i32
    %dma_start3A_972 = tpu.memref_slice %arg3[%select_n3A, %add3A_960, %dma_start3A_970, %dma_start3A_971] : memref<16x32x64x32xf32, #tpu.memory_space<hbm>> -> memref<1x1x64x32xf32, #tpu.memory_space<hbm>>
    %dma_start3A_973 = tpu.memref_squeeze %dma_start3A_972 : memref<1x1x64x32xf32, #tpu.memory_space<hbm>> -> memref<64x32xf32, #tpu.memory_space<hbm>>
    %dma_start3A_974 = arith.constant 0 : i32
    %dma_start3A_975 = arith.constant 0 : i32
    %dma_start3A_976 = tpu.memref_slice %arg4[%dma_start3A_961, %dma_start3A_974, %dma_start3A_975] : memref<16x64x32xf32, #tpu.memory_space<vmem>> -> memref<1x64x32xf32, #tpu.memory_space<vmem>>
    %dma_start3A_977 = tpu.memref_squeeze %dma_start3A_976 : memref<1x64x32xf32, #tpu.memory_space<vmem>> -> memref<64x32xf32, #tpu.memory_space<vmem>>
    tpu.enqueue_dma source(%dma_start3A_977 : memref<64x32xf32, #tpu.memory_space<vmem>>) target(%dma_start3A_973 : memref<64x32xf32, #tpu.memory_space<hbm>>) target_semaphore(%arg5 : memref<!tpu.dma_semaphore, #tpu.memory_space<semaphore_mem>>)
    %mul3A_978 = arith.constant 16 : i32
    %mul3A_979 = arith.muli %select_n3A_30, %mul3A_978 : i32
    %add3A_980 = arith.constant 14 : i32
    %add3A_981 = arith.addi %mul3A_979, %add3A_980 : i32
    %dma_start3A_982 = arith.constant 14 : i32
    %dma_start3A_983 = arith.constant 0 : i32
    %dma_start3A_984 = arith.constant 0 : i32
    %dma_start3A_985 = tpu.memref_slice %arg4[%dma_start3A_982, %dma_start3A_983, %dma_start3A_984] : memref<16x64x32xf32, #tpu.memory_space<vmem>> -> memref<1x64x32xf32, #tpu.memory_space<vmem>>
    %dma_start3A_986 = tpu.memref_squeeze %dma_start3A_985 : memref<1x64x32xf32, #tpu.memory_space<vmem>> -> memref<64x32xf32, #tpu.memory_space<vmem>>
    %dma_start3A_987 = arith.constant 0 : i32
    %dma_start3A_988 = arith.constant 0 : i32
    %dma_start3A_989 = tpu.memref_slice %arg3[%select_n3A, %add3A_981, %dma_start3A_987, %dma_start3A_988] : memref<16x32x64x32xf32, #tpu.memory_space<hbm>> -> memref<1x1x64x32xf32, #tpu.memory_space<hbm>>
    %dma_start3A_990 = tpu.memref_squeeze %dma_start3A_989 : memref<1x1x64x32xf32, #tpu.memory_space<hbm>> -> memref<64x32xf32, #tpu.memory_space<hbm>>
    %dma_start3A_991 = arith.constant 0 : i32
    %dma_start3A_992 = arith.constant 0 : i32
    %dma_start3A_993 = tpu.memref_slice %arg3[%select_n3A, %add3A_981, %dma_start3A_991, %dma_start3A_992] : memref<16x32x64x32xf32, #tpu.memory_space<hbm>> -> memref<1x1x64x32xf32, #tpu.memory_space<hbm>>
    %dma_start3A_994 = tpu.memref_squeeze %dma_start3A_993 : memref<1x1x64x32xf32, #tpu.memory_space<hbm>> -> memref<64x32xf32, #tpu.memory_space<hbm>>
    %dma_start3A_995 = arith.constant 0 : i32
    %dma_start3A_996 = arith.constant 0 : i32
    %dma_start3A_997 = tpu.memref_slice %arg4[%dma_start3A_982, %dma_start3A_995, %dma_start3A_996] : memref<16x64x32xf32, #tpu.memory_space<vmem>> -> memref<1x64x32xf32, #tpu.memory_space<vmem>>
    %dma_start3A_998 = tpu.memref_squeeze %dma_start3A_997 : memref<1x64x32xf32, #tpu.memory_space<vmem>> -> memref<64x32xf32, #tpu.memory_space<vmem>>
    tpu.enqueue_dma source(%dma_start3A_998 : memref<64x32xf32, #tpu.memory_space<vmem>>) target(%dma_start3A_994 : memref<64x32xf32, #tpu.memory_space<hbm>>) target_semaphore(%arg5 : memref<!tpu.dma_semaphore, #tpu.memory_space<semaphore_mem>>)
    %mul3A_999 = arith.constant 16 : i32
    %mul3A_1000 = arith.muli %select_n3A_30, %mul3A_999 : i32
    %add3A_1001 = arith.constant 15 : i32
    %add3A_1002 = arith.addi %mul3A_1000, %add3A_1001 : i32
    %dma_start3A_1003 = arith.constant 15 : i32
    %dma_start3A_1004 = arith.constant 0 : i32
    %dma_start3A_1005 = arith.constant 0 : i32
    %dma_start3A_1006 = tpu.memref_slice %arg4[%dma_start3A_1003, %dma_start3A_1004, %dma_start3A_1005] : memref<16x64x32xf32, #tpu.memory_space<vmem>> -> memref<1x64x32xf32, #tpu.memory_space<vmem>>
    %dma_start3A_1007 = tpu.memref_squeeze %dma_start3A_1006 : memref<1x64x32xf32, #tpu.memory_space<vmem>> -> memref<64x32xf32, #tpu.memory_space<vmem>>
    %dma_start3A_1008 = arith.constant 0 : i32
    %dma_start3A_1009 = arith.constant 0 : i32
    %dma_start3A_1010 = tpu.memref_slice %arg3[%select_n3A, %add3A_1002, %dma_start3A_1008, %dma_start3A_1009] : memref<16x32x64x32xf32, #tpu.memory_space<hbm>> -> memref<1x1x64x32xf32, #tpu.memory_space<hbm>>
    %dma_start3A_1011 = tpu.memref_squeeze %dma_start3A_1010 : memref<1x1x64x32xf32, #tpu.memory_space<hbm>> -> memref<64x32xf32, #tpu.memory_space<hbm>>
    %dma_start3A_1012 = arith.constant 0 : i32
    %dma_start3A_1013 = arith.constant 0 : i32
    %dma_start3A_1014 = tpu.memref_slice %arg3[%select_n3A, %add3A_1002, %dma_start3A_1012, %dma_start3A_1013] : memref<16x32x64x32xf32, #tpu.memory_space<hbm>> -> memref<1x1x64x32xf32, #tpu.memory_space<hbm>>
    %dma_start3A_1015 = tpu.memref_squeeze %dma_start3A_1014 : memref<1x1x64x32xf32, #tpu.memory_space<hbm>> -> memref<64x32xf32, #tpu.memory_space<hbm>>
    %dma_start3A_1016 = arith.constant 0 : i32
    %dma_start3A_1017 = arith.constant 0 : i32
    %dma_start3A_1018 = tpu.memref_slice %arg4[%dma_start3A_1003, %dma_start3A_1016, %dma_start3A_1017] : memref<16x64x32xf32, #tpu.memory_space<vmem>> -> memref<1x64x32xf32, #tpu.memory_space<vmem>>
    %dma_start3A_1019 = tpu.memref_squeeze %dma_start3A_1018 : memref<1x64x32xf32, #tpu.memory_space<vmem>> -> memref<64x32xf32, #tpu.memory_space<vmem>>
    tpu.enqueue_dma source(%dma_start3A_1019 : memref<64x32xf32, #tpu.memory_space<vmem>>) target(%dma_start3A_1015 : memref<64x32xf32, #tpu.memory_space<hbm>>) target_semaphore(%arg5 : memref<!tpu.dma_semaphore, #tpu.memory_space<semaphore_mem>>)
    %dma_wait3A_1020 = arith.constant 0 : i32
    %dma_wait3A_1021 = arith.constant 0 : i32
    %dma_wait3A_1022 = arith.constant 0 : i32
    %dma_wait3A_1023 = tpu.memref_slice %arg4[%dma_wait3A_1020, %dma_wait3A_1021, %dma_wait3A_1022] : memref<16x64x32xf32, #tpu.memory_space<vmem>> -> memref<1x64x32xf32, #tpu.memory_space<vmem>>
    %dma_wait3A_1024 = tpu.memref_squeeze %dma_wait3A_1023 : memref<1x64x32xf32, #tpu.memory_space<vmem>> -> memref<64x32xf32, #tpu.memory_space<vmem>>
    %dma_wait3A_1025 = arith.constant 0 : i32
    %dma_wait3A_1026 = arith.constant 0 : i32
    %dma_wait3A_1027 = tpu.memref_slice %arg3[%select_n3A, %add3A_687, %dma_wait3A_1025, %dma_wait3A_1026] : memref<16x32x64x32xf32, #tpu.memory_space<hbm>> -> memref<1x1x64x32xf32, #tpu.memory_space<hbm>>
    %dma_wait3A_1028 = tpu.memref_squeeze %dma_wait3A_1027 : memref<1x1x64x32xf32, #tpu.memory_space<hbm>> -> memref<64x32xf32, #tpu.memory_space<hbm>>
    %dma_wait3A_1029 = arith.constant 0 : i32
    %dma_wait3A_1030 = arith.constant 0 : i32
    %dma_wait3A_1031 = tpu.memref_slice %arg3[%select_n3A, %add3A_687, %dma_wait3A_1029, %dma_wait3A_1030] : memref<16x32x64x32xf32, #tpu.memory_space<hbm>> -> memref<1x1x64x32xf32, #tpu.memory_space<hbm>>
    %dma_wait3A_1032 = tpu.memref_squeeze %dma_wait3A_1031 : memref<1x1x64x32xf32, #tpu.memory_space<hbm>> -> memref<64x32xf32, #tpu.memory_space<hbm>>
    %dma_wait3A_1033 = arith.constant 0 : i32
    %dma_wait3A_1034 = arith.constant 0 : i32
    %dma_wait3A_1035 = tpu.memref_slice %arg4[%dma_wait3A_1020, %dma_wait3A_1033, %dma_wait3A_1034] : memref<16x64x32xf32, #tpu.memory_space<vmem>> -> memref<1x64x32xf32, #tpu.memory_space<vmem>>
    %dma_wait3A_1036 = tpu.memref_squeeze %dma_wait3A_1035 : memref<1x64x32xf32, #tpu.memory_space<vmem>> -> memref<64x32xf32, #tpu.memory_space<vmem>>
    tpu.wait_dma2 semaphore(%arg5 : memref<!tpu.dma_semaphore, #tpu.memory_space<semaphore_mem>>) src(%dma_wait3A_1036 : memref<64x32xf32, #tpu.memory_space<vmem>>) dst(%dma_wait3A_1032 : memref<64x32xf32, #tpu.memory_space<hbm>>)
    %dma_wait3A_1037 = arith.constant 1 : i32
    %dma_wait3A_1038 = arith.constant 0 : i32
    %dma_wait3A_1039 = arith.constant 0 : i32
    %dma_wait3A_1040 = tpu.memref_slice %arg4[%dma_wait3A_1037, %dma_wait3A_1038, %dma_wait3A_1039] : memref<16x64x32xf32, #tpu.memory_space<vmem>> -> memref<1x64x32xf32, #tpu.memory_space<vmem>>
    %dma_wait3A_1041 = tpu.memref_squeeze %dma_wait3A_1040 : memref<1x64x32xf32, #tpu.memory_space<vmem>> -> memref<64x32xf32, #tpu.memory_space<vmem>>
    %dma_wait3A_1042 = arith.constant 0 : i32
    %dma_wait3A_1043 = arith.constant 0 : i32
    %dma_wait3A_1044 = tpu.memref_slice %arg3[%select_n3A, %add3A_708, %dma_wait3A_1042, %dma_wait3A_1043] : memref<16x32x64x32xf32, #tpu.memory_space<hbm>> -> memref<1x1x64x32xf32, #tpu.memory_space<hbm>>
    %dma_wait3A_1045 = tpu.memref_squeeze %dma_wait3A_1044 : memref<1x1x64x32xf32, #tpu.memory_space<hbm>> -> memref<64x32xf32, #tpu.memory_space<hbm>>
    %dma_wait3A_1046 = arith.constant 0 : i32
    %dma_wait3A_1047 = arith.constant 0 : i32
    %dma_wait3A_1048 = tpu.memref_slice %arg3[%select_n3A, %add3A_708, %dma_wait3A_1046, %dma_wait3A_1047] : memref<16x32x64x32xf32, #tpu.memory_space<hbm>> -> memref<1x1x64x32xf32, #tpu.memory_space<hbm>>
    %dma_wait3A_1049 = tpu.memref_squeeze %dma_wait3A_1048 : memref<1x1x64x32xf32, #tpu.memory_space<hbm>> -> memref<64x32xf32, #tpu.memory_space<hbm>>
    %dma_wait3A_1050 = arith.constant 0 : i32
    %dma_wait3A_1051 = arith.constant 0 : i32
    %dma_wait3A_1052 = tpu.memref_slice %arg4[%dma_wait3A_1037, %dma_wait3A_1050, %dma_wait3A_1051] : memref<16x64x32xf32, #tpu.memory_space<vmem>> -> memref<1x64x32xf32, #tpu.memory_space<vmem>>
    %dma_wait3A_1053 = tpu.memref_squeeze %dma_wait3A_1052 : memref<1x64x32xf32, #tpu.memory_space<vmem>> -> memref<64x32xf32, #tpu.memory_space<vmem>>
    tpu.wait_dma2 semaphore(%arg5 : memref<!tpu.dma_semaphore, #tpu.memory_space<semaphore_mem>>) src(%dma_wait3A_1053 : memref<64x32xf32, #tpu.memory_space<vmem>>) dst(%dma_wait3A_1049 : memref<64x32xf32, #tpu.memory_space<hbm>>)
    %dma_wait3A_1054 = arith.constant 2 : i32
    %dma_wait3A_1055 = arith.constant 0 : i32
    %dma_wait3A_1056 = arith.constant 0 : i32
    %dma_wait3A_1057 = tpu.memref_slice %arg4[%dma_wait3A_1054, %dma_wait3A_1055, %dma_wait3A_1056] : memref<16x64x32xf32, #tpu.memory_space<vmem>> -> memref<1x64x32xf32, #tpu.memory_space<vmem>>
    %dma_wait3A_1058 = tpu.memref_squeeze %dma_wait3A_1057 : memref<1x64x32xf32, #tpu.memory_space<vmem>> -> memref<64x32xf32, #tpu.memory_space<vmem>>
    %dma_wait3A_1059 = arith.constant 0 : i32
    %dma_wait3A_1060 = arith.constant 0 : i32
    %dma_wait3A_1061 = tpu.memref_slice %arg3[%select_n3A, %add3A_729, %dma_wait3A_1059, %dma_wait3A_1060] : memref<16x32x64x32xf32, #tpu.memory_space<hbm>> -> memref<1x1x64x32xf32, #tpu.memory_space<hbm>>
    %dma_wait3A_1062 = tpu.memref_squeeze %dma_wait3A_1061 : memref<1x1x64x32xf32, #tpu.memory_space<hbm>> -> memref<64x32xf32, #tpu.memory_space<hbm>>
    %dma_wait3A_1063 = arith.constant 0 : i32
    %dma_wait3A_1064 = arith.constant 0 : i32
    %dma_wait3A_1065 = tpu.memref_slice %arg3[%select_n3A, %add3A_729, %dma_wait3A_1063, %dma_wait3A_1064] : memref<16x32x64x32xf32, #tpu.memory_space<hbm>> -> memref<1x1x64x32xf32, #tpu.memory_space<hbm>>
    %dma_wait3A_1066 = tpu.memref_squeeze %dma_wait3A_1065 : memref<1x1x64x32xf32, #tpu.memory_space<hbm>> -> memref<64x32xf32, #tpu.memory_space<hbm>>
    %dma_wait3A_1067 = arith.constant 0 : i32
    %dma_wait3A_1068 = arith.constant 0 : i32
    %dma_wait3A_1069 = tpu.memref_slice %arg4[%dma_wait3A_1054, %dma_wait3A_1067, %dma_wait3A_1068] : memref<16x64x32xf32, #tpu.memory_space<vmem>> -> memref<1x64x32xf32, #tpu.memory_space<vmem>>
    %dma_wait3A_1070 = tpu.memref_squeeze %dma_wait3A_1069 : memref<1x64x32xf32, #tpu.memory_space<vmem>> -> memref<64x32xf32, #tpu.memory_space<vmem>>
    tpu.wait_dma2 semaphore(%arg5 : memref<!tpu.dma_semaphore, #tpu.memory_space<semaphore_mem>>) src(%dma_wait3A_1070 : memref<64x32xf32, #tpu.memory_space<vmem>>) dst(%dma_wait3A_1066 : memref<64x32xf32, #tpu.memory_space<hbm>>)
    %dma_wait3A_1071 = arith.constant 3 : i32
    %dma_wait3A_1072 = arith.constant 0 : i32
    %dma_wait3A_1073 = arith.constant 0 : i32
    %dma_wait3A_1074 = tpu.memref_slice %arg4[%dma_wait3A_1071, %dma_wait3A_1072, %dma_wait3A_1073] : memref<16x64x32xf32, #tpu.memory_space<vmem>> -> memref<1x64x32xf32, #tpu.memory_space<vmem>>
    %dma_wait3A_1075 = tpu.memref_squeeze %dma_wait3A_1074 : memref<1x64x32xf32, #tpu.memory_space<vmem>> -> memref<64x32xf32, #tpu.memory_space<vmem>>
    %dma_wait3A_1076 = arith.constant 0 : i32
    %dma_wait3A_1077 = arith.constant 0 : i32
    %dma_wait3A_1078 = tpu.memref_slice %arg3[%select_n3A, %add3A_750, %dma_wait3A_1076, %dma_wait3A_1077] : memref<16x32x64x32xf32, #tpu.memory_space<hbm>> -> memref<1x1x64x32xf32, #tpu.memory_space<hbm>>
    %dma_wait3A_1079 = tpu.memref_squeeze %dma_wait3A_1078 : memref<1x1x64x32xf32, #tpu.memory_space<hbm>> -> memref<64x32xf32, #tpu.memory_space<hbm>>
    %dma_wait3A_1080 = arith.constant 0 : i32
    %dma_wait3A_1081 = arith.constant 0 : i32
    %dma_wait3A_1082 = tpu.memref_slice %arg3[%select_n3A, %add3A_750, %dma_wait3A_1080, %dma_wait3A_1081] : memref<16x32x64x32xf32, #tpu.memory_space<hbm>> -> memref<1x1x64x32xf32, #tpu.memory_space<hbm>>
    %dma_wait3A_1083 = tpu.memref_squeeze %dma_wait3A_1082 : memref<1x1x64x32xf32, #tpu.memory_space<hbm>> -> memref<64x32xf32, #tpu.memory_space<hbm>>
    %dma_wait3A_1084 = arith.constant 0 : i32
    %dma_wait3A_1085 = arith.constant 0 : i32
    %dma_wait3A_1086 = tpu.memref_slice %arg4[%dma_wait3A_1071, %dma_wait3A_1084, %dma_wait3A_1085] : memref<16x64x32xf32, #tpu.memory_space<vmem>> -> memref<1x64x32xf32, #tpu.memory_space<vmem>>
    %dma_wait3A_1087 = tpu.memref_squeeze %dma_wait3A_1086 : memref<1x64x32xf32, #tpu.memory_space<vmem>> -> memref<64x32xf32, #tpu.memory_space<vmem>>
    tpu.wait_dma2 semaphore(%arg5 : memref<!tpu.dma_semaphore, #tpu.memory_space<semaphore_mem>>) src(%dma_wait3A_1087 : memref<64x32xf32, #tpu.memory_space<vmem>>) dst(%dma_wait3A_1083 : memref<64x32xf32, #tpu.memory_space<hbm>>)
    %dma_wait3A_1088 = arith.constant 4 : i32
    %dma_wait3A_1089 = arith.constant 0 : i32
    %dma_wait3A_1090 = arith.constant 0 : i32
    %dma_wait3A_1091 = tpu.memref_slice %arg4[%dma_wait3A_1088, %dma_wait3A_1089, %dma_wait3A_1090] : memref<16x64x32xf32, #tpu.memory_space<vmem>> -> memref<1x64x32xf32, #tpu.memory_space<vmem>>
    %dma_wait3A_1092 = tpu.memref_squeeze %dma_wait3A_1091 : memref<1x64x32xf32, #tpu.memory_space<vmem>> -> memref<64x32xf32, #tpu.memory_space<vmem>>
    %dma_wait3A_1093 = arith.constant 0 : i32
    %dma_wait3A_1094 = arith.constant 0 : i32
    %dma_wait3A_1095 = tpu.memref_slice %arg3[%select_n3A, %add3A_771, %dma_wait3A_1093, %dma_wait3A_1094] : memref<16x32x64x32xf32, #tpu.memory_space<hbm>> -> memref<1x1x64x32xf32, #tpu.memory_space<hbm>>
    %dma_wait3A_1096 = tpu.memref_squeeze %dma_wait3A_1095 : memref<1x1x64x32xf32, #tpu.memory_space<hbm>> -> memref<64x32xf32, #tpu.memory_space<hbm>>
    %dma_wait3A_1097 = arith.constant 0 : i32
    %dma_wait3A_1098 = arith.constant 0 : i32
    %dma_wait3A_1099 = tpu.memref_slice %arg3[%select_n3A, %add3A_771, %dma_wait3A_1097, %dma_wait3A_1098] : memref<16x32x64x32xf32, #tpu.memory_space<hbm>> -> memref<1x1x64x32xf32, #tpu.memory_space<hbm>>
    %dma_wait3A_1100 = tpu.memref_squeeze %dma_wait3A_1099 : memref<1x1x64x32xf32, #tpu.memory_space<hbm>> -> memref<64x32xf32, #tpu.memory_space<hbm>>
    %dma_wait3A_1101 = arith.constant 0 : i32
    %dma_wait3A_1102 = arith.constant 0 : i32
    %dma_wait3A_1103 = tpu.memref_slice %arg4[%dma_wait3A_1088, %dma_wait3A_1101, %dma_wait3A_1102] : memref<16x64x32xf32, #tpu.memory_space<vmem>> -> memref<1x64x32xf32, #tpu.memory_space<vmem>>
    %dma_wait3A_1104 = tpu.memref_squeeze %dma_wait3A_1103 : memref<1x64x32xf32, #tpu.memory_space<vmem>> -> memref<64x32xf32, #tpu.memory_space<vmem>>
    tpu.wait_dma2 semaphore(%arg5 : memref<!tpu.dma_semaphore, #tpu.memory_space<semaphore_mem>>) src(%dma_wait3A_1104 : memref<64x32xf32, #tpu.memory_space<vmem>>) dst(%dma_wait3A_1100 : memref<64x32xf32, #tpu.memory_space<hbm>>)
    %dma_wait3A_1105 = arith.constant 5 : i32
    %dma_wait3A_1106 = arith.constant 0 : i32
    %dma_wait3A_1107 = arith.constant 0 : i32
    %dma_wait3A_1108 = tpu.memref_slice %arg4[%dma_wait3A_1105, %dma_wait3A_1106, %dma_wait3A_1107] : memref<16x64x32xf32, #tpu.memory_space<vmem>> -> memref<1x64x32xf32, #tpu.memory_space<vmem>>
    %dma_wait3A_1109 = tpu.memref_squeeze %dma_wait3A_1108 : memref<1x64x32xf32, #tpu.memory_space<vmem>> -> memref<64x32xf32, #tpu.memory_space<vmem>>
    %dma_wait3A_1110 = arith.constant 0 : i32
    %dma_wait3A_1111 = arith.constant 0 : i32
    %dma_wait3A_1112 = tpu.memref_slice %arg3[%select_n3A, %add3A_792, %dma_wait3A_1110, %dma_wait3A_1111] : memref<16x32x64x32xf32, #tpu.memory_space<hbm>> -> memref<1x1x64x32xf32, #tpu.memory_space<hbm>>
    %dma_wait3A_1113 = tpu.memref_squeeze %dma_wait3A_1112 : memref<1x1x64x32xf32, #tpu.memory_space<hbm>> -> memref<64x32xf32, #tpu.memory_space<hbm>>
    %dma_wait3A_1114 = arith.constant 0 : i32
    %dma_wait3A_1115 = arith.constant 0 : i32
    %dma_wait3A_1116 = tpu.memref_slice %arg3[%select_n3A, %add3A_792, %dma_wait3A_1114, %dma_wait3A_1115] : memref<16x32x64x32xf32, #tpu.memory_space<hbm>> -> memref<1x1x64x32xf32, #tpu.memory_space<hbm>>
    %dma_wait3A_1117 = tpu.memref_squeeze %dma_wait3A_1116 : memref<1x1x64x32xf32, #tpu.memory_space<hbm>> -> memref<64x32xf32, #tpu.memory_space<hbm>>
    %dma_wait3A_1118 = arith.constant 0 : i32
    %dma_wait3A_1119 = arith.constant 0 : i32
    %dma_wait3A_1120 = tpu.memref_slice %arg4[%dma_wait3A_1105, %dma_wait3A_1118, %dma_wait3A_1119] : memref<16x64x32xf32, #tpu.memory_space<vmem>> -> memref<1x64x32xf32, #tpu.memory_space<vmem>>
    %dma_wait3A_1121 = tpu.memref_squeeze %dma_wait3A_1120 : memref<1x64x32xf32, #tpu.memory_space<vmem>> -> memref<64x32xf32, #tpu.memory_space<vmem>>
    tpu.wait_dma2 semaphore(%arg5 : memref<!tpu.dma_semaphore, #tpu.memory_space<semaphore_mem>>) src(%dma_wait3A_1121 : memref<64x32xf32, #tpu.memory_space<vmem>>) dst(%dma_wait3A_1117 : memref<64x32xf32, #tpu.memory_space<hbm>>)
    %dma_wait3A_1122 = arith.constant 6 : i32
    %dma_wait3A_1123 = arith.constant 0 : i32
    %dma_wait3A_1124 = arith.constant 0 : i32
    %dma_wait3A_1125 = tpu.memref_slice %arg4[%dma_wait3A_1122, %dma_wait3A_1123, %dma_wait3A_1124] : memref<16x64x32xf32, #tpu.memory_space<vmem>> -> memref<1x64x32xf32, #tpu.memory_space<vmem>>
    %dma_wait3A_1126 = tpu.memref_squeeze %dma_wait3A_1125 : memref<1x64x32xf32, #tpu.memory_space<vmem>> -> memref<64x32xf32, #tpu.memory_space<vmem>>
    %dma_wait3A_1127 = arith.constant 0 : i32
    %dma_wait3A_1128 = arith.constant 0 : i32
    %dma_wait3A_1129 = tpu.memref_slice %arg3[%select_n3A, %add3A_813, %dma_wait3A_1127, %dma_wait3A_1128] : memref<16x32x64x32xf32, #tpu.memory_space<hbm>> -> memref<1x1x64x32xf32, #tpu.memory_space<hbm>>
    %dma_wait3A_1130 = tpu.memref_squeeze %dma_wait3A_1129 : memref<1x1x64x32xf32, #tpu.memory_space<hbm>> -> memref<64x32xf32, #tpu.memory_space<hbm>>
    %dma_wait3A_1131 = arith.constant 0 : i32
    %dma_wait3A_1132 = arith.constant 0 : i32
    %dma_wait3A_1133 = tpu.memref_slice %arg3[%select_n3A, %add3A_813, %dma_wait3A_1131, %dma_wait3A_1132] : memref<16x32x64x32xf32, #tpu.memory_space<hbm>> -> memref<1x1x64x32xf32, #tpu.memory_space<hbm>>
    %dma_wait3A_1134 = tpu.memref_squeeze %dma_wait3A_1133 : memref<1x1x64x32xf32, #tpu.memory_space<hbm>> -> memref<64x32xf32, #tpu.memory_space<hbm>>
    %dma_wait3A_1135 = arith.constant 0 : i32
    %dma_wait3A_1136 = arith.constant 0 : i32
    %dma_wait3A_1137 = tpu.memref_slice %arg4[%dma_wait3A_1122, %dma_wait3A_1135, %dma_wait3A_1136] : memref<16x64x32xf32, #tpu.memory_space<vmem>> -> memref<1x64x32xf32, #tpu.memory_space<vmem>>
    %dma_wait3A_1138 = tpu.memref_squeeze %dma_wait3A_1137 : memref<1x64x32xf32, #tpu.memory_space<vmem>> -> memref<64x32xf32, #tpu.memory_space<vmem>>
    tpu.wait_dma2 semaphore(%arg5 : memref<!tpu.dma_semaphore, #tpu.memory_space<semaphore_mem>>) src(%dma_wait3A_1138 : memref<64x32xf32, #tpu.memory_space<vmem>>) dst(%dma_wait3A_1134 : memref<64x32xf32, #tpu.memory_space<hbm>>)
    %dma_wait3A_1139 = arith.constant 7 : i32
    %dma_wait3A_1140 = arith.constant 0 : i32
    %dma_wait3A_1141 = arith.constant 0 : i32
    %dma_wait3A_1142 = tpu.memref_slice %arg4[%dma_wait3A_1139, %dma_wait3A_1140, %dma_wait3A_1141] : memref<16x64x32xf32, #tpu.memory_space<vmem>> -> memref<1x64x32xf32, #tpu.memory_space<vmem>>
    %dma_wait3A_1143 = tpu.memref_squeeze %dma_wait3A_1142 : memref<1x64x32xf32, #tpu.memory_space<vmem>> -> memref<64x32xf32, #tpu.memory_space<vmem>>
    %dma_wait3A_1144 = arith.constant 0 : i32
    %dma_wait3A_1145 = arith.constant 0 : i32
    %dma_wait3A_1146 = tpu.memref_slice %arg3[%select_n3A, %add3A_834, %dma_wait3A_1144, %dma_wait3A_1145] : memref<16x32x64x32xf32, #tpu.memory_space<hbm>> -> memref<1x1x64x32xf32, #tpu.memory_space<hbm>>
    %dma_wait3A_1147 = tpu.memref_squeeze %dma_wait3A_1146 : memref<1x1x64x32xf32, #tpu.memory_space<hbm>> -> memref<64x32xf32, #tpu.memory_space<hbm>>
    %dma_wait3A_1148 = arith.constant 0 : i32
    %dma_wait3A_1149 = arith.constant 0 : i32
    %dma_wait3A_1150 = tpu.memref_slice %arg3[%select_n3A, %add3A_834, %dma_wait3A_1148, %dma_wait3A_1149] : memref<16x32x64x32xf32, #tpu.memory_space<hbm>> -> memref<1x1x64x32xf32, #tpu.memory_space<hbm>>
    %dma_wait3A_1151 = tpu.memref_squeeze %dma_wait3A_1150 : memref<1x1x64x32xf32, #tpu.memory_space<hbm>> -> memref<64x32xf32, #tpu.memory_space<hbm>>
    %dma_wait3A_1152 = arith.constant 0 : i32
    %dma_wait3A_1153 = arith.constant 0 : i32
    %dma_wait3A_1154 = tpu.memref_slice %arg4[%dma_wait3A_1139, %dma_wait3A_1152, %dma_wait3A_1153] : memref<16x64x32xf32, #tpu.memory_space<vmem>> -> memref<1x64x32xf32, #tpu.memory_space<vmem>>
    %dma_wait3A_1155 = tpu.memref_squeeze %dma_wait3A_1154 : memref<1x64x32xf32, #tpu.memory_space<vmem>> -> memref<64x32xf32, #tpu.memory_space<vmem>>
    tpu.wait_dma2 semaphore(%arg5 : memref<!tpu.dma_semaphore, #tpu.memory_space<semaphore_mem>>) src(%dma_wait3A_1155 : memref<64x32xf32, #tpu.memory_space<vmem>>) dst(%dma_wait3A_1151 : memref<64x32xf32, #tpu.memory_space<hbm>>)
    %dma_wait3A_1156 = arith.constant 8 : i32
    %dma_wait3A_1157 = arith.constant 0 : i32
    %dma_wait3A_1158 = arith.constant 0 : i32
    %dma_wait3A_1159 = tpu.memref_slice %arg4[%dma_wait3A_1156, %dma_wait3A_1157, %dma_wait3A_1158] : memref<16x64x32xf32, #tpu.memory_space<vmem>> -> memref<1x64x32xf32, #tpu.memory_space<vmem>>
    %dma_wait3A_1160 = tpu.memref_squeeze %dma_wait3A_1159 : memref<1x64x32xf32, #tpu.memory_space<vmem>> -> memref<64x32xf32, #tpu.memory_space<vmem>>
    %dma_wait3A_1161 = arith.constant 0 : i32
    %dma_wait3A_1162 = arith.constant 0 : i32
    %dma_wait3A_1163 = tpu.memref_slice %arg3[%select_n3A, %add3A_855, %dma_wait3A_1161, %dma_wait3A_1162] : memref<16x32x64x32xf32, #tpu.memory_space<hbm>> -> memref<1x1x64x32xf32, #tpu.memory_space<hbm>>
    %dma_wait3A_1164 = tpu.memref_squeeze %dma_wait3A_1163 : memref<1x1x64x32xf32, #tpu.memory_space<hbm>> -> memref<64x32xf32, #tpu.memory_space<hbm>>
    %dma_wait3A_1165 = arith.constant 0 : i32
    %dma_wait3A_1166 = arith.constant 0 : i32
    %dma_wait3A_1167 = tpu.memref_slice %arg3[%select_n3A, %add3A_855, %dma_wait3A_1165, %dma_wait3A_1166] : memref<16x32x64x32xf32, #tpu.memory_space<hbm>> -> memref<1x1x64x32xf32, #tpu.memory_space<hbm>>
    %dma_wait3A_1168 = tpu.memref_squeeze %dma_wait3A_1167 : memref<1x1x64x32xf32, #tpu.memory_space<hbm>> -> memref<64x32xf32, #tpu.memory_space<hbm>>
    %dma_wait3A_1169 = arith.constant 0 : i32
    %dma_wait3A_1170 = arith.constant 0 : i32
    %dma_wait3A_1171 = tpu.memref_slice %arg4[%dma_wait3A_1156, %dma_wait3A_1169, %dma_wait3A_1170] : memref<16x64x32xf32, #tpu.memory_space<vmem>> -> memref<1x64x32xf32, #tpu.memory_space<vmem>>
    %dma_wait3A_1172 = tpu.memref_squeeze %dma_wait3A_1171 : memref<1x64x32xf32, #tpu.memory_space<vmem>> -> memref<64x32xf32, #tpu.memory_space<vmem>>
    tpu.wait_dma2 semaphore(%arg5 : memref<!tpu.dma_semaphore, #tpu.memory_space<semaphore_mem>>) src(%dma_wait3A_1172 : memref<64x32xf32, #tpu.memory_space<vmem>>) dst(%dma_wait3A_1168 : memref<64x32xf32, #tpu.memory_space<hbm>>)
    %dma_wait3A_1173 = arith.constant 9 : i32
    %dma_wait3A_1174 = arith.constant 0 : i32
    %dma_wait3A_1175 = arith.constant 0 : i32
    %dma_wait3A_1176 = tpu.memref_slice %arg4[%dma_wait3A_1173, %dma_wait3A_1174, %dma_wait3A_1175] : memref<16x64x32xf32, #tpu.memory_space<vmem>> -> memref<1x64x32xf32, #tpu.memory_space<vmem>>
    %dma_wait3A_1177 = tpu.memref_squeeze %dma_wait3A_1176 : memref<1x64x32xf32, #tpu.memory_space<vmem>> -> memref<64x32xf32, #tpu.memory_space<vmem>>
    %dma_wait3A_1178 = arith.constant 0 : i32
    %dma_wait3A_1179 = arith.constant 0 : i32
    %dma_wait3A_1180 = tpu.memref_slice %arg3[%select_n3A, %add3A_876, %dma_wait3A_1178, %dma_wait3A_1179] : memref<16x32x64x32xf32, #tpu.memory_space<hbm>> -> memref<1x1x64x32xf32, #tpu.memory_space<hbm>>
    %dma_wait3A_1181 = tpu.memref_squeeze %dma_wait3A_1180 : memref<1x1x64x32xf32, #tpu.memory_space<hbm>> -> memref<64x32xf32, #tpu.memory_space<hbm>>
    %dma_wait3A_1182 = arith.constant 0 : i32
    %dma_wait3A_1183 = arith.constant 0 : i32
    %dma_wait3A_1184 = tpu.memref_slice %arg3[%select_n3A, %add3A_876, %dma_wait3A_1182, %dma_wait3A_1183] : memref<16x32x64x32xf32, #tpu.memory_space<hbm>> -> memref<1x1x64x32xf32, #tpu.memory_space<hbm>>
    %dma_wait3A_1185 = tpu.memref_squeeze %dma_wait3A_1184 : memref<1x1x64x32xf32, #tpu.memory_space<hbm>> -> memref<64x32xf32, #tpu.memory_space<hbm>>
    %dma_wait3A_1186 = arith.constant 0 : i32
    %dma_wait3A_1187 = arith.constant 0 : i32
    %dma_wait3A_1188 = tpu.memref_slice %arg4[%dma_wait3A_1173, %dma_wait3A_1186, %dma_wait3A_1187] : memref<16x64x32xf32, #tpu.memory_space<vmem>> -> memref<1x64x32xf32, #tpu.memory_space<vmem>>
    %dma_wait3A_1189 = tpu.memref_squeeze %dma_wait3A_1188 : memref<1x64x32xf32, #tpu.memory_space<vmem>> -> memref<64x32xf32, #tpu.memory_space<vmem>>
    tpu.wait_dma2 semaphore(%arg5 : memref<!tpu.dma_semaphore, #tpu.memory_space<semaphore_mem>>) src(%dma_wait3A_1189 : memref<64x32xf32, #tpu.memory_space<vmem>>) dst(%dma_wait3A_1185 : memref<64x32xf32, #tpu.memory_space<hbm>>)
    %dma_wait3A_1190 = arith.constant 10 : i32
    %dma_wait3A_1191 = arith.constant 0 : i32
    %dma_wait3A_1192 = arith.constant 0 : i32
    %dma_wait3A_1193 = tpu.memref_slice %arg4[%dma_wait3A_1190, %dma_wait3A_1191, %dma_wait3A_1192] : memref<16x64x32xf32, #tpu.memory_space<vmem>> -> memref<1x64x32xf32, #tpu.memory_space<vmem>>
    %dma_wait3A_1194 = tpu.memref_squeeze %dma_wait3A_1193 : memref<1x64x32xf32, #tpu.memory_space<vmem>> -> memref<64x32xf32, #tpu.memory_space<vmem>>
    %dma_wait3A_1195 = arith.constant 0 : i32
    %dma_wait3A_1196 = arith.constant 0 : i32
    %dma_wait3A_1197 = tpu.memref_slice %arg3[%select_n3A, %add3A_897, %dma_wait3A_1195, %dma_wait3A_1196] : memref<16x32x64x32xf32, #tpu.memory_space<hbm>> -> memref<1x1x64x32xf32, #tpu.memory_space<hbm>>
    %dma_wait3A_1198 = tpu.memref_squeeze %dma_wait3A_1197 : memref<1x1x64x32xf32, #tpu.memory_space<hbm>> -> memref<64x32xf32, #tpu.memory_space<hbm>>
    %dma_wait3A_1199 = arith.constant 0 : i32
    %dma_wait3A_1200 = arith.constant 0 : i32
    %dma_wait3A_1201 = tpu.memref_slice %arg3[%select_n3A, %add3A_897, %dma_wait3A_1199, %dma_wait3A_1200] : memref<16x32x64x32xf32, #tpu.memory_space<hbm>> -> memref<1x1x64x32xf32, #tpu.memory_space<hbm>>
    %dma_wait3A_1202 = tpu.memref_squeeze %dma_wait3A_1201 : memref<1x1x64x32xf32, #tpu.memory_space<hbm>> -> memref<64x32xf32, #tpu.memory_space<hbm>>
    %dma_wait3A_1203 = arith.constant 0 : i32
    %dma_wait3A_1204 = arith.constant 0 : i32
    %dma_wait3A_1205 = tpu.memref_slice %arg4[%dma_wait3A_1190, %dma_wait3A_1203, %dma_wait3A_1204] : memref<16x64x32xf32, #tpu.memory_space<vmem>> -> memref<1x64x32xf32, #tpu.memory_space<vmem>>
    %dma_wait3A_1206 = tpu.memref_squeeze %dma_wait3A_1205 : memref<1x64x32xf32, #tpu.memory_space<vmem>> -> memref<64x32xf32, #tpu.memory_space<vmem>>
    tpu.wait_dma2 semaphore(%arg5 : memref<!tpu.dma_semaphore, #tpu.memory_space<semaphore_mem>>) src(%dma_wait3A_1206 : memref<64x32xf32, #tpu.memory_space<vmem>>) dst(%dma_wait3A_1202 : memref<64x32xf32, #tpu.memory_space<hbm>>)
    %dma_wait3A_1207 = arith.constant 11 : i32
    %dma_wait3A_1208 = arith.constant 0 : i32
    %dma_wait3A_1209 = arith.constant 0 : i32
    %dma_wait3A_1210 = tpu.memref_slice %arg4[%dma_wait3A_1207, %dma_wait3A_1208, %dma_wait3A_1209] : memref<16x64x32xf32, #tpu.memory_space<vmem>> -> memref<1x64x32xf32, #tpu.memory_space<vmem>>
    %dma_wait3A_1211 = tpu.memref_squeeze %dma_wait3A_1210 : memref<1x64x32xf32, #tpu.memory_space<vmem>> -> memref<64x32xf32, #tpu.memory_space<vmem>>
    %dma_wait3A_1212 = arith.constant 0 : i32
    %dma_wait3A_1213 = arith.constant 0 : i32
    %dma_wait3A_1214 = tpu.memref_slice %arg3[%select_n3A, %add3A_918, %dma_wait3A_1212, %dma_wait3A_1213] : memref<16x32x64x32xf32, #tpu.memory_space<hbm>> -> memref<1x1x64x32xf32, #tpu.memory_space<hbm>>
    %dma_wait3A_1215 = tpu.memref_squeeze %dma_wait3A_1214 : memref<1x1x64x32xf32, #tpu.memory_space<hbm>> -> memref<64x32xf32, #tpu.memory_space<hbm>>
    %dma_wait3A_1216 = arith.constant 0 : i32
    %dma_wait3A_1217 = arith.constant 0 : i32
    %dma_wait3A_1218 = tpu.memref_slice %arg3[%select_n3A, %add3A_918, %dma_wait3A_1216, %dma_wait3A_1217] : memref<16x32x64x32xf32, #tpu.memory_space<hbm>> -> memref<1x1x64x32xf32, #tpu.memory_space<hbm>>
    %dma_wait3A_1219 = tpu.memref_squeeze %dma_wait3A_1218 : memref<1x1x64x32xf32, #tpu.memory_space<hbm>> -> memref<64x32xf32, #tpu.memory_space<hbm>>
    %dma_wait3A_1220 = arith.constant 0 : i32
    %dma_wait3A_1221 = arith.constant 0 : i32
    %dma_wait3A_1222 = tpu.memref_slice %arg4[%dma_wait3A_1207, %dma_wait3A_1220, %dma_wait3A_1221] : memref<16x64x32xf32, #tpu.memory_space<vmem>> -> memref<1x64x32xf32, #tpu.memory_space<vmem>>
    %dma_wait3A_1223 = tpu.memref_squeeze %dma_wait3A_1222 : memref<1x64x32xf32, #tpu.memory_space<vmem>> -> memref<64x32xf32, #tpu.memory_space<vmem>>
    tpu.wait_dma2 semaphore(%arg5 : memref<!tpu.dma_semaphore, #tpu.memory_space<semaphore_mem>>) src(%dma_wait3A_1223 : memref<64x32xf32, #tpu.memory_space<vmem>>) dst(%dma_wait3A_1219 : memref<64x32xf32, #tpu.memory_space<hbm>>)
    %dma_wait3A_1224 = arith.constant 12 : i32
    %dma_wait3A_1225 = arith.constant 0 : i32
    %dma_wait3A_1226 = arith.constant 0 : i32
    %dma_wait3A_1227 = tpu.memref_slice %arg4[%dma_wait3A_1224, %dma_wait3A_1225, %dma_wait3A_1226] : memref<16x64x32xf32, #tpu.memory_space<vmem>> -> memref<1x64x32xf32, #tpu.memory_space<vmem>>
    %dma_wait3A_1228 = tpu.memref_squeeze %dma_wait3A_1227 : memref<1x64x32xf32, #tpu.memory_space<vmem>> -> memref<64x32xf32, #tpu.memory_space<vmem>>
    %dma_wait3A_1229 = arith.constant 0 : i32
    %dma_wait3A_1230 = arith.constant 0 : i32
    %dma_wait3A_1231 = tpu.memref_slice %arg3[%select_n3A, %add3A_939, %dma_wait3A_1229, %dma_wait3A_1230] : memref<16x32x64x32xf32, #tpu.memory_space<hbm>> -> memref<1x1x64x32xf32, #tpu.memory_space<hbm>>
    %dma_wait3A_1232 = tpu.memref_squeeze %dma_wait3A_1231 : memref<1x1x64x32xf32, #tpu.memory_space<hbm>> -> memref<64x32xf32, #tpu.memory_space<hbm>>
    %dma_wait3A_1233 = arith.constant 0 : i32
    %dma_wait3A_1234 = arith.constant 0 : i32
    %dma_wait3A_1235 = tpu.memref_slice %arg3[%select_n3A, %add3A_939, %dma_wait3A_1233, %dma_wait3A_1234] : memref<16x32x64x32xf32, #tpu.memory_space<hbm>> -> memref<1x1x64x32xf32, #tpu.memory_space<hbm>>
    %dma_wait3A_1236 = tpu.memref_squeeze %dma_wait3A_1235 : memref<1x1x64x32xf32, #tpu.memory_space<hbm>> -> memref<64x32xf32, #tpu.memory_space<hbm>>
    %dma_wait3A_1237 = arith.constant 0 : i32
    %dma_wait3A_1238 = arith.constant 0 : i32
    %dma_wait3A_1239 = tpu.memref_slice %arg4[%dma_wait3A_1224, %dma_wait3A_1237, %dma_wait3A_1238] : memref<16x64x32xf32, #tpu.memory_space<vmem>> -> memref<1x64x32xf32, #tpu.memory_space<vmem>>
    %dma_wait3A_1240 = tpu.memref_squeeze %dma_wait3A_1239 : memref<1x64x32xf32, #tpu.memory_space<vmem>> -> memref<64x32xf32, #tpu.memory_space<vmem>>
    tpu.wait_dma2 semaphore(%arg5 : memref<!tpu.dma_semaphore, #tpu.memory_space<semaphore_mem>>) src(%dma_wait3A_1240 : memref<64x32xf32, #tpu.memory_space<vmem>>) dst(%dma_wait3A_1236 : memref<64x32xf32, #tpu.memory_space<hbm>>)
    %dma_wait3A_1241 = arith.constant 13 : i32
    %dma_wait3A_1242 = arith.constant 0 : i32
    %dma_wait3A_1243 = arith.constant 0 : i32
    %dma_wait3A_1244 = tpu.memref_slice %arg4[%dma_wait3A_1241, %dma_wait3A_1242, %dma_wait3A_1243] : memref<16x64x32xf32, #tpu.memory_space<vmem>> -> memref<1x64x32xf32, #tpu.memory_space<vmem>>
    %dma_wait3A_1245 = tpu.memref_squeeze %dma_wait3A_1244 : memref<1x64x32xf32, #tpu.memory_space<vmem>> -> memref<64x32xf32, #tpu.memory_space<vmem>>
    %dma_wait3A_1246 = arith.constant 0 : i32
    %dma_wait3A_1247 = arith.constant 0 : i32
    %dma_wait3A_1248 = tpu.memref_slice %arg3[%select_n3A, %add3A_960, %dma_wait3A_1246, %dma_wait3A_1247] : memref<16x32x64x32xf32, #tpu.memory_space<hbm>> -> memref<1x1x64x32xf32, #tpu.memory_space<hbm>>
    %dma_wait3A_1249 = tpu.memref_squeeze %dma_wait3A_1248 : memref<1x1x64x32xf32, #tpu.memory_space<hbm>> -> memref<64x32xf32, #tpu.memory_space<hbm>>
    %dma_wait3A_1250 = arith.constant 0 : i32
    %dma_wait3A_1251 = arith.constant 0 : i32
    %dma_wait3A_1252 = tpu.memref_slice %arg3[%select_n3A, %add3A_960, %dma_wait3A_1250, %dma_wait3A_1251] : memref<16x32x64x32xf32, #tpu.memory_space<hbm>> -> memref<1x1x64x32xf32, #tpu.memory_space<hbm>>
    %dma_wait3A_1253 = tpu.memref_squeeze %dma_wait3A_1252 : memref<1x1x64x32xf32, #tpu.memory_space<hbm>> -> memref<64x32xf32, #tpu.memory_space<hbm>>
    %dma_wait3A_1254 = arith.constant 0 : i32
    %dma_wait3A_1255 = arith.constant 0 : i32
    %dma_wait3A_1256 = tpu.memref_slice %arg4[%dma_wait3A_1241, %dma_wait3A_1254, %dma_wait3A_1255] : memref<16x64x32xf32, #tpu.memory_space<vmem>> -> memref<1x64x32xf32, #tpu.memory_space<vmem>>
    %dma_wait3A_1257 = tpu.memref_squeeze %dma_wait3A_1256 : memref<1x64x32xf32, #tpu.memory_space<vmem>> -> memref<64x32xf32, #tpu.memory_space<vmem>>
    tpu.wait_dma2 semaphore(%arg5 : memref<!tpu.dma_semaphore, #tpu.memory_space<semaphore_mem>>) src(%dma_wait3A_1257 : memref<64x32xf32, #tpu.memory_space<vmem>>) dst(%dma_wait3A_1253 : memref<64x32xf32, #tpu.memory_space<hbm>>)
    %dma_wait3A_1258 = arith.constant 14 : i32
    %dma_wait3A_1259 = arith.constant 0 : i32
    %dma_wait3A_1260 = arith.constant 0 : i32
    %dma_wait3A_1261 = tpu.memref_slice %arg4[%dma_wait3A_1258, %dma_wait3A_1259, %dma_wait3A_1260] : memref<16x64x32xf32, #tpu.memory_space<vmem>> -> memref<1x64x32xf32, #tpu.memory_space<vmem>>
    %dma_wait3A_1262 = tpu.memref_squeeze %dma_wait3A_1261 : memref<1x64x32xf32, #tpu.memory_space<vmem>> -> memref<64x32xf32, #tpu.memory_space<vmem>>
    %dma_wait3A_1263 = arith.constant 0 : i32
    %dma_wait3A_1264 = arith.constant 0 : i32
    %dma_wait3A_1265 = tpu.memref_slice %arg3[%select_n3A, %add3A_981, %dma_wait3A_1263, %dma_wait3A_1264] : memref<16x32x64x32xf32, #tpu.memory_space<hbm>> -> memref<1x1x64x32xf32, #tpu.memory_space<hbm>>
    %dma_wait3A_1266 = tpu.memref_squeeze %dma_wait3A_1265 : memref<1x1x64x32xf32, #tpu.memory_space<hbm>> -> memref<64x32xf32, #tpu.memory_space<hbm>>
    %dma_wait3A_1267 = arith.constant 0 : i32
    %dma_wait3A_1268 = arith.constant 0 : i32
    %dma_wait3A_1269 = tpu.memref_slice %arg3[%select_n3A, %add3A_981, %dma_wait3A_1267, %dma_wait3A_1268] : memref<16x32x64x32xf32, #tpu.memory_space<hbm>> -> memref<1x1x64x32xf32, #tpu.memory_space<hbm>>
    %dma_wait3A_1270 = tpu.memref_squeeze %dma_wait3A_1269 : memref<1x1x64x32xf32, #tpu.memory_space<hbm>> -> memref<64x32xf32, #tpu.memory_space<hbm>>
    %dma_wait3A_1271 = arith.constant 0 : i32
    %dma_wait3A_1272 = arith.constant 0 : i32
    %dma_wait3A_1273 = tpu.memref_slice %arg4[%dma_wait3A_1258, %dma_wait3A_1271, %dma_wait3A_1272] : memref<16x64x32xf32, #tpu.memory_space<vmem>> -> memref<1x64x32xf32, #tpu.memory_space<vmem>>
    %dma_wait3A_1274 = tpu.memref_squeeze %dma_wait3A_1273 : memref<1x64x32xf32, #tpu.memory_space<vmem>> -> memref<64x32xf32, #tpu.memory_space<vmem>>
    tpu.wait_dma2 semaphore(%arg5 : memref<!tpu.dma_semaphore, #tpu.memory_space<semaphore_mem>>) src(%dma_wait3A_1274 : memref<64x32xf32, #tpu.memory_space<vmem>>) dst(%dma_wait3A_1270 : memref<64x32xf32, #tpu.memory_space<hbm>>)
    %dma_wait3A_1275 = arith.constant 15 : i32
    %dma_wait3A_1276 = arith.constant 0 : i32
    %dma_wait3A_1277 = arith.constant 0 : i32
    %dma_wait3A_1278 = tpu.memref_slice %arg4[%dma_wait3A_1275, %dma_wait3A_1276, %dma_wait3A_1277] : memref<16x64x32xf32, #tpu.memory_space<vmem>> -> memref<1x64x32xf32, #tpu.memory_space<vmem>>
    %dma_wait3A_1279 = tpu.memref_squeeze %dma_wait3A_1278 : memref<1x64x32xf32, #tpu.memory_space<vmem>> -> memref<64x32xf32, #tpu.memory_space<vmem>>
    %dma_wait3A_1280 = arith.constant 0 : i32
    %dma_wait3A_1281 = arith.constant 0 : i32
    %dma_wait3A_1282 = tpu.memref_slice %arg3[%select_n3A, %add3A_1002, %dma_wait3A_1280, %dma_wait3A_1281] : memref<16x32x64x32xf32, #tpu.memory_space<hbm>> -> memref<1x1x64x32xf32, #tpu.memory_space<hbm>>
    %dma_wait3A_1283 = tpu.memref_squeeze %dma_wait3A_1282 : memref<1x1x64x32xf32, #tpu.memory_space<hbm>> -> memref<64x32xf32, #tpu.memory_space<hbm>>
    %dma_wait3A_1284 = arith.constant 0 : i32
    %dma_wait3A_1285 = arith.constant 0 : i32
    %dma_wait3A_1286 = tpu.memref_slice %arg3[%select_n3A, %add3A_1002, %dma_wait3A_1284, %dma_wait3A_1285] : memref<16x32x64x32xf32, #tpu.memory_space<hbm>> -> memref<1x1x64x32xf32, #tpu.memory_space<hbm>>
    %dma_wait3A_1287 = tpu.memref_squeeze %dma_wait3A_1286 : memref<1x1x64x32xf32, #tpu.memory_space<hbm>> -> memref<64x32xf32, #tpu.memory_space<hbm>>
    %dma_wait3A_1288 = arith.constant 0 : i32
    %dma_wait3A_1289 = arith.constant 0 : i32
    %dma_wait3A_1290 = tpu.memref_slice %arg4[%dma_wait3A_1275, %dma_wait3A_1288, %dma_wait3A_1289] : memref<16x64x32xf32, #tpu.memory_space<vmem>> -> memref<1x64x32xf32, #tpu.memory_space<vmem>>
    %dma_wait3A_1291 = tpu.memref_squeeze %dma_wait3A_1290 : memref<1x64x32xf32, #tpu.memory_space<vmem>> -> memref<64x32xf32, #tpu.memory_space<vmem>>
    tpu.wait_dma2 semaphore(%arg5 : memref<!tpu.dma_semaphore, #tpu.memory_space<semaphore_mem>>) src(%dma_wait3A_1291 : memref<64x32xf32, #tpu.memory_space<vmem>>) dst(%dma_wait3A_1287 : memref<64x32xf32, #tpu.memory_space<hbm>>)
    return
  }
}

module attributes {stable_mosaic.version = 14 : i64} {
  func.func @body(%arg0: i32, %arg1: memref<16x32x2048xf32, #tpu.memory_space<vmem>>, %arg2: memref<1x1x1024x1024xf32, #tpu.memory_space<vmem>>) attributes {dimension_semantics = [#tpu.dimension_semantics<arbitrary>], iteration_bounds = array<i64: 16>, scalar_prefetch = 0 : i64, scratch_operands = 0 : i64, tpu.core_type = #tpu.core_type<tc>, window_params = [{pipeline_mode = #tpu.pipeline_mode<synchronous>, transform_indices = @transform_0, window_bounds = array<i64: 16, 32, 2048>}, {transform_indices = @transform_1, window_bounds = array<i64: 1, 1, 1024, 1024>}]} {
    %multiple_of3A = arith.constant 896 : i32
    %multiple_of3A_0 = tpu.assume_multiple %multiple_of3A, 128 : i32
    %get3A = arith.index_cast %arg0 : i32 to index
    %get3A_1 = arith.constant 0 : index
    %get3A_2 = arith.index_cast %multiple_of3A_0 : i32 to index
    %get3A_3 = vector.load %arg1[%get3A, %get3A_1, %get3A_2] : memref<16x32x2048xf32, #tpu.memory_space<vmem>>, vector<1x32x1152xf32>
    %get3A_4 = vector.shape_cast %get3A_3 : vector<1x32x1152xf32> to vector<32x1152xf32>
    %roll3A = arith.constant 1056 : i32
    %roll3A_5 = tpu.dynamic_rotate %get3A_4 by %roll3A dim 1 : vector<32x1152xf32>, i32 -> vector<32x1152xf32>
    %slice3A = vector.extract_strided_slice %roll3A_5 {offsets = [0, 0], sizes = [32, 1024], strides = [1, 1]} : vector<32x1152xf32> to vector<32x1024xf32>
    %swap3A = arith.constant 0 : index
    %swap3A_6 = arith.constant 0 : index
    %swap3A_7 = arith.constant 0 : index
    %swap3A_8 = arith.constant 0 : index
    %swap3A_9 = vector.load %arg2[%swap3A, %swap3A_6, %swap3A_7, %swap3A_8] : memref<1x1x1024x1024xf32, #tpu.memory_space<vmem>>, vector<1x1x32x1024xf32>
    %swap3A_10 = vector.shape_cast %swap3A_9 : vector<1x1x32x1024xf32> to vector<32x1024xf32>
    %swap3A_11 = vector.shape_cast %slice3A : vector<32x1024xf32> to vector<1x1x32x1024xf32>
    tpu.vector_store %arg2[%swap3A, %swap3A_6, %swap3A_7, %swap3A_8], %swap3A_11 {strides = array<i32>} : memref<1x1x1024x1024xf32, #tpu.memory_space<vmem>>, vector<1x1x32x1024xf32>,
    %multiple_of3A_12 = arith.constant 896 : i32
    %multiple_of3A_13 = tpu.assume_multiple %multiple_of3A_12, 128 : i32
    %get3A_14 = arith.index_cast %arg0 : i32 to index
    %get3A_15 = arith.constant 0 : index
    %get3A_16 = arith.index_cast %multiple_of3A_13 : i32 to index
    %get3A_17 = vector.load %arg1[%get3A_14, %get3A_15, %get3A_16] : memref<16x32x2048xf32, #tpu.memory_space<vmem>>, vector<1x32x1152xf32>
    %get3A_18 = vector.shape_cast %get3A_17 : vector<1x32x1152xf32> to vector<32x1152xf32>
    %roll3A_19 = arith.constant 1088 : i32
    %roll3A_20 = tpu.dynamic_rotate %get3A_18 by %roll3A_19 dim 1 : vector<32x1152xf32>, i32 -> vector<32x1152xf32>
    %slice3A_21 = vector.extract_strided_slice %roll3A_20 {offsets = [0, 0], sizes = [32, 1024], strides = [1, 1]} : vector<32x1152xf32> to vector<32x1024xf32>
    %swap3A_22 = arith.constant 0 : index
    %swap3A_23 = arith.constant 0 : index
    %swap3A_24 = arith.constant 32 : index
    %swap3A_25 = arith.constant 0 : index
    %swap3A_26 = vector.load %arg2[%swap3A_22, %swap3A_23, %swap3A_24, %swap3A_25] : memref<1x1x1024x1024xf32, #tpu.memory_space<vmem>>, vector<1x1x32x1024xf32>
    %swap3A_27 = vector.shape_cast %swap3A_26 : vector<1x1x32x1024xf32> to vector<32x1024xf32>
    %swap3A_28 = vector.shape_cast %slice3A_21 : vector<32x1024xf32> to vector<1x1x32x1024xf32>
    tpu.vector_store %arg2[%swap3A_22, %swap3A_23, %swap3A_24, %swap3A_25], %swap3A_28 {strides = array<i32>} : memref<1x1x1024x1024xf32, #tpu.memory_space<vmem>>, vector<1x1x32x1024xf32>,
    %multiple_of3A_29 = arith.constant 896 : i32
    %multiple_of3A_30 = tpu.assume_multiple %multiple_of3A_29, 128 : i32
    %get3A_31 = arith.index_cast %arg0 : i32 to index
    %get3A_32 = arith.constant 0 : index
    %get3A_33 = arith.index_cast %multiple_of3A_30 : i32 to index
    %get3A_34 = vector.load %arg1[%get3A_31, %get3A_32, %get3A_33] : memref<16x32x2048xf32, #tpu.memory_space<vmem>>, vector<1x32x1152xf32>
    %get3A_35 = vector.shape_cast %get3A_34 : vector<1x32x1152xf32> to vector<32x1152xf32>
    %roll3A_36 = arith.constant 1120 : i32
    %roll3A_37 = tpu.dynamic_rotate %get3A_35 by %roll3A_36 dim 1 : vector<32x1152xf32>, i32 -> vector<32x1152xf32>
    %slice3A_38 = vector.extract_strided_slice %roll3A_37 {offsets = [0, 0], sizes = [32, 1024], strides = [1, 1]} : vector<32x1152xf32> to vector<32x1024xf32>
    %swap3A_39 = arith.constant 0 : index
    %swap3A_40 = arith.constant 0 : index
    %swap3A_41 = arith.constant 64 : index
    %swap3A_42 = arith.constant 0 : index
    %swap3A_43 = vector.load %arg2[%swap3A_39, %swap3A_40, %swap3A_41, %swap3A_42] : memref<1x1x1024x1024xf32, #tpu.memory_space<vmem>>, vector<1x1x32x1024xf32>
    %swap3A_44 = vector.shape_cast %swap3A_43 : vector<1x1x32x1024xf32> to vector<32x1024xf32>
    %swap3A_45 = vector.shape_cast %slice3A_38 : vector<32x1024xf32> to vector<1x1x32x1024xf32>
    tpu.vector_store %arg2[%swap3A_39, %swap3A_40, %swap3A_41, %swap3A_42], %swap3A_45 {strides = array<i32>} : memref<1x1x1024x1024xf32, #tpu.memory_space<vmem>>, vector<1x1x32x1024xf32>,
    %multiple_of3A_46 = arith.constant 896 : i32
    %multiple_of3A_47 = tpu.assume_multiple %multiple_of3A_46, 128 : i32
    %get3A_48 = arith.index_cast %arg0 : i32 to index
    %get3A_49 = arith.constant 0 : index
    %get3A_50 = arith.index_cast %multiple_of3A_47 : i32 to index
    %get3A_51 = vector.load %arg1[%get3A_48, %get3A_49, %get3A_50] : memref<16x32x2048xf32, #tpu.memory_space<vmem>>, vector<1x32x1152xf32>
    %get3A_52 = vector.shape_cast %get3A_51 : vector<1x32x1152xf32> to vector<32x1152xf32>
    %slice3A_53 = vector.extract_strided_slice %get3A_52 {offsets = [0, 0], sizes = [32, 1024], strides = [1, 1]} : vector<32x1152xf32> to vector<32x1024xf32>
    %swap3A_54 = arith.constant 0 : index
    %swap3A_55 = arith.constant 0 : index
    %swap3A_56 = arith.constant 96 : index
    %swap3A_57 = arith.constant 0 : index
    %swap3A_58 = vector.load %arg2[%swap3A_54, %swap3A_55, %swap3A_56, %swap3A_57] : memref<1x1x1024x1024xf32, #tpu.memory_space<vmem>>, vector<1x1x32x1024xf32>
    %swap3A_59 = vector.shape_cast %swap3A_58 : vector<1x1x32x1024xf32> to vector<32x1024xf32>
    %swap3A_60 = vector.shape_cast %slice3A_53 : vector<32x1024xf32> to vector<1x1x32x1024xf32>
    tpu.vector_store %arg2[%swap3A_54, %swap3A_55, %swap3A_56, %swap3A_57], %swap3A_60 {strides = array<i32>} : memref<1x1x1024x1024xf32, #tpu.memory_space<vmem>>, vector<1x1x32x1024xf32>,
    %multiple_of3A_61 = arith.constant 768 : i32
    %multiple_of3A_62 = tpu.assume_multiple %multiple_of3A_61, 128 : i32
    %get3A_63 = arith.index_cast %arg0 : i32 to index
    %get3A_64 = arith.constant 0 : index
    %get3A_65 = arith.index_cast %multiple_of3A_62 : i32 to index
    %get3A_66 = vector.load %arg1[%get3A_63, %get3A_64, %get3A_65] : memref<16x32x2048xf32, #tpu.memory_space<vmem>>, vector<1x32x1152xf32>
    %get3A_67 = vector.shape_cast %get3A_66 : vector<1x32x1152xf32> to vector<32x1152xf32>
    %roll3A_68 = arith.constant 1056 : i32
    %roll3A_69 = tpu.dynamic_rotate %get3A_67 by %roll3A_68 dim 1 : vector<32x1152xf32>, i32 -> vector<32x1152xf32>
    %slice3A_70 = vector.extract_strided_slice %roll3A_69 {offsets = [0, 0], sizes = [32, 1024], strides = [1, 1]} : vector<32x1152xf32> to vector<32x1024xf32>
    %swap3A_71 = arith.constant 0 : index
    %swap3A_72 = arith.constant 0 : index
    %swap3A_73 = arith.constant 128 : index
    %swap3A_74 = arith.constant 0 : index
    %swap3A_75 = vector.load %arg2[%swap3A_71, %swap3A_72, %swap3A_73, %swap3A_74] : memref<1x1x1024x1024xf32, #tpu.memory_space<vmem>>, vector<1x1x32x1024xf32>
    %swap3A_76 = vector.shape_cast %swap3A_75 : vector<1x1x32x1024xf32> to vector<32x1024xf32>
    %swap3A_77 = vector.shape_cast %slice3A_70 : vector<32x1024xf32> to vector<1x1x32x1024xf32>
    tpu.vector_store %arg2[%swap3A_71, %swap3A_72, %swap3A_73, %swap3A_74], %swap3A_77 {strides = array<i32>} : memref<1x1x1024x1024xf32, #tpu.memory_space<vmem>>, vector<1x1x32x1024xf32>,
    %multiple_of3A_78 = arith.constant 768 : i32
    %multiple_of3A_79 = tpu.assume_multiple %multiple_of3A_78, 128 : i32
    %get3A_80 = arith.index_cast %arg0 : i32 to index
    %get3A_81 = arith.constant 0 : index
    %get3A_82 = arith.index_cast %multiple_of3A_79 : i32 to index
    %get3A_83 = vector.load %arg1[%get3A_80, %get3A_81, %get3A_82] : memref<16x32x2048xf32, #tpu.memory_space<vmem>>, vector<1x32x1152xf32>
    %get3A_84 = vector.shape_cast %get3A_83 : vector<1x32x1152xf32> to vector<32x1152xf32>
    %roll3A_85 = arith.constant 1088 : i32
    %roll3A_86 = tpu.dynamic_rotate %get3A_84 by %roll3A_85 dim 1 : vector<32x1152xf32>, i32 -> vector<32x1152xf32>
    %slice3A_87 = vector.extract_strided_slice %roll3A_86 {offsets = [0, 0], sizes = [32, 1024], strides = [1, 1]} : vector<32x1152xf32> to vector<32x1024xf32>
    %swap3A_88 = arith.constant 0 : index
    %swap3A_89 = arith.constant 0 : index
    %swap3A_90 = arith.constant 160 : index
    %swap3A_91 = arith.constant 0 : index
    %swap3A_92 = vector.load %arg2[%swap3A_88, %swap3A_89, %swap3A_90, %swap3A_91] : memref<1x1x1024x1024xf32, #tpu.memory_space<vmem>>, vector<1x1x32x1024xf32>
    %swap3A_93 = vector.shape_cast %swap3A_92 : vector<1x1x32x1024xf32> to vector<32x1024xf32>
    %swap3A_94 = vector.shape_cast %slice3A_87 : vector<32x1024xf32> to vector<1x1x32x1024xf32>
    tpu.vector_store %arg2[%swap3A_88, %swap3A_89, %swap3A_90, %swap3A_91], %swap3A_94 {strides = array<i32>} : memref<1x1x1024x1024xf32, #tpu.memory_space<vmem>>, vector<1x1x32x1024xf32>,
    %multiple_of3A_95 = arith.constant 768 : i32
    %multiple_of3A_96 = tpu.assume_multiple %multiple_of3A_95, 128 : i32
    %get3A_97 = arith.index_cast %arg0 : i32 to index
    %get3A_98 = arith.constant 0 : index
    %get3A_99 = arith.index_cast %multiple_of3A_96 : i32 to index
    %get3A_100 = vector.load %arg1[%get3A_97, %get3A_98, %get3A_99] : memref<16x32x2048xf32, #tpu.memory_space<vmem>>, vector<1x32x1152xf32>
    %get3A_101 = vector.shape_cast %get3A_100 : vector<1x32x1152xf32> to vector<32x1152xf32>
    %roll3A_102 = arith.constant 1120 : i32
    %roll3A_103 = tpu.dynamic_rotate %get3A_101 by %roll3A_102 dim 1 : vector<32x1152xf32>, i32 -> vector<32x1152xf32>
    %slice3A_104 = vector.extract_strided_slice %roll3A_103 {offsets = [0, 0], sizes = [32, 1024], strides = [1, 1]} : vector<32x1152xf32> to vector<32x1024xf32>
    %swap3A_105 = arith.constant 0 : index
    %swap3A_106 = arith.constant 0 : index
    %swap3A_107 = arith.constant 192 : index
    %swap3A_108 = arith.constant 0 : index
    %swap3A_109 = vector.load %arg2[%swap3A_105, %swap3A_106, %swap3A_107, %swap3A_108] : memref<1x1x1024x1024xf32, #tpu.memory_space<vmem>>, vector<1x1x32x1024xf32>
    %swap3A_110 = vector.shape_cast %swap3A_109 : vector<1x1x32x1024xf32> to vector<32x1024xf32>
    %swap3A_111 = vector.shape_cast %slice3A_104 : vector<32x1024xf32> to vector<1x1x32x1024xf32>
    tpu.vector_store %arg2[%swap3A_105, %swap3A_106, %swap3A_107, %swap3A_108], %swap3A_111 {strides = array<i32>} : memref<1x1x1024x1024xf32, #tpu.memory_space<vmem>>, vector<1x1x32x1024xf32>,
    %multiple_of3A_112 = arith.constant 768 : i32
    %multiple_of3A_113 = tpu.assume_multiple %multiple_of3A_112, 128 : i32
    %get3A_114 = arith.index_cast %arg0 : i32 to index
    %get3A_115 = arith.constant 0 : index
    %get3A_116 = arith.index_cast %multiple_of3A_113 : i32 to index
    %get3A_117 = vector.load %arg1[%get3A_114, %get3A_115, %get3A_116] : memref<16x32x2048xf32, #tpu.memory_space<vmem>>, vector<1x32x1152xf32>
    %get3A_118 = vector.shape_cast %get3A_117 : vector<1x32x1152xf32> to vector<32x1152xf32>
    %slice3A_119 = vector.extract_strided_slice %get3A_118 {offsets = [0, 0], sizes = [32, 1024], strides = [1, 1]} : vector<32x1152xf32> to vector<32x1024xf32>
    %swap3A_120 = arith.constant 0 : index
    %swap3A_121 = arith.constant 0 : index
    %swap3A_122 = arith.constant 224 : index
    %swap3A_123 = arith.constant 0 : index
    %swap3A_124 = vector.load %arg2[%swap3A_120, %swap3A_121, %swap3A_122, %swap3A_123] : memref<1x1x1024x1024xf32, #tpu.memory_space<vmem>>, vector<1x1x32x1024xf32>
    %swap3A_125 = vector.shape_cast %swap3A_124 : vector<1x1x32x1024xf32> to vector<32x1024xf32>
    %swap3A_126 = vector.shape_cast %slice3A_119 : vector<32x1024xf32> to vector<1x1x32x1024xf32>
    tpu.vector_store %arg2[%swap3A_120, %swap3A_121, %swap3A_122, %swap3A_123], %swap3A_126 {strides = array<i32>} : memref<1x1x1024x1024xf32, #tpu.memory_space<vmem>>, vector<1x1x32x1024xf32>,
    %multiple_of3A_127 = arith.constant 640 : i32
    %multiple_of3A_128 = tpu.assume_multiple %multiple_of3A_127, 128 : i32
    %get3A_129 = arith.index_cast %arg0 : i32 to index
    %get3A_130 = arith.constant 0 : index
    %get3A_131 = arith.index_cast %multiple_of3A_128 : i32 to index
    %get3A_132 = vector.load %arg1[%get3A_129, %get3A_130, %get3A_131] : memref<16x32x2048xf32, #tpu.memory_space<vmem>>, vector<1x32x1152xf32>
    %get3A_133 = vector.shape_cast %get3A_132 : vector<1x32x1152xf32> to vector<32x1152xf32>
    %roll3A_134 = arith.constant 1056 : i32
    %roll3A_135 = tpu.dynamic_rotate %get3A_133 by %roll3A_134 dim 1 : vector<32x1152xf32>, i32 -> vector<32x1152xf32>
    %slice3A_136 = vector.extract_strided_slice %roll3A_135 {offsets = [0, 0], sizes = [32, 1024], strides = [1, 1]} : vector<32x1152xf32> to vector<32x1024xf32>
    %swap3A_137 = arith.constant 0 : index
    %swap3A_138 = arith.constant 0 : index
    %swap3A_139 = arith.constant 256 : index
    %swap3A_140 = arith.constant 0 : index
    %swap3A_141 = vector.load %arg2[%swap3A_137, %swap3A_138, %swap3A_139, %swap3A_140] : memref<1x1x1024x1024xf32, #tpu.memory_space<vmem>>, vector<1x1x32x1024xf32>
    %swap3A_142 = vector.shape_cast %swap3A_141 : vector<1x1x32x1024xf32> to vector<32x1024xf32>
    %swap3A_143 = vector.shape_cast %slice3A_136 : vector<32x1024xf32> to vector<1x1x32x1024xf32>
    tpu.vector_store %arg2[%swap3A_137, %swap3A_138, %swap3A_139, %swap3A_140], %swap3A_143 {strides = array<i32>} : memref<1x1x1024x1024xf32, #tpu.memory_space<vmem>>, vector<1x1x32x1024xf32>,
    %multiple_of3A_144 = arith.constant 640 : i32
    %multiple_of3A_145 = tpu.assume_multiple %multiple_of3A_144, 128 : i32
    %get3A_146 = arith.index_cast %arg0 : i32 to index
    %get3A_147 = arith.constant 0 : index
    %get3A_148 = arith.index_cast %multiple_of3A_145 : i32 to index
    %get3A_149 = vector.load %arg1[%get3A_146, %get3A_147, %get3A_148] : memref<16x32x2048xf32, #tpu.memory_space<vmem>>, vector<1x32x1152xf32>
    %get3A_150 = vector.shape_cast %get3A_149 : vector<1x32x1152xf32> to vector<32x1152xf32>
    %roll3A_151 = arith.constant 1088 : i32
    %roll3A_152 = tpu.dynamic_rotate %get3A_150 by %roll3A_151 dim 1 : vector<32x1152xf32>, i32 -> vector<32x1152xf32>
    %slice3A_153 = vector.extract_strided_slice %roll3A_152 {offsets = [0, 0], sizes = [32, 1024], strides = [1, 1]} : vector<32x1152xf32> to vector<32x1024xf32>
    %swap3A_154 = arith.constant 0 : index
    %swap3A_155 = arith.constant 0 : index
    %swap3A_156 = arith.constant 288 : index
    %swap3A_157 = arith.constant 0 : index
    %swap3A_158 = vector.load %arg2[%swap3A_154, %swap3A_155, %swap3A_156, %swap3A_157] : memref<1x1x1024x1024xf32, #tpu.memory_space<vmem>>, vector<1x1x32x1024xf32>
    %swap3A_159 = vector.shape_cast %swap3A_158 : vector<1x1x32x1024xf32> to vector<32x1024xf32>
    %swap3A_160 = vector.shape_cast %slice3A_153 : vector<32x1024xf32> to vector<1x1x32x1024xf32>
    tpu.vector_store %arg2[%swap3A_154, %swap3A_155, %swap3A_156, %swap3A_157], %swap3A_160 {strides = array<i32>} : memref<1x1x1024x1024xf32, #tpu.memory_space<vmem>>, vector<1x1x32x1024xf32>,
    %multiple_of3A_161 = arith.constant 640 : i32
    %multiple_of3A_162 = tpu.assume_multiple %multiple_of3A_161, 128 : i32
    %get3A_163 = arith.index_cast %arg0 : i32 to index
    %get3A_164 = arith.constant 0 : index
    %get3A_165 = arith.index_cast %multiple_of3A_162 : i32 to index
    %get3A_166 = vector.load %arg1[%get3A_163, %get3A_164, %get3A_165] : memref<16x32x2048xf32, #tpu.memory_space<vmem>>, vector<1x32x1152xf32>
    %get3A_167 = vector.shape_cast %get3A_166 : vector<1x32x1152xf32> to vector<32x1152xf32>
    %roll3A_168 = arith.constant 1120 : i32
    %roll3A_169 = tpu.dynamic_rotate %get3A_167 by %roll3A_168 dim 1 : vector<32x1152xf32>, i32 -> vector<32x1152xf32>
    %slice3A_170 = vector.extract_strided_slice %roll3A_169 {offsets = [0, 0], sizes = [32, 1024], strides = [1, 1]} : vector<32x1152xf32> to vector<32x1024xf32>
    %swap3A_171 = arith.constant 0 : index
    %swap3A_172 = arith.constant 0 : index
    %swap3A_173 = arith.constant 320 : index
    %swap3A_174 = arith.constant 0 : index
    %swap3A_175 = vector.load %arg2[%swap3A_171, %swap3A_172, %swap3A_173, %swap3A_174] : memref<1x1x1024x1024xf32, #tpu.memory_space<vmem>>, vector<1x1x32x1024xf32>
    %swap3A_176 = vector.shape_cast %swap3A_175 : vector<1x1x32x1024xf32> to vector<32x1024xf32>
    %swap3A_177 = vector.shape_cast %slice3A_170 : vector<32x1024xf32> to vector<1x1x32x1024xf32>
    tpu.vector_store %arg2[%swap3A_171, %swap3A_172, %swap3A_173, %swap3A_174], %swap3A_177 {strides = array<i32>} : memref<1x1x1024x1024xf32, #tpu.memory_space<vmem>>, vector<1x1x32x1024xf32>,
    %multiple_of3A_178 = arith.constant 640 : i32
    %multiple_of3A_179 = tpu.assume_multiple %multiple_of3A_178, 128 : i32
    %get3A_180 = arith.index_cast %arg0 : i32 to index
    %get3A_181 = arith.constant 0 : index
    %get3A_182 = arith.index_cast %multiple_of3A_179 : i32 to index
    %get3A_183 = vector.load %arg1[%get3A_180, %get3A_181, %get3A_182] : memref<16x32x2048xf32, #tpu.memory_space<vmem>>, vector<1x32x1152xf32>
    %get3A_184 = vector.shape_cast %get3A_183 : vector<1x32x1152xf32> to vector<32x1152xf32>
    %slice3A_185 = vector.extract_strided_slice %get3A_184 {offsets = [0, 0], sizes = [32, 1024], strides = [1, 1]} : vector<32x1152xf32> to vector<32x1024xf32>
    %swap3A_186 = arith.constant 0 : index
    %swap3A_187 = arith.constant 0 : index
    %swap3A_188 = arith.constant 352 : index
    %swap3A_189 = arith.constant 0 : index
    %swap3A_190 = vector.load %arg2[%swap3A_186, %swap3A_187, %swap3A_188, %swap3A_189] : memref<1x1x1024x1024xf32, #tpu.memory_space<vmem>>, vector<1x1x32x1024xf32>
    %swap3A_191 = vector.shape_cast %swap3A_190 : vector<1x1x32x1024xf32> to vector<32x1024xf32>
    %swap3A_192 = vector.shape_cast %slice3A_185 : vector<32x1024xf32> to vector<1x1x32x1024xf32>
    tpu.vector_store %arg2[%swap3A_186, %swap3A_187, %swap3A_188, %swap3A_189], %swap3A_192 {strides = array<i32>} : memref<1x1x1024x1024xf32, #tpu.memory_space<vmem>>, vector<1x1x32x1024xf32>,
    %multiple_of3A_193 = arith.constant 512 : i32
    %multiple_of3A_194 = tpu.assume_multiple %multiple_of3A_193, 128 : i32
    %get3A_195 = arith.index_cast %arg0 : i32 to index
    %get3A_196 = arith.constant 0 : index
    %get3A_197 = arith.index_cast %multiple_of3A_194 : i32 to index
    %get3A_198 = vector.load %arg1[%get3A_195, %get3A_196, %get3A_197] : memref<16x32x2048xf32, #tpu.memory_space<vmem>>, vector<1x32x1152xf32>
    %get3A_199 = vector.shape_cast %get3A_198 : vector<1x32x1152xf32> to vector<32x1152xf32>
    %roll3A_200 = arith.constant 1056 : i32
    %roll3A_201 = tpu.dynamic_rotate %get3A_199 by %roll3A_200 dim 1 : vector<32x1152xf32>, i32 -> vector<32x1152xf32>
    %slice3A_202 = vector.extract_strided_slice %roll3A_201 {offsets = [0, 0], sizes = [32, 1024], strides = [1, 1]} : vector<32x1152xf32> to vector<32x1024xf32>
    %swap3A_203 = arith.constant 0 : index
    %swap3A_204 = arith.constant 0 : index
    %swap3A_205 = arith.constant 384 : index
    %swap3A_206 = arith.constant 0 : index
    %swap3A_207 = vector.load %arg2[%swap3A_203, %swap3A_204, %swap3A_205, %swap3A_206] : memref<1x1x1024x1024xf32, #tpu.memory_space<vmem>>, vector<1x1x32x1024xf32>
    %swap3A_208 = vector.shape_cast %swap3A_207 : vector<1x1x32x1024xf32> to vector<32x1024xf32>
    %swap3A_209 = vector.shape_cast %slice3A_202 : vector<32x1024xf32> to vector<1x1x32x1024xf32>
    tpu.vector_store %arg2[%swap3A_203, %swap3A_204, %swap3A_205, %swap3A_206], %swap3A_209 {strides = array<i32>} : memref<1x1x1024x1024xf32, #tpu.memory_space<vmem>>, vector<1x1x32x1024xf32>,
    %multiple_of3A_210 = arith.constant 512 : i32
    %multiple_of3A_211 = tpu.assume_multiple %multiple_of3A_210, 128 : i32
    %get3A_212 = arith.index_cast %arg0 : i32 to index
    %get3A_213 = arith.constant 0 : index
    %get3A_214 = arith.index_cast %multiple_of3A_211 : i32 to index
    %get3A_215 = vector.load %arg1[%get3A_212, %get3A_213, %get3A_214] : memref<16x32x2048xf32, #tpu.memory_space<vmem>>, vector<1x32x1152xf32>
    %get3A_216 = vector.shape_cast %get3A_215 : vector<1x32x1152xf32> to vector<32x1152xf32>
    %roll3A_217 = arith.constant 1088 : i32
    %roll3A_218 = tpu.dynamic_rotate %get3A_216 by %roll3A_217 dim 1 : vector<32x1152xf32>, i32 -> vector<32x1152xf32>
    %slice3A_219 = vector.extract_strided_slice %roll3A_218 {offsets = [0, 0], sizes = [32, 1024], strides = [1, 1]} : vector<32x1152xf32> to vector<32x1024xf32>
    %swap3A_220 = arith.constant 0 : index
    %swap3A_221 = arith.constant 0 : index
    %swap3A_222 = arith.constant 416 : index
    %swap3A_223 = arith.constant 0 : index
    %swap3A_224 = vector.load %arg2[%swap3A_220, %swap3A_221, %swap3A_222, %swap3A_223] : memref<1x1x1024x1024xf32, #tpu.memory_space<vmem>>, vector<1x1x32x1024xf32>
    %swap3A_225 = vector.shape_cast %swap3A_224 : vector<1x1x32x1024xf32> to vector<32x1024xf32>
    %swap3A_226 = vector.shape_cast %slice3A_219 : vector<32x1024xf32> to vector<1x1x32x1024xf32>
    tpu.vector_store %arg2[%swap3A_220, %swap3A_221, %swap3A_222, %swap3A_223], %swap3A_226 {strides = array<i32>} : memref<1x1x1024x1024xf32, #tpu.memory_space<vmem>>, vector<1x1x32x1024xf32>,
    %multiple_of3A_227 = arith.constant 512 : i32
    %multiple_of3A_228 = tpu.assume_multiple %multiple_of3A_227, 128 : i32
    %get3A_229 = arith.index_cast %arg0 : i32 to index
    %get3A_230 = arith.constant 0 : index
    %get3A_231 = arith.index_cast %multiple_of3A_228 : i32 to index
    %get3A_232 = vector.load %arg1[%get3A_229, %get3A_230, %get3A_231] : memref<16x32x2048xf32, #tpu.memory_space<vmem>>, vector<1x32x1152xf32>
    %get3A_233 = vector.shape_cast %get3A_232 : vector<1x32x1152xf32> to vector<32x1152xf32>
    %roll3A_234 = arith.constant 1120 : i32
    %roll3A_235 = tpu.dynamic_rotate %get3A_233 by %roll3A_234 dim 1 : vector<32x1152xf32>, i32 -> vector<32x1152xf32>
    %slice3A_236 = vector.extract_strided_slice %roll3A_235 {offsets = [0, 0], sizes = [32, 1024], strides = [1, 1]} : vector<32x1152xf32> to vector<32x1024xf32>
    %swap3A_237 = arith.constant 0 : index
    %swap3A_238 = arith.constant 0 : index
    %swap3A_239 = arith.constant 448 : index
    %swap3A_240 = arith.constant 0 : index
    %swap3A_241 = vector.load %arg2[%swap3A_237, %swap3A_238, %swap3A_239, %swap3A_240] : memref<1x1x1024x1024xf32, #tpu.memory_space<vmem>>, vector<1x1x32x1024xf32>
    %swap3A_242 = vector.shape_cast %swap3A_241 : vector<1x1x32x1024xf32> to vector<32x1024xf32>
    %swap3A_243 = vector.shape_cast %slice3A_236 : vector<32x1024xf32> to vector<1x1x32x1024xf32>
    tpu.vector_store %arg2[%swap3A_237, %swap3A_238, %swap3A_239, %swap3A_240], %swap3A_243 {strides = array<i32>} : memref<1x1x1024x1024xf32, #tpu.memory_space<vmem>>, vector<1x1x32x1024xf32>,
    %multiple_of3A_244 = arith.constant 512 : i32
    %multiple_of3A_245 = tpu.assume_multiple %multiple_of3A_244, 128 : i32
    %get3A_246 = arith.index_cast %arg0 : i32 to index
    %get3A_247 = arith.constant 0 : index
    %get3A_248 = arith.index_cast %multiple_of3A_245 : i32 to index
    %get3A_249 = vector.load %arg1[%get3A_246, %get3A_247, %get3A_248] : memref<16x32x2048xf32, #tpu.memory_space<vmem>>, vector<1x32x1152xf32>
    %get3A_250 = vector.shape_cast %get3A_249 : vector<1x32x1152xf32> to vector<32x1152xf32>
    %slice3A_251 = vector.extract_strided_slice %get3A_250 {offsets = [0, 0], sizes = [32, 1024], strides = [1, 1]} : vector<32x1152xf32> to vector<32x1024xf32>
    %swap3A_252 = arith.constant 0 : index
    %swap3A_253 = arith.constant 0 : index
    %swap3A_254 = arith.constant 480 : index
    %swap3A_255 = arith.constant 0 : index
    %swap3A_256 = vector.load %arg2[%swap3A_252, %swap3A_253, %swap3A_254, %swap3A_255] : memref<1x1x1024x1024xf32, #tpu.memory_space<vmem>>, vector<1x1x32x1024xf32>
    %swap3A_257 = vector.shape_cast %swap3A_256 : vector<1x1x32x1024xf32> to vector<32x1024xf32>
    %swap3A_258 = vector.shape_cast %slice3A_251 : vector<32x1024xf32> to vector<1x1x32x1024xf32>
    tpu.vector_store %arg2[%swap3A_252, %swap3A_253, %swap3A_254, %swap3A_255], %swap3A_258 {strides = array<i32>} : memref<1x1x1024x1024xf32, #tpu.memory_space<vmem>>, vector<1x1x32x1024xf32>,
    %multiple_of3A_259 = arith.constant 384 : i32
    %multiple_of3A_260 = tpu.assume_multiple %multiple_of3A_259, 128 : i32
    %get3A_261 = arith.index_cast %arg0 : i32 to index
    %get3A_262 = arith.constant 0 : index
    %get3A_263 = arith.index_cast %multiple_of3A_260 : i32 to index
    %get3A_264 = vector.load %arg1[%get3A_261, %get3A_262, %get3A_263] : memref<16x32x2048xf32, #tpu.memory_space<vmem>>, vector<1x32x1152xf32>
    %get3A_265 = vector.shape_cast %get3A_264 : vector<1x32x1152xf32> to vector<32x1152xf32>
    %roll3A_266 = arith.constant 1056 : i32
    %roll3A_267 = tpu.dynamic_rotate %get3A_265 by %roll3A_266 dim 1 : vector<32x1152xf32>, i32 -> vector<32x1152xf32>
    %slice3A_268 = vector.extract_strided_slice %roll3A_267 {offsets = [0, 0], sizes = [32, 1024], strides = [1, 1]} : vector<32x1152xf32> to vector<32x1024xf32>
    %swap3A_269 = arith.constant 0 : index
    %swap3A_270 = arith.constant 0 : index
    %swap3A_271 = arith.constant 512 : index
    %swap3A_272 = arith.constant 0 : index
    %swap3A_273 = vector.load %arg2[%swap3A_269, %swap3A_270, %swap3A_271, %swap3A_272] : memref<1x1x1024x1024xf32, #tpu.memory_space<vmem>>, vector<1x1x32x1024xf32>
    %swap3A_274 = vector.shape_cast %swap3A_273 : vector<1x1x32x1024xf32> to vector<32x1024xf32>
    %swap3A_275 = vector.shape_cast %slice3A_268 : vector<32x1024xf32> to vector<1x1x32x1024xf32>
    tpu.vector_store %arg2[%swap3A_269, %swap3A_270, %swap3A_271, %swap3A_272], %swap3A_275 {strides = array<i32>} : memref<1x1x1024x1024xf32, #tpu.memory_space<vmem>>, vector<1x1x32x1024xf32>,
    %multiple_of3A_276 = arith.constant 384 : i32
    %multiple_of3A_277 = tpu.assume_multiple %multiple_of3A_276, 128 : i32
    %get3A_278 = arith.index_cast %arg0 : i32 to index
    %get3A_279 = arith.constant 0 : index
    %get3A_280 = arith.index_cast %multiple_of3A_277 : i32 to index
    %get3A_281 = vector.load %arg1[%get3A_278, %get3A_279, %get3A_280] : memref<16x32x2048xf32, #tpu.memory_space<vmem>>, vector<1x32x1152xf32>
    %get3A_282 = vector.shape_cast %get3A_281 : vector<1x32x1152xf32> to vector<32x1152xf32>
    %roll3A_283 = arith.constant 1088 : i32
    %roll3A_284 = tpu.dynamic_rotate %get3A_282 by %roll3A_283 dim 1 : vector<32x1152xf32>, i32 -> vector<32x1152xf32>
    %slice3A_285 = vector.extract_strided_slice %roll3A_284 {offsets = [0, 0], sizes = [32, 1024], strides = [1, 1]} : vector<32x1152xf32> to vector<32x1024xf32>
    %swap3A_286 = arith.constant 0 : index
    %swap3A_287 = arith.constant 0 : index
    %swap3A_288 = arith.constant 544 : index
    %swap3A_289 = arith.constant 0 : index
    %swap3A_290 = vector.load %arg2[%swap3A_286, %swap3A_287, %swap3A_288, %swap3A_289] : memref<1x1x1024x1024xf32, #tpu.memory_space<vmem>>, vector<1x1x32x1024xf32>
    %swap3A_291 = vector.shape_cast %swap3A_290 : vector<1x1x32x1024xf32> to vector<32x1024xf32>
    %swap3A_292 = vector.shape_cast %slice3A_285 : vector<32x1024xf32> to vector<1x1x32x1024xf32>
    tpu.vector_store %arg2[%swap3A_286, %swap3A_287, %swap3A_288, %swap3A_289], %swap3A_292 {strides = array<i32>} : memref<1x1x1024x1024xf32, #tpu.memory_space<vmem>>, vector<1x1x32x1024xf32>,
    %multiple_of3A_293 = arith.constant 384 : i32
    %multiple_of3A_294 = tpu.assume_multiple %multiple_of3A_293, 128 : i32
    %get3A_295 = arith.index_cast %arg0 : i32 to index
    %get3A_296 = arith.constant 0 : index
    %get3A_297 = arith.index_cast %multiple_of3A_294 : i32 to index
    %get3A_298 = vector.load %arg1[%get3A_295, %get3A_296, %get3A_297] : memref<16x32x2048xf32, #tpu.memory_space<vmem>>, vector<1x32x1152xf32>
    %get3A_299 = vector.shape_cast %get3A_298 : vector<1x32x1152xf32> to vector<32x1152xf32>
    %roll3A_300 = arith.constant 1120 : i32
    %roll3A_301 = tpu.dynamic_rotate %get3A_299 by %roll3A_300 dim 1 : vector<32x1152xf32>, i32 -> vector<32x1152xf32>
    %slice3A_302 = vector.extract_strided_slice %roll3A_301 {offsets = [0, 0], sizes = [32, 1024], strides = [1, 1]} : vector<32x1152xf32> to vector<32x1024xf32>
    %swap3A_303 = arith.constant 0 : index
    %swap3A_304 = arith.constant 0 : index
    %swap3A_305 = arith.constant 576 : index
    %swap3A_306 = arith.constant 0 : index
    %swap3A_307 = vector.load %arg2[%swap3A_303, %swap3A_304, %swap3A_305, %swap3A_306] : memref<1x1x1024x1024xf32, #tpu.memory_space<vmem>>, vector<1x1x32x1024xf32>
    %swap3A_308 = vector.shape_cast %swap3A_307 : vector<1x1x32x1024xf32> to vector<32x1024xf32>
    %swap3A_309 = vector.shape_cast %slice3A_302 : vector<32x1024xf32> to vector<1x1x32x1024xf32>
    tpu.vector_store %arg2[%swap3A_303, %swap3A_304, %swap3A_305, %swap3A_306], %swap3A_309 {strides = array<i32>} : memref<1x1x1024x1024xf32, #tpu.memory_space<vmem>>, vector<1x1x32x1024xf32>,
    %multiple_of3A_310 = arith.constant 384 : i32
    %multiple_of3A_311 = tpu.assume_multiple %multiple_of3A_310, 128 : i32
    %get3A_312 = arith.index_cast %arg0 : i32 to index
    %get3A_313 = arith.constant 0 : index
    %get3A_314 = arith.index_cast %multiple_of3A_311 : i32 to index
    %get3A_315 = vector.load %arg1[%get3A_312, %get3A_313, %get3A_314] : memref<16x32x2048xf32, #tpu.memory_space<vmem>>, vector<1x32x1152xf32>
    %get3A_316 = vector.shape_cast %get3A_315 : vector<1x32x1152xf32> to vector<32x1152xf32>
    %slice3A_317 = vector.extract_strided_slice %get3A_316 {offsets = [0, 0], sizes = [32, 1024], strides = [1, 1]} : vector<32x1152xf32> to vector<32x1024xf32>
    %swap3A_318 = arith.constant 0 : index
    %swap3A_319 = arith.constant 0 : index
    %swap3A_320 = arith.constant 608 : index
    %swap3A_321 = arith.constant 0 : index
    %swap3A_322 = vector.load %arg2[%swap3A_318, %swap3A_319, %swap3A_320, %swap3A_321] : memref<1x1x1024x1024xf32, #tpu.memory_space<vmem>>, vector<1x1x32x1024xf32>
    %swap3A_323 = vector.shape_cast %swap3A_322 : vector<1x1x32x1024xf32> to vector<32x1024xf32>
    %swap3A_324 = vector.shape_cast %slice3A_317 : vector<32x1024xf32> to vector<1x1x32x1024xf32>
    tpu.vector_store %arg2[%swap3A_318, %swap3A_319, %swap3A_320, %swap3A_321], %swap3A_324 {strides = array<i32>} : memref<1x1x1024x1024xf32, #tpu.memory_space<vmem>>, vector<1x1x32x1024xf32>,
    %multiple_of3A_325 = arith.constant 256 : i32
    %multiple_of3A_326 = tpu.assume_multiple %multiple_of3A_325, 128 : i32
    %get3A_327 = arith.index_cast %arg0 : i32 to index
    %get3A_328 = arith.constant 0 : index
    %get3A_329 = arith.index_cast %multiple_of3A_326 : i32 to index
    %get3A_330 = vector.load %arg1[%get3A_327, %get3A_328, %get3A_329] : memref<16x32x2048xf32, #tpu.memory_space<vmem>>, vector<1x32x1152xf32>
    %get3A_331 = vector.shape_cast %get3A_330 : vector<1x32x1152xf32> to vector<32x1152xf32>
    %roll3A_332 = arith.constant 1056 : i32
    %roll3A_333 = tpu.dynamic_rotate %get3A_331 by %roll3A_332 dim 1 : vector<32x1152xf32>, i32 -> vector<32x1152xf32>
    %slice3A_334 = vector.extract_strided_slice %roll3A_333 {offsets = [0, 0], sizes = [32, 1024], strides = [1, 1]} : vector<32x1152xf32> to vector<32x1024xf32>
    %swap3A_335 = arith.constant 0 : index
    %swap3A_336 = arith.constant 0 : index
    %swap3A_337 = arith.constant 640 : index
    %swap3A_338 = arith.constant 0 : index
    %swap3A_339 = vector.load %arg2[%swap3A_335, %swap3A_336, %swap3A_337, %swap3A_338] : memref<1x1x1024x1024xf32, #tpu.memory_space<vmem>>, vector<1x1x32x1024xf32>
    %swap3A_340 = vector.shape_cast %swap3A_339 : vector<1x1x32x1024xf32> to vector<32x1024xf32>
    %swap3A_341 = vector.shape_cast %slice3A_334 : vector<32x1024xf32> to vector<1x1x32x1024xf32>
    tpu.vector_store %arg2[%swap3A_335, %swap3A_336, %swap3A_337, %swap3A_338], %swap3A_341 {strides = array<i32>} : memref<1x1x1024x1024xf32, #tpu.memory_space<vmem>>, vector<1x1x32x1024xf32>,
    %multiple_of3A_342 = arith.constant 256 : i32
    %multiple_of3A_343 = tpu.assume_multiple %multiple_of3A_342, 128 : i32
    %get3A_344 = arith.index_cast %arg0 : i32 to index
    %get3A_345 = arith.constant 0 : index
    %get3A_346 = arith.index_cast %multiple_of3A_343 : i32 to index
    %get3A_347 = vector.load %arg1[%get3A_344, %get3A_345, %get3A_346] : memref<16x32x2048xf32, #tpu.memory_space<vmem>>, vector<1x32x1152xf32>
    %get3A_348 = vector.shape_cast %get3A_347 : vector<1x32x1152xf32> to vector<32x1152xf32>
    %roll3A_349 = arith.constant 1088 : i32
    %roll3A_350 = tpu.dynamic_rotate %get3A_348 by %roll3A_349 dim 1 : vector<32x1152xf32>, i32 -> vector<32x1152xf32>
    %slice3A_351 = vector.extract_strided_slice %roll3A_350 {offsets = [0, 0], sizes = [32, 1024], strides = [1, 1]} : vector<32x1152xf32> to vector<32x1024xf32>
    %swap3A_352 = arith.constant 0 : index
    %swap3A_353 = arith.constant 0 : index
    %swap3A_354 = arith.constant 672 : index
    %swap3A_355 = arith.constant 0 : index
    %swap3A_356 = vector.load %arg2[%swap3A_352, %swap3A_353, %swap3A_354, %swap3A_355] : memref<1x1x1024x1024xf32, #tpu.memory_space<vmem>>, vector<1x1x32x1024xf32>
    %swap3A_357 = vector.shape_cast %swap3A_356 : vector<1x1x32x1024xf32> to vector<32x1024xf32>
    %swap3A_358 = vector.shape_cast %slice3A_351 : vector<32x1024xf32> to vector<1x1x32x1024xf32>
    tpu.vector_store %arg2[%swap3A_352, %swap3A_353, %swap3A_354, %swap3A_355], %swap3A_358 {strides = array<i32>} : memref<1x1x1024x1024xf32, #tpu.memory_space<vmem>>, vector<1x1x32x1024xf32>,
    %multiple_of3A_359 = arith.constant 256 : i32
    %multiple_of3A_360 = tpu.assume_multiple %multiple_of3A_359, 128 : i32
    %get3A_361 = arith.index_cast %arg0 : i32 to index
    %get3A_362 = arith.constant 0 : index
    %get3A_363 = arith.index_cast %multiple_of3A_360 : i32 to index
    %get3A_364 = vector.load %arg1[%get3A_361, %get3A_362, %get3A_363] : memref<16x32x2048xf32, #tpu.memory_space<vmem>>, vector<1x32x1152xf32>
    %get3A_365 = vector.shape_cast %get3A_364 : vector<1x32x1152xf32> to vector<32x1152xf32>
    %roll3A_366 = arith.constant 1120 : i32
    %roll3A_367 = tpu.dynamic_rotate %get3A_365 by %roll3A_366 dim 1 : vector<32x1152xf32>, i32 -> vector<32x1152xf32>
    %slice3A_368 = vector.extract_strided_slice %roll3A_367 {offsets = [0, 0], sizes = [32, 1024], strides = [1, 1]} : vector<32x1152xf32> to vector<32x1024xf32>
    %swap3A_369 = arith.constant 0 : index
    %swap3A_370 = arith.constant 0 : index
    %swap3A_371 = arith.constant 704 : index
    %swap3A_372 = arith.constant 0 : index
    %swap3A_373 = vector.load %arg2[%swap3A_369, %swap3A_370, %swap3A_371, %swap3A_372] : memref<1x1x1024x1024xf32, #tpu.memory_space<vmem>>, vector<1x1x32x1024xf32>
    %swap3A_374 = vector.shape_cast %swap3A_373 : vector<1x1x32x1024xf32> to vector<32x1024xf32>
    %swap3A_375 = vector.shape_cast %slice3A_368 : vector<32x1024xf32> to vector<1x1x32x1024xf32>
    tpu.vector_store %arg2[%swap3A_369, %swap3A_370, %swap3A_371, %swap3A_372], %swap3A_375 {strides = array<i32>} : memref<1x1x1024x1024xf32, #tpu.memory_space<vmem>>, vector<1x1x32x1024xf32>,
    %multiple_of3A_376 = arith.constant 256 : i32
    %multiple_of3A_377 = tpu.assume_multiple %multiple_of3A_376, 128 : i32
    %get3A_378 = arith.index_cast %arg0 : i32 to index
    %get3A_379 = arith.constant 0 : index
    %get3A_380 = arith.index_cast %multiple_of3A_377 : i32 to index
    %get3A_381 = vector.load %arg1[%get3A_378, %get3A_379, %get3A_380] : memref<16x32x2048xf32, #tpu.memory_space<vmem>>, vector<1x32x1152xf32>
    %get3A_382 = vector.shape_cast %get3A_381 : vector<1x32x1152xf32> to vector<32x1152xf32>
    %slice3A_383 = vector.extract_strided_slice %get3A_382 {offsets = [0, 0], sizes = [32, 1024], strides = [1, 1]} : vector<32x1152xf32> to vector<32x1024xf32>
    %swap3A_384 = arith.constant 0 : index
    %swap3A_385 = arith.constant 0 : index
    %swap3A_386 = arith.constant 736 : index
    %swap3A_387 = arith.constant 0 : index
    %swap3A_388 = vector.load %arg2[%swap3A_384, %swap3A_385, %swap3A_386, %swap3A_387] : memref<1x1x1024x1024xf32, #tpu.memory_space<vmem>>, vector<1x1x32x1024xf32>
    %swap3A_389 = vector.shape_cast %swap3A_388 : vector<1x1x32x1024xf32> to vector<32x1024xf32>
    %swap3A_390 = vector.shape_cast %slice3A_383 : vector<32x1024xf32> to vector<1x1x32x1024xf32>
    tpu.vector_store %arg2[%swap3A_384, %swap3A_385, %swap3A_386, %swap3A_387], %swap3A_390 {strides = array<i32>} : memref<1x1x1024x1024xf32, #tpu.memory_space<vmem>>, vector<1x1x32x1024xf32>,
    %multiple_of3A_391 = arith.constant 128 : i32
    %multiple_of3A_392 = tpu.assume_multiple %multiple_of3A_391, 128 : i32
    %get3A_393 = arith.index_cast %arg0 : i32 to index
    %get3A_394 = arith.constant 0 : index
    %get3A_395 = arith.index_cast %multiple_of3A_392 : i32 to index
    %get3A_396 = vector.load %arg1[%get3A_393, %get3A_394, %get3A_395] : memref<16x32x2048xf32, #tpu.memory_space<vmem>>, vector<1x32x1152xf32>
    %get3A_397 = vector.shape_cast %get3A_396 : vector<1x32x1152xf32> to vector<32x1152xf32>
    %roll3A_398 = arith.constant 1056 : i32
    %roll3A_399 = tpu.dynamic_rotate %get3A_397 by %roll3A_398 dim 1 : vector<32x1152xf32>, i32 -> vector<32x1152xf32>
    %slice3A_400 = vector.extract_strided_slice %roll3A_399 {offsets = [0, 0], sizes = [32, 1024], strides = [1, 1]} : vector<32x1152xf32> to vector<32x1024xf32>
    %swap3A_401 = arith.constant 0 : index
    %swap3A_402 = arith.constant 0 : index
    %swap3A_403 = arith.constant 768 : index
    %swap3A_404 = arith.constant 0 : index
    %swap3A_405 = vector.load %arg2[%swap3A_401, %swap3A_402, %swap3A_403, %swap3A_404] : memref<1x1x1024x1024xf32, #tpu.memory_space<vmem>>, vector<1x1x32x1024xf32>
    %swap3A_406 = vector.shape_cast %swap3A_405 : vector<1x1x32x1024xf32> to vector<32x1024xf32>
    %swap3A_407 = vector.shape_cast %slice3A_400 : vector<32x1024xf32> to vector<1x1x32x1024xf32>
    tpu.vector_store %arg2[%swap3A_401, %swap3A_402, %swap3A_403, %swap3A_404], %swap3A_407 {strides = array<i32>} : memref<1x1x1024x1024xf32, #tpu.memory_space<vmem>>, vector<1x1x32x1024xf32>,
    %multiple_of3A_408 = arith.constant 128 : i32
    %multiple_of3A_409 = tpu.assume_multiple %multiple_of3A_408, 128 : i32
    %get3A_410 = arith.index_cast %arg0 : i32 to index
    %get3A_411 = arith.constant 0 : index
    %get3A_412 = arith.index_cast %multiple_of3A_409 : i32 to index
    %get3A_413 = vector.load %arg1[%get3A_410, %get3A_411, %get3A_412] : memref<16x32x2048xf32, #tpu.memory_space<vmem>>, vector<1x32x1152xf32>
    %get3A_414 = vector.shape_cast %get3A_413 : vector<1x32x1152xf32> to vector<32x1152xf32>
    %roll3A_415 = arith.constant 1088 : i32
    %roll3A_416 = tpu.dynamic_rotate %get3A_414 by %roll3A_415 dim 1 : vector<32x1152xf32>, i32 -> vector<32x1152xf32>
    %slice3A_417 = vector.extract_strided_slice %roll3A_416 {offsets = [0, 0], sizes = [32, 1024], strides = [1, 1]} : vector<32x1152xf32> to vector<32x1024xf32>
    %swap3A_418 = arith.constant 0 : index
    %swap3A_419 = arith.constant 0 : index
    %swap3A_420 = arith.constant 800 : index
    %swap3A_421 = arith.constant 0 : index
    %swap3A_422 = vector.load %arg2[%swap3A_418, %swap3A_419, %swap3A_420, %swap3A_421] : memref<1x1x1024x1024xf32, #tpu.memory_space<vmem>>, vector<1x1x32x1024xf32>
    %swap3A_423 = vector.shape_cast %swap3A_422 : vector<1x1x32x1024xf32> to vector<32x1024xf32>
    %swap3A_424 = vector.shape_cast %slice3A_417 : vector<32x1024xf32> to vector<1x1x32x1024xf32>
    tpu.vector_store %arg2[%swap3A_418, %swap3A_419, %swap3A_420, %swap3A_421], %swap3A_424 {strides = array<i32>} : memref<1x1x1024x1024xf32, #tpu.memory_space<vmem>>, vector<1x1x32x1024xf32>,
    %multiple_of3A_425 = arith.constant 128 : i32
    %multiple_of3A_426 = tpu.assume_multiple %multiple_of3A_425, 128 : i32
    %get3A_427 = arith.index_cast %arg0 : i32 to index
    %get3A_428 = arith.constant 0 : index
    %get3A_429 = arith.index_cast %multiple_of3A_426 : i32 to index
    %get3A_430 = vector.load %arg1[%get3A_427, %get3A_428, %get3A_429] : memref<16x32x2048xf32, #tpu.memory_space<vmem>>, vector<1x32x1152xf32>
    %get3A_431 = vector.shape_cast %get3A_430 : vector<1x32x1152xf32> to vector<32x1152xf32>
    %roll3A_432 = arith.constant 1120 : i32
    %roll3A_433 = tpu.dynamic_rotate %get3A_431 by %roll3A_432 dim 1 : vector<32x1152xf32>, i32 -> vector<32x1152xf32>
    %slice3A_434 = vector.extract_strided_slice %roll3A_433 {offsets = [0, 0], sizes = [32, 1024], strides = [1, 1]} : vector<32x1152xf32> to vector<32x1024xf32>
    %swap3A_435 = arith.constant 0 : index
    %swap3A_436 = arith.constant 0 : index
    %swap3A_437 = arith.constant 832 : index
    %swap3A_438 = arith.constant 0 : index
    %swap3A_439 = vector.load %arg2[%swap3A_435, %swap3A_436, %swap3A_437, %swap3A_438] : memref<1x1x1024x1024xf32, #tpu.memory_space<vmem>>, vector<1x1x32x1024xf32>
    %swap3A_440 = vector.shape_cast %swap3A_439 : vector<1x1x32x1024xf32> to vector<32x1024xf32>
    %swap3A_441 = vector.shape_cast %slice3A_434 : vector<32x1024xf32> to vector<1x1x32x1024xf32>
    tpu.vector_store %arg2[%swap3A_435, %swap3A_436, %swap3A_437, %swap3A_438], %swap3A_441 {strides = array<i32>} : memref<1x1x1024x1024xf32, #tpu.memory_space<vmem>>, vector<1x1x32x1024xf32>,
    %multiple_of3A_442 = arith.constant 128 : i32
    %multiple_of3A_443 = tpu.assume_multiple %multiple_of3A_442, 128 : i32
    %get3A_444 = arith.index_cast %arg0 : i32 to index
    %get3A_445 = arith.constant 0 : index
    %get3A_446 = arith.index_cast %multiple_of3A_443 : i32 to index
    %get3A_447 = vector.load %arg1[%get3A_444, %get3A_445, %get3A_446] : memref<16x32x2048xf32, #tpu.memory_space<vmem>>, vector<1x32x1152xf32>
    %get3A_448 = vector.shape_cast %get3A_447 : vector<1x32x1152xf32> to vector<32x1152xf32>
    %slice3A_449 = vector.extract_strided_slice %get3A_448 {offsets = [0, 0], sizes = [32, 1024], strides = [1, 1]} : vector<32x1152xf32> to vector<32x1024xf32>
    %swap3A_450 = arith.constant 0 : index
    %swap3A_451 = arith.constant 0 : index
    %swap3A_452 = arith.constant 864 : index
    %swap3A_453 = arith.constant 0 : index
    %swap3A_454 = vector.load %arg2[%swap3A_450, %swap3A_451, %swap3A_452, %swap3A_453] : memref<1x1x1024x1024xf32, #tpu.memory_space<vmem>>, vector<1x1x32x1024xf32>
    %swap3A_455 = vector.shape_cast %swap3A_454 : vector<1x1x32x1024xf32> to vector<32x1024xf32>
    %swap3A_456 = vector.shape_cast %slice3A_449 : vector<32x1024xf32> to vector<1x1x32x1024xf32>
    tpu.vector_store %arg2[%swap3A_450, %swap3A_451, %swap3A_452, %swap3A_453], %swap3A_456 {strides = array<i32>} : memref<1x1x1024x1024xf32, #tpu.memory_space<vmem>>, vector<1x1x32x1024xf32>,
    %multiple_of3A_457 = arith.constant 0 : i32
    %multiple_of3A_458 = tpu.assume_multiple %multiple_of3A_457, 128 : i32
    %get3A_459 = arith.index_cast %arg0 : i32 to index
    %get3A_460 = arith.constant 0 : index
    %get3A_461 = arith.index_cast %multiple_of3A_458 : i32 to index
    %get3A_462 = vector.load %arg1[%get3A_459, %get3A_460, %get3A_461] : memref<16x32x2048xf32, #tpu.memory_space<vmem>>, vector<1x32x1152xf32>
    %get3A_463 = vector.shape_cast %get3A_462 : vector<1x32x1152xf32> to vector<32x1152xf32>
    %roll3A_464 = arith.constant 1056 : i32
    %roll3A_465 = tpu.dynamic_rotate %get3A_463 by %roll3A_464 dim 1 : vector<32x1152xf32>, i32 -> vector<32x1152xf32>
    %slice3A_466 = vector.extract_strided_slice %roll3A_465 {offsets = [0, 0], sizes = [32, 1024], strides = [1, 1]} : vector<32x1152xf32> to vector<32x1024xf32>
    %swap3A_467 = arith.constant 0 : index
    %swap3A_468 = arith.constant 0 : index
    %swap3A_469 = arith.constant 896 : index
    %swap3A_470 = arith.constant 0 : index
    %swap3A_471 = vector.load %arg2[%swap3A_467, %swap3A_468, %swap3A_469, %swap3A_470] : memref<1x1x1024x1024xf32, #tpu.memory_space<vmem>>, vector<1x1x32x1024xf32>
    %swap3A_472 = vector.shape_cast %swap3A_471 : vector<1x1x32x1024xf32> to vector<32x1024xf32>
    %swap3A_473 = vector.shape_cast %slice3A_466 : vector<32x1024xf32> to vector<1x1x32x1024xf32>
    tpu.vector_store %arg2[%swap3A_467, %swap3A_468, %swap3A_469, %swap3A_470], %swap3A_473 {strides = array<i32>} : memref<1x1x1024x1024xf32, #tpu.memory_space<vmem>>, vector<1x1x32x1024xf32>,
    %multiple_of3A_474 = arith.constant 0 : i32
    %multiple_of3A_475 = tpu.assume_multiple %multiple_of3A_474, 128 : i32
    %get3A_476 = arith.index_cast %arg0 : i32 to index
    %get3A_477 = arith.constant 0 : index
    %get3A_478 = arith.index_cast %multiple_of3A_475 : i32 to index
    %get3A_479 = vector.load %arg1[%get3A_476, %get3A_477, %get3A_478] : memref<16x32x2048xf32, #tpu.memory_space<vmem>>, vector<1x32x1152xf32>
    %get3A_480 = vector.shape_cast %get3A_479 : vector<1x32x1152xf32> to vector<32x1152xf32>
    %roll3A_481 = arith.constant 1088 : i32
    %roll3A_482 = tpu.dynamic_rotate %get3A_480 by %roll3A_481 dim 1 : vector<32x1152xf32>, i32 -> vector<32x1152xf32>
    %slice3A_483 = vector.extract_strided_slice %roll3A_482 {offsets = [0, 0], sizes = [32, 1024], strides = [1, 1]} : vector<32x1152xf32> to vector<32x1024xf32>
    %swap3A_484 = arith.constant 0 : index
    %swap3A_485 = arith.constant 0 : index
    %swap3A_486 = arith.constant 928 : index
    %swap3A_487 = arith.constant 0 : index
    %swap3A_488 = vector.load %arg2[%swap3A_484, %swap3A_485, %swap3A_486, %swap3A_487] : memref<1x1x1024x1024xf32, #tpu.memory_space<vmem>>, vector<1x1x32x1024xf32>
    %swap3A_489 = vector.shape_cast %swap3A_488 : vector<1x1x32x1024xf32> to vector<32x1024xf32>
    %swap3A_490 = vector.shape_cast %slice3A_483 : vector<32x1024xf32> to vector<1x1x32x1024xf32>
    tpu.vector_store %arg2[%swap3A_484, %swap3A_485, %swap3A_486, %swap3A_487], %swap3A_490 {strides = array<i32>} : memref<1x1x1024x1024xf32, #tpu.memory_space<vmem>>, vector<1x1x32x1024xf32>,
    %multiple_of3A_491 = arith.constant 0 : i32
    %multiple_of3A_492 = tpu.assume_multiple %multiple_of3A_491, 128 : i32
    %get3A_493 = arith.index_cast %arg0 : i32 to index
    %get3A_494 = arith.constant 0 : index
    %get3A_495 = arith.index_cast %multiple_of3A_492 : i32 to index
    %get3A_496 = vector.load %arg1[%get3A_493, %get3A_494, %get3A_495] : memref<16x32x2048xf32, #tpu.memory_space<vmem>>, vector<1x32x1152xf32>
    %get3A_497 = vector.shape_cast %get3A_496 : vector<1x32x1152xf32> to vector<32x1152xf32>
    %roll3A_498 = arith.constant 1120 : i32
    %roll3A_499 = tpu.dynamic_rotate %get3A_497 by %roll3A_498 dim 1 : vector<32x1152xf32>, i32 -> vector<32x1152xf32>
    %slice3A_500 = vector.extract_strided_slice %roll3A_499 {offsets = [0, 0], sizes = [32, 1024], strides = [1, 1]} : vector<32x1152xf32> to vector<32x1024xf32>
    %swap3A_501 = arith.constant 0 : index
    %swap3A_502 = arith.constant 0 : index
    %swap3A_503 = arith.constant 960 : index
    %swap3A_504 = arith.constant 0 : index
    %swap3A_505 = vector.load %arg2[%swap3A_501, %swap3A_502, %swap3A_503, %swap3A_504] : memref<1x1x1024x1024xf32, #tpu.memory_space<vmem>>, vector<1x1x32x1024xf32>
    %swap3A_506 = vector.shape_cast %swap3A_505 : vector<1x1x32x1024xf32> to vector<32x1024xf32>
    %swap3A_507 = vector.shape_cast %slice3A_500 : vector<32x1024xf32> to vector<1x1x32x1024xf32>
    tpu.vector_store %arg2[%swap3A_501, %swap3A_502, %swap3A_503, %swap3A_504], %swap3A_507 {strides = array<i32>} : memref<1x1x1024x1024xf32, #tpu.memory_space<vmem>>, vector<1x1x32x1024xf32>,
    %multiple_of3A_508 = arith.constant 0 : i32
    %multiple_of3A_509 = tpu.assume_multiple %multiple_of3A_508, 128 : i32
    %get3A_510 = arith.index_cast %arg0 : i32 to index
    %get3A_511 = arith.constant 0 : index
    %get3A_512 = arith.index_cast %multiple_of3A_509 : i32 to index
    %get3A_513 = vector.load %arg1[%get3A_510, %get3A_511, %get3A_512] : memref<16x32x2048xf32, #tpu.memory_space<vmem>>, vector<1x32x1152xf32>
    %get3A_514 = vector.shape_cast %get3A_513 : vector<1x32x1152xf32> to vector<32x1152xf32>
    %slice3A_515 = vector.extract_strided_slice %get3A_514 {offsets = [0, 0], sizes = [32, 1024], strides = [1, 1]} : vector<32x1152xf32> to vector<32x1024xf32>
    %swap3A_516 = arith.constant 0 : index
    %swap3A_517 = arith.constant 0 : index
    %swap3A_518 = arith.constant 992 : index
    %swap3A_519 = arith.constant 0 : index
    %swap3A_520 = vector.load %arg2[%swap3A_516, %swap3A_517, %swap3A_518, %swap3A_519] : memref<1x1x1024x1024xf32, #tpu.memory_space<vmem>>, vector<1x1x32x1024xf32>
    %swap3A_521 = vector.shape_cast %swap3A_520 : vector<1x1x32x1024xf32> to vector<32x1024xf32>
    %swap3A_522 = vector.shape_cast %slice3A_515 : vector<32x1024xf32> to vector<1x1x32x1024xf32>
    tpu.vector_store %arg2[%swap3A_516, %swap3A_517, %swap3A_518, %swap3A_519], %swap3A_522 {strides = array<i32>} : memref<1x1x1024x1024xf32, #tpu.memory_space<vmem>>, vector<1x1x32x1024xf32>,
    return
  }
  func.func @transform_0(%arg0: i32) -> (i32, i32, i32) {
    %c0_i32 = arith.constant 0 : i32
    %c0_i32_0 = arith.constant 0 : i32
    %c0_i32_1 = arith.constant 0 : i32
    %c0_i32_2 = arith.constant 0 : i32
    return %c0_i32, %c0_i32_0, %c0_i32_1 : i32, i32, i32
  }
  func.func @transform_1(%arg0: i32) -> (i32, i32, i32, i32) {
    %c0_i32 = arith.constant 0 : i32
    %c0_i32_0 = arith.constant 0 : i32
    %c0_i32_1 = arith.constant 0 : i32
    %c0_i32_2 = arith.constant 0 : i32
    return %c0_i32, %arg0, %c0_i32_0, %c0_i32_1 : i32, i32, i32, i32
  }
}

</mosaic_0001>

<sc_bundles>
// kernel: kernel.4.cloned.1.call-start
scs
__scs_entry_jumppad:
0x0: {  	(pc) =	sbr.rel $0x88, $3  }
0x1: {  	(tag) =	ssettag $0x0;
	lr =	simm.s32 $0x1  }
0x2: {  	[smem:$0x3F9E] =	sst lr;
	_ =	strace $0xD0000000  }
0x3: {  	_ = 	snop  }
0x4: {  	_ = 	snop  }
0x5: {  	_ = 	snop  }
0x6: {  	_ = 	snop  }
0x7: {  	_ = 	snop  }
__scs_overlays_trampoline_lowered:
0x8: {  	[smem:$0x3FAD] =	sst s0  }
0x9: {  	[smem:$0x3FAE] =	sst s1  }
0xa: {  	[smem:$0x3FAF] =	sst s2  }
0xb: {  	[smem:$0x3FB0] =	sst s3  }
0xc: {  	[smem:$0x3FB1] =	sst s4  }
0xd: {  	[smem:$0x3FB2] =	sst s5  }
0xe: {  	[smem:$0x3FB3] =	sst s6  }
0xf: {  	[smem:$0x3FB4] =	sst s7  }
0x10: {  	[smem:$0x3FB5] =	sst s8  }
0x11: {  	[smem:$0x3FB6] =	sst s9;
	s0 =	simm.s32 @!p0 $0x0  }
0x12: {  	s1 =	sld [smem:$0x3F9C];
	s0 =	simm.s32 @p0 $0x1  }
0x13: {  	[smem:$0x3FB7] =	sst s0;
	s0 =	simm.s32 @!p1 $0x0  }
0x14: {  	s2 =	sld [smem:$0x3F9B];
	s0 =	simm.s32 @p1 $0x1  }
0x15: {  	[smem:$0x3FB8] =	sst s0;
	s0 =	simm.s32 @!p2 $0x0  }
0x16: {  	s3 =	sld [smem:$0x3FDB];
	s0 =	simm.s32 @p2 $0x1  }
0x17: {  	s4 =	simm.s32 $0x1BF5;
	[smem:$0x3FBA] =	sst s0  }
0x18: {  	s0 =	sld [smem:$0x3F9D];
	_ =	swait.ge [sflag:s4], $0x0  }
0x19: {  	s7 =	sld [smem:$0x3F9E]  }
0x1a: {  	s8 =	sadd.s32 $0xFFFFE003, lr  }
0x1b: {  	s9 =	sadd.s32 $0xFFFFFEF7, lr;
	s5 =	simm.s32 $0xFFFFFFFF;
	p2 =	slt.u32 s8, $0xFFFFF086  }
0x1c: {  	p1 =	slt.u32 s9, $0xF7A;
	s5 =	simm.s32 @!p2 $0x0  }
0x1d: {  	s5 =	simm.s32 @p1 $0x1;
	p0 =	seq.s32 s7, s2  }
0x1e: {  	s7 =	smul.u32 @!p0 $0xF7A, s2;
	p2 =	seq.s32 @!p0 s5, $0x0  }
0x1f: {  	s9 =	smul.u32 $0xF7A, s1;
	s8 =	simm.s32 @!p0 $0x1BF5;
	p2 =	por !p2, p0  }
0x20: {  	[sflag:s8] =	ssyncset.s32 @!p0 $0xFFFFF086;
	s6 =	sadd.s32 @!p0 s3, s7;
	s7 =	simm.s32 @!p0 $0x108  }
0x21: {  	s3 =	sadd.s32 s3, s9;
	s6 =	sadd.s32 @!p0 $0x88, s6;
	s7 =	simm.s32 @p2 $0x1082  }
0x22: {  	[simem:s7], [sflag:s8] =	dma.local @!p0 [hbm:s6], $0xF7A  }
0x23: {  	s9 =	sor.u32 $0xD0000000, s2;
	s6 =	simm.s32 $0x108;
	_ =	swait.ge @!p0 [sflag:s8], $0x0  }
0x24: {  	s3 =	sadd.s32 $0x88, s3;
	s6 =	simm.s32 @!p1 $0x1082;
	[sflag:s4] =	ssyncset.s32 $0xFFFFF086  }
0x25: {  	[simem:s6], [sflag:s4] =	dma.local [hbm:s3], $0xF7A  }
0x26: {  	[smem:$0x3F9E] =	sst s1;
	(tag) =	ssettag s2;
	_ =	strace s9  }
0x27: {  	s1 =	sld [smem:$0x3FAE]  }
0x28: {  	s2 =	sld [smem:$0x3FAF]  }
0x29: {  	s4 =	sld [smem:$0x3FB1]  }
0x2a: {  	p0 =	seq.s32 s5, $0x0;
	s5 =	sld [smem:$0x3FB2]  }
0x2b: {  	s6 =	sld [smem:$0x3FB3]  }
0x2c: {  	s7 =	sld [smem:$0x3FB4]  }
0x2d: {  	s3 =	simm.s32 $0x108;
	s8 =	sld [smem:$0x3FB5]  }
0x2e: {  	s3 =	simm.s32 @!p0 $0x1082;
	s9 =	sld [smem:$0x3FB6]  }
0x2f: {  	lr =	sadd.s32 s0, s3;
	s0 =	sld [smem:$0x3FAD]  }
0x30: {  	s3 =	sld [smem:$0x3FB0]  }
0x31: {  	[smem:$0x3FB9] =	sst s10  }
0x32: {  	s10 =	sld [smem:$0x3FB7];
	_ =	sdelay $0x3  }
0x33: {  	p0 =	seq.s32 s10, $0x1;
	s10 =	sld [smem:$0x3FB9];
	_ =	sdelay $0x3  }
0x34: {  	[smem:$0x3FB9] =	sst s10  }
0x35: {  	s10 =	sld [smem:$0x3FB8];
	_ =	sdelay $0x3  }
0x36: {  	p1 =	seq.s32 s10, $0x1;
	s10 =	sld [smem:$0x3FB9];
	_ =	sdelay $0x3  }
0x37: {  	[smem:$0x3FB9] =	sst s10  }
0x38: {  	s10 =	sld [smem:$0x3FBA]  }
0x39: {  	_ = 	snop;
	(pc) =	sbr.ind lr, $3  }
0x3a: {  	_ = 	snop  }
0x3b: {  	_ = 	snop  }
0x3c: {  	p2 =	seq.s32 s10, $0x1;
	s10 =	sld [smem:$0x3FB9]  }
0x3d: {  	_ =	shalt  }
0x3e: {  	_ =	shalt  }
0x3f: {  	_ =	shalt  }
0x40: {  	_ =	shalt  }
0x41: {  	_ =	shalt  }
0x42: {  	_ =	shalt  }
0x43: {  	_ =	shalt  }
0x44: {  	_ =	shalt  }
0x45: {  	_ =	shalt  }
0x46: {  	_ =	shalt  }
0x47: {  	_ =	shalt  }
0x48: {  	_ =	shalt  }
0x49: {  	_ =	shalt  }
0x4a: {  	_ =	shalt  }
0x4b: {  	_ =	shalt  }
0x4c: {  	_ =	shalt  }
0x4d: {  	_ =	shalt  }
0x4e: {  	_ =	shalt  }
0x4f: {  	_ =	shalt  }
0x50: {  	_ =	shalt  }
0x51: {  	_ =	shalt  }
0x52: {  	_ =	shalt  }
0x53: {  	_ =	shalt  }
0x54: {  	_ =	shalt  }
0x55: {  	_ =	shalt  }
0x56: {  	_ =	shalt  }
0x57: {  	_ =	shalt  }
0x58: {  	_ =	shalt  }
0x59: {  	_ =	shalt  }
0x5a: {  	_ =	shalt  }
0x5b: {  	_ =	shalt  }
0x5c: {  	_ =	shalt  }
0x5d: {  	_ =	shalt  }
0x5e: {  	_ =	shalt  }
0x5f: {  	_ =	shalt  }
0x60: {  	_ =	shalt  }
0x61: {  	_ =	shalt  }
0x62: {  	_ =	shalt  }
0x63: {  	_ =	shalt  }
0x64: {  	_ =	shalt  }
0x65: {  	_ =	shalt  }
0x66: {  	_ =	shalt  }
0x67: {  	_ =	shalt  }
0x68: {  	_ =	shalt  }
0x69: {  	_ =	shalt  }
0x6a: {  	_ =	shalt  }
0x6b: {  	_ =	shalt  }
0x6c: {  	_ =	shalt  }
0x6d: {  	_ =	shalt  }
0x6e: {  	_ =	shalt  }
0x6f: {  	_ =	shalt  }
0x70: {  	_ =	shalt  }
0x71: {  	_ =	shalt  }
0x72: {  	_ =	shalt  }
0x73: {  	_ =	shalt  }
0x74: {  	_ =	shalt  }
0x75: {  	_ =	shalt  }
0x76: {  	_ =	shalt  }
0x77: {  	_ =	shalt  }
0x78: {  	_ =	shalt  }
0x79: {  	_ =	shalt  }
0x7a: {  	_ =	shalt  }
0x7b: {  	_ =	shalt  }
0x7c: {  	_ =	shalt  }
0x7d: {  	_ =	shalt  }
0x7e: {  	_ =	shalt  }
0x7f: {  	_ =	shalt  }
0x80: {  	_ =	shalt  }
0x81: {  	_ =	shalt  }
0x82: {  	_ =	shalt  }
0x83: {  	_ =	shalt  }
0x84: {  	_ =	shalt  }
0x85: {  	_ =	shalt  }
0x86: {  	_ =	shalt  }
0x87: {  	_ =	shalt  }
.Lfunc_end0:
.L_simem_size_0:
called_computation_lowered:
.L_overlay_start_0:
0x88: {  	s2 =	sld [smem:$0x3FD9]  }
0x89: {  	s3 =	sld [smem:$0x3FFE];
	_ =	sdelay $0x1  }
0x8a: {  	s1 =	srdreg.scid  }
0x8b: {  	s0 =	sand.u32 $0x1, s1  }
0x8c: {  	s17 =	sshll.u32 s0, $0xA;
	s2 =	sadd.s32 s3, s2  }
0x8d: {  	s2 =	sadd.s32 s2, s17  }
0x8e: {  	[smem:$0x3FC5] =	sst s2  }
0x8f: {  	_ = 	snop  }
0x90: {  	s2 =	sld [smem:$0x3FD0];
	(tm) =	ssettm $0x1  }
0x91: {  	s18 =	sld [smem:$0x3FFB];
	_ =	sdelay $0x3  }
0x92: {  	_ =	strace s18  }
0x93: {  	s3 =	sld [smem:$0x3FFC];
	_ =	sdelay $0x3  }
0x94: {  	_ =	strace s3  }
0x95: {  	s3 =	sld [smem:$0x3FFD];
	_ =	sdelay $0x3  }
0x96: {  	_ =	strace s3  }
0x97: {  	_ =	strace $0x8FFFFFFF  }
0x98: {  	s19 =	sld [smem:$0x3FDB];
	_ =	sdelay $0x1  }
0x99: {  	s4 =	simm.s32 $_scs_section_size  }
0x9a: {  	s5 =	simm.s32 $_size__tile_overlayer_lowered;
	s6 =	simm.s32 $_tile_overlayer_lowered  }
0x9b: {  	s22 =	simm.s32 $0x1BFF;
	s21 =	sshll.u32 s6, $0x1;
	s3 =	sadd.s32 s4, s19  }
0x9c: {  	s7 =	simm.s32 $0x0;
	s20 =	sshll.u32 s5, $0x1;
	s5 =	sadd.s32 s21, s3  }
0x9d: {  	[timem:s7], [sflag:s22] =	dma.local [hbm:s5], s20  }
0x9e: {  	_ =	swait.ge [sflag:s22], s20  }
0x9f: {  	s4 =	ssub.s32 $0x0, s20;
	[sflag:s22] =	ssyncset.done $0x0  }
0xa0: {  	[sflag:s22] =	ssyncadd.s32 s4;
	_ =	sdelay $0x1  }
0xa1: {  	s23 =	simm.s32 $0x1B8B  }
0xa2: {  	_ =	swait.ge [sflag:s23], $0x1  }
0xa3: {  	[sflag:s23] =	ssyncset.done $0x0  }
0xa4: {  	s25 =	simm.s32 $0x1B8E;
	s24 =	sld [smem:$0x3FFE];
	[sflag:s23] =	ssyncadd.s32 $0xFFFFFFFF  }
0xa5: {  	s26 =	simm.s32 $execute0_lowered;
	[smem:$0x3FD2] =	sst s25  }
0xa6: {  	s5 =	sshll.u32 s26, $0x1;
	_ =	strace $0x80000046;
	[dreg:$0x1] =	wrdreg $0xFFFFFFFF  }
0xa7: {  	s28 =	simm.s32 $_size_execute0_lowered;
	s3 =	sadd.s32 s3, s5;
	[dreg:$0x0] =	wrdreg $0x0  }
0xa8: {  	s5 =	sshll.u32 s28, $0x1;
	[dreg:$0x2] =	wrdreg s3  }
0xa9: {  	[dreg:$0x3] =	wrdreg s5  }
0xaa: {  	[dreg:$0x4] =	wrdreg $0xC0  }
0xab: {  	_ =	task [dreg:s7], $0x5FFFF  }
0xac: {  	[dreg:$0x1] =	wrdreg $0xFFFFFFFF  }
0xad: {  	[dreg:$0x0] =	wrdreg $0x60  }
0xae: {  	[dreg:$0x2] =	wrdreg s24  }
0xaf: {  	[dreg:$0x3] =	wrdreg s2  }
0xb0: {  	[dreg:$0x4] =	wrdreg $0x9  }
0xb1: {  	_ =	task.clear_ibuf [dreg:s7], $0x5FFFF;
	_ =	strace $0x90000046  }
0xb2: {  	s29 =	simm.s32 $0x9;
	_ =	strace $0x80000048  }
0xb3: {  	_ =	swait.ge [sflag:s29], $0x1  }
0xb4: {  	[sflag:s29] =	ssyncadd.s32 $0xFFFFFFFF  }
0xb5: {  	_ =	strace $0x90000048  }
0xb6: {  	_ =	sfence  }
0xb7: {  	s30 =	sld [smem:$0x0];
	_ =	sdelay $0x2  }
0xb8: {  	s31 =	sshll.u32 s1, $0xD;
	s1 =	sshrl.u32 s1, $0x2  }
0xb9: {  	s3 =	sand.u32 $0x4000, s31;
	s1 =	sadd.s32 s1, s30  }
0xba: {  	s0 =	sor.u32 s3, s0;
	s1 =	sshll.u32 s1, $0x11  }
0xbb: {  	s0 =	sor.u32 s1, s0  }
0xbc: {  	s0 =	sadd.s32 $0x8F2B, s0  }
0xbd: {  	[sflag:s0] =	ssyncadd.remote.s32 $0x1  }
0xbe: {  	_ =	sfence.sel $0xFFFF  }
0xbf: {  	[dreg:$0x0] =	wrdreg $0xFFFFFFFF;
	(pc) =	sbr.abs _section_cstart, $3  }
0xc0: {  	[dreg:$0x1] =	wrdreg $0xFFFFFFFF  }
0xc1: {  	_ =	task.clear_ibuf [dreg:s7], $0x2FFFF;
	_ =	strace $0x9FFFFFFF  }
0xc2: {  	(tm) =	ssettm $0x7FFFFFFF  }
0xc3: {  	_ =	shalt  }
tec
execute0_lowered:
.L_overlay_start_1:
0x0: {  	(tag) =	ssettag $0x1  }
0x1: {  	s0 =	srdreg.scid  }
0x2: {  	s2 =	stileid.u32;
	s1 =	sand.u32 $0x1, s0  }
0x3: {  	s0 =	sor.u32 s1, s2  }
0x4: {  	p1 =	seq.s32 s1, $0x1;
	p0 =	seq.s32 s0, $0x0  }
0x5: {  	s22 =	rddreg [dreg:$0x0];
	p0 =	por !p0, !p1  }
0x6: {  	s3 =	rddreg [dreg:$0x1];
	s0 =	simm.s32 $0x1;
	p0 =	por !p0, !p0  }
0x7: {  	s30 =	simm.s32 $0x20;
	s31 =	simm.s32 $0x40;
	s0 =	simm.s32 @!p0 $0x0  }
0x8: {  	s29 =	simm.s32 $0x800;
	s28 =	simm.s32 $0x7800;
	s4 =	ssub.s32 s2, s0  }
0x9: {  	s6 =	sshll.u32 s1, $0x4;
	s2 =	simm.s32 $0x0;
	s5 =	smul.u32 $0x7E00, s4  }
0xa: {  	p0 =	por $0x0, $0x0;
	[smem:$0x7FF] =	sst s2;
	s4 =	sshll.u32 s4, $0x10  }
0xb: {  	_ =	strace $0x80000047;
	s6 =	ssub.s32 s5, s6;
	s5 =	sadd.s32 $0x400, s22  }
0xc: {  	s7 =	sadd.s32 $0x6E58, s6;
	s24 =	sadd.s32 $0x18, s6;
	s8 =	sadd.s32 $0x5E98, s6  }
0xd: {  	s26 =	sadd.s32 $0x4ED8, s6;
	s9 =	sadd.s32 $0x3F18, s6;
	s11 =	sadd.s32 $0x2F58, s6  }
0xe: {  	s13 =	sadd.s32 $0x1F98, s6;
	s14 =	sadd.s32 $0xFD8, s6;
	s19 =	sadd.s32 $0x6E50, s6  }
0xf: {  	s21 =	sadd.s32 $0x5E90, s6;
	s22 =	sadd.s32 $0x4ED0, s6;
	s23 =	sshrl.u32 s7, $0x3  }
0x10: {  	s25 =	sshrl.u32 s8, $0x3;
	s8 =	sshrl.u32 s26, $0x3;
	s9 =	sshrl.u32 s9, $0x3  }
0x11: {  	s12 =	sshrl.u32 s11, $0x3;
	s16 =	sshrl.u32 s14, $0x3;
	s7 =	sshrl.u32 s24, $0x3  }
0x12: {  	s20 =	sshrl.u32 s19, $0x3;
	s24 =	sshrl.u32 s22, $0x3;
	s0 =	sadd.s32 s5, s23  }
0x13: {  	s26 =	sadd.s32 $0x3F10, s6;
	s8 =	sadd.s32 s5, s8;
	[dreg:$0x3] =	wrdreg s0  }
0x14: {  	s10 =	sadd.s32 s5, s9;
	s17 =	sadd.s32 s5, s16;
	[dreg:$0x5] =	wrdreg s8  }
0x15: {  	s18 =	sadd.s32 s5, s7;
	s7 =	sshrl.u32 s21, $0x3;
	[dreg:$0x6] =	wrdreg s10  }
0x16: {  	s9 =	sadd.s32 $0x2F50, s6;
	s0 =	sadd.s32 s5, s25;
	[dreg:$0x9] =	wrdreg s17  }
0x17: {  	s8 =	sshrl.u32 s13, $0x3;
	[dreg:$0xa] =	wrdreg s18;
	s23 =	sadd.s32 s5, s7  }
0x18: {  	s25 =	sadd.s32 s5, s24;
	s7 =	sshrl.u32 s9, $0x3;
	s10 =	sadd.s32 $0x1F90, s6  }
0x19: {  	s13 =	sadd.s32 $0x10, s6;
	s6 =	sadd.s32 $0xFD0, s6;
	[dreg:$0x4] =	wrdreg s0  }
0x1a: {  	s0 =	sadd.s32 s5, s12;
	s15 =	sadd.s32 s5, s8;
	[dreg:$0xc] =	wrdreg s23  }
0x1b: {  	[dreg:$0xd] =	wrdreg s25;
	s8 =	sshrl.u32 s26, $0x3;
	s11 =	sadd.s32 s5, s7  }
0x1c: {  	s12 =	sshrl.u32 s10, $0x3;
	s16 =	sshrl.u32 s6, $0x3;
	[dreg:$0x7] =	wrdreg s0  }
0x1d: {  	s17 =	sshrl.u32 s13, $0x3;
	[dreg:$0x8] =	wrdreg s15;
	s0 =	sadd.s32 s5, s20  }
0x1e: {  	[dreg:$0xf] =	wrdreg s11;
	s14 =	sadd.s32 s5, s12;
	s15 =	sshll.u32 s1, $0xF  }
0x1f: {  	s18 =	sadd.s32 s5, s17;
	s1 =	ssub.s32 $0x2, s1;
	[dreg:$0xb] =	wrdreg s0  }
0x20: {  	s17 =	simm.s32 $0x4000;
	s0 =	sadd.s32 s5, s8;
	[dreg:$0x10] =	wrdreg s14  }
0x21: {  	s4 =	sor.u32 s15, s4;
	[dreg:$0x12] =	wrdreg s18;
	s23 =	sshrl.u32 s1, $0x1  }
0x22: {  	s15 =	simm.s32 $0x3000;
	s18 =	simm.s32 $0x4800;
	[dreg:$0xe] =	wrdreg s0  }
0x23: {  	s0 =	sadd.s32 s5, s16;
	s4 =	sshrl.u32 s4, $0x3;
	s1 =	ssub.s32 s1, s23  }
0x24: {  	s16 =	simm.s32 $0x3800;
	s23 =	simm.s32 $0x5800;
	[dreg:$0x11] =	wrdreg s0  }
0x25: {  	s14 =	sadd.s32 s3, s4;
	s3 =	simm.s32 $0x1;
	s26 =	smax.u32 s1, $0x1  }
0x26: {  	s4 =	simm.s32 $0x2800;
	s0 =	rddreg [dreg:$0x3];
	s19 =	sadd.s32 $0x100, s14  }
0x27: {  	s20 =	sadd.s32 $0x200, s14;
	s21 =	sadd.s32 $0x300, s14;
	s22 =	sadd.s32 $0x400, s14  }
0x28: {  	s24 =	sadd.s32 $0x500, s14;
	s25 =	sadd.s32 $0x600, s14;
	s5 =	sadd.s32 $0x700, s14  }
0x29: {  	s6 =	sadd.s32 $0x800, s14;
	s7 =	sadd.s32 $0x900, s14;
	[dreg:$0x13] =	wrdreg s19  }
0x2a: {  	s8 =	sadd.s32 $0xA00, s14;
	s9 =	sadd.s32 $0xB00, s14;
	[dreg:$0x14] =	wrdreg s20  }
0x2b: {  	s10 =	sadd.s32 $0xC00, s14;
	p1 =	sne.s32 s26, $0x1;
	[dreg:$0x15] =	wrdreg s21  }
.Ltmp0:
0x2c: {  	s11 =	sadd.s32 $0xD00, s14;
	[dreg:$0x16] =	wrdreg s22;
	(pc) =	sbr.rel @!p1 .LBB2_5-.Ltmp0, $4  }
0x2d: {  	s12 =	sadd.s32 $0xE00, s14;
	s13 =	sadd.s32 $0xF00, s14;
	[dreg:$0x17] =	wrdreg s24  }
0x2e: {  	s1 =	sadd.s32 $0xFFFFFFFF, s26;
	s26 =	simm.s32 $0x7000;
	[dreg:$0x18] =	wrdreg s25  }
0x2f: {  	s21 =	simm.s32 $0x1000;
	s20 =	simm.s32 $0x1800;
	s19 =	simm.s32 $0x2000  }
0x30: {  	s22 =	simm.s32 $0x5000;
	s24 =	simm.s32 $0x6000;
	s25 =	simm.s32 $0x6800  }
0x31: {  	[dreg:$0x1a] =	wrdreg s1  }
0x32: {  	[tilespmem:s2], [sflag:$0x1] =	stream.strided.gather [hbm4b:s0+s30], $0x7E0, s31, s30, $0x38;
	[tilespmem:$0x8000] =	vst v63  }
0x33: {  	s1 =	rddreg [dreg:$0x4]  }
0x34: {  	[tilespmem:s29], [sflag:$0x1] =	stream.strided.gather [hbm4b:s1+s30], $0x7E0, s31, s30, $0x38;
	[tilespmem:$0x8000] =	vst v63  }
0x35: {  	s0 =	rddreg [dreg:$0x5]  }
0x36: {  	[tilespmem:s21], [sflag:$0x1] =	stream.strided.gather [hbm4b:s0+s30], $0x7E0, s31, s30, $0x38;
	[tilespmem:$0x8000] =	vst v63  }
0x37: {  	s1 =	rddreg [dreg:$0x6]  }
0x38: {  	[tilespmem:s20], [sflag:$0x1] =	stream.strided.gather [hbm4b:s1+s30], $0x7E0, s31, s30, $0x38;
	[tilespmem:$0x8000] =	vst v63  }
0x39: {  	s0 =	rddreg [dreg:$0x7]  }
0x3a: {  	[tilespmem:s19], [sflag:$0x1] =	stream.strided.gather [hbm4b:s0+s30], $0x7E0, s31, s30, $0x38;
	[tilespmem:$0x8000] =	vst v63  }
0x3b: {  	s1 =	rddreg [dreg:$0x8]  }
0x3c: {  	[tilespmem:s4], [sflag:$0x1] =	stream.strided.gather [hbm4b:s1+s30], $0x7E0, s31, s30, $0x38;
	[tilespmem:$0x8000] =	vst v63  }
0x3d: {  	s0 =	rddreg [dreg:$0x9]  }
0x3e: {  	[tilespmem:s15], [sflag:$0x1] =	stream.strided.gather [hbm4b:s0+s30], $0x7E0, s31, s30, $0x38;
	[tilespmem:$0x8000] =	vst v63  }
0x3f: {  	s1 =	rddreg [dreg:$0xa]  }
0x40: {  	[tilespmem:s16], [sflag:$0x1] =	stream.strided.gather [hbm4b:s1+s30], $0x7E0, s31, s30, $0x38;
	[tilespmem:$0x8000] =	vst v63  }
0x41: {  	s0 =	rddreg [dreg:$0xb]  }
0x42: {  	[tilespmem:s17], [sflag:$0x1] =	stream.strided.gather [hbm4b:s0+s30], $0x7E0, s31, s30, $0x38;
	[tilespmem:$0x8000] =	vst v63  }
0x43: {  	s1 =	rddreg [dreg:$0xc]  }
0x44: {  	[tilespmem:s18], [sflag:$0x1] =	stream.strided.gather [hbm4b:s1+s30], $0x7E0, s31, s30, $0x38;
	[tilespmem:$0x8000] =	vst v63  }
0x45: {  	s0 =	rddreg [dreg:$0xd]  }
0x46: {  	[tilespmem:s22], [sflag:$0x1] =	stream.strided.gather [hbm4b:s0+s30], $0x7E0, s31, s30, $0x38;
	[tilespmem:$0x8000] =	vst v63  }
0x47: {  	s1 =	rddreg [dreg:$0xe]  }
0x48: {  	[tilespmem:s23], [sflag:$0x1] =	stream.strided.gather [hbm4b:s1+s30], $0x7E0, s31, s30, $0x38;
	[tilespmem:$0x8000] =	vst v63  }
0x49: {  	s0 =	rddreg [dreg:$0xf]  }
0x4a: {  	[tilespmem:s24], [sflag:$0x1] =	stream.strided.gather [hbm4b:s0+s30], $0x7E0, s31, s30, $0x38;
	[tilespmem:$0x8000] =	vst v63  }
0x4b: {  	s1 =	rddreg [dreg:$0x10]  }
0x4c: {  	[tilespmem:s25], [sflag:$0x1] =	stream.strided.gather [hbm4b:s1+s30], $0x7E0, s31, s30, $0x38;
	[tilespmem:$0x8000] =	vst v63  }
0x4d: {  	s0 =	rddreg [dreg:$0x11]  }
0x4e: {  	[tilespmem:s26], [sflag:$0x1] =	stream.strided.gather [hbm4b:s0+s30], $0x7E0, s31, s30, $0x38;
	[tilespmem:$0x8000] =	vst v63  }
0x4f: {  	s1 =	rddreg [dreg:$0x12]  }
0x50: {  	[tilespmem:s28], [sflag:$0x1] =	stream.strided.gather [hbm4b:s1+s30], $0x7E0, s31, s30, $0x38;
	[tilespmem:$0x8000] =	vst v63  }
0x51: {  	_ =	swait.ge [sflag:s3], $0x7E0  }
0x52: {  	[sflag:s3] =	ssyncset.done $0x0  }
0x53: {  	[sflag:s3] =	ssyncadd.s32 $0xFFFFF820  }
0x54: {  	_ =	swait.ge [sflag:s3], $0x7E0  }
0x55: {  	[sflag:s3] =	ssyncset.done $0x0  }
0x56: {  	[sflag:s3] =	ssyncadd.s32 $0xFFFFF820  }
0x57: {  	_ =	swait.ge [sflag:s3], $0x7E0  }
0x58: {  	[sflag:s3] =	ssyncset.done $0x0  }
0x59: {  	[sflag:s3] =	ssyncadd.s32 $0xFFFFF820  }
0x5a: {  	_ =	swait.ge [sflag:s3], $0x7E0  }
0x5b: {  	[sflag:s3] =	ssyncset.done $0x0  }
0x5c: {  	[sflag:s3] =	ssyncadd.s32 $0xFFFFF820  }
0x5d: {  	_ =	swait.ge [sflag:s3], $0x7E0  }
0x5e: {  	[sflag:s3] =	ssyncset.done $0x0  }
0x5f: {  	[sflag:s3] =	ssyncadd.s32 $0xFFFFF820  }
0x60: {  	_ =	swait.ge [sflag:s3], $0x7E0  }
0x61: {  	[sflag:s3] =	ssyncset.done $0x0  }
0x62: {  	[sflag:s3] =	ssyncadd.s32 $0xFFFFF820  }
0x63: {  	_ =	swait.ge [sflag:s3], $0x7E0  }
0x64: {  	[sflag:s3] =	ssyncset.done $0x0  }
0x65: {  	[sflag:s3] =	ssyncadd.s32 $0xFFFFF820  }
0x66: {  	_ =	swait.ge [sflag:s3], $0x7E0  }
0x67: {  	[sflag:s3] =	ssyncset.done $0x0  }
0x68: {  	[sflag:s3] =	ssyncadd.s32 $0xFFFFF820  }
0x69: {  	_ =	swait.ge [sflag:s3], $0x7E0  }
0x6a: {  	[sflag:s3] =	ssyncset.done $0x0  }
0x6b: {  	[sflag:s3] =	ssyncadd.s32 $0xFFFFF820  }
0x6c: {  	_ =	swait.ge [sflag:s3], $0x7E0  }
0x6d: {  	[sflag:s3] =	ssyncset.done $0x0  }
0x6e: {  	[sflag:s3] =	ssyncadd.s32 $0xFFFFF820  }
0x6f: {  	_ =	swait.ge [sflag:s3], $0x7E0  }
0x70: {  	[sflag:s3] =	ssyncset.done $0x0  }
0x71: {  	[sflag:s3] =	ssyncadd.s32 $0xFFFFF820  }
0x72: {  	_ =	swait.ge [sflag:s3], $0x7E0  }
0x73: {  	[sflag:s3] =	ssyncset.done $0x0  }
0x74: {  	[sflag:s3] =	ssyncadd.s32 $0xFFFFF820  }
0x75: {  	_ =	swait.ge [sflag:s3], $0x7E0  }
0x76: {  	[sflag:s3] =	ssyncset.done $0x0  }
0x77: {  	[sflag:s3] =	ssyncadd.s32 $0xFFFFF820  }
0x78: {  	_ =	swait.ge [sflag:s3], $0x7E0  }
0x79: {  	[sflag:s3] =	ssyncset.done $0x0  }
0x7a: {  	[sflag:s3] =	ssyncadd.s32 $0xFFFFF820  }
0x7b: {  	_ =	swait.ge [sflag:s3], $0x7E0  }
0x7c: {  	[sflag:s3] =	ssyncset.done $0x0  }
0x7d: {  	[sflag:s3] =	ssyncadd.s32 $0xFFFFF820  }
0x7e: {  	_ =	swait.ge [sflag:s3], $0x7E0  }
0x7f: {  	[sflag:s3] =	ssyncset.done $0x0  }
0x80: {  	[sflag:s3] =	ssyncadd.s32 $0xFFFFF820  }
0x81: {  	[hbm4b:s14+s2] =	stream.linear.scatter [tilespmem:s2], [sflag:$0x1], $0x800, $0x38;
	[tilespmem:$0x8000] =	vst v63  }
0x82: {  	s0 =	rddreg [dreg:$0x13]  }
0x83: {  	[hbm4b:s0+s2] =	stream.linear.scatter [tilespmem:s29], [sflag:$0x1], $0x800, $0x38;
	[tilespmem:$0x8000] =	vst v63  }
0x84: {  	s1 =	rddreg [dreg:$0x14]  }
0x85: {  	[hbm4b:s1+s2] =	stream.linear.scatter [tilespmem:s21], [sflag:$0x1], $0x800, $0x38;
	[tilespmem:$0x8000] =	vst v63  }
0x86: {  	s0 =	rddreg [dreg:$0x15]  }
0x87: {  	[hbm4b:s0+s2] =	stream.linear.scatter [tilespmem:s20], [sflag:$0x1], $0x800, $0x38;
	[tilespmem:$0x8000] =	vst v63  }
0x88: {  	s21 =	rddreg [dreg:$0x16]  }
0x89: {  	[hbm4b:s21+s2] =	stream.linear.scatter [tilespmem:s19], [sflag:$0x1], $0x800, $0x38;
	[tilespmem:$0x8000] =	vst v63  }
0x8a: {  	s20 =	rddreg [dreg:$0x17]  }
0x8b: {  	[hbm4b:s20+s2] =	stream.linear.scatter [tilespmem:s4], [sflag:$0x1], $0x800, $0x38;
	[tilespmem:$0x8000] =	vst v63  }
0x8c: {  	s21 =	rddreg [dreg:$0x18]  }
0x8d: {  	[hbm4b:s21+s2] =	stream.linear.scatter [tilespmem:s15], [sflag:$0x1], $0x800, $0x38;
	[tilespmem:$0x8000] =	vst v63  }
0x8e: {  	_ = 	snop  }
0x8f: {  	[hbm4b:s5+s2] =	stream.linear.scatter [tilespmem:s16], [sflag:$0x1], $0x800, $0x38;
	[tilespmem:$0x8000] =	vst v63  }
0x90: {  	_ = 	snop  }
0x91: {  	[hbm4b:s6+s2] =	stream.linear.scatter [tilespmem:s17], [sflag:$0x1], $0x800, $0x38;
	[tilespmem:$0x8000] =	vst v63  }
0x92: {  	_ = 	snop  }
0x93: {  	[hbm4b:s7+s2] =	stream.linear.scatter [tilespmem:s18], [sflag:$0x1], $0x800, $0x38;
	[tilespmem:$0x8000] =	vst v63  }
0x94: {  	_ = 	snop  }
0x95: {  	[hbm4b:s8+s2] =	stream.linear.scatter [tilespmem:s22], [sflag:$0x1], $0x800, $0x38;
	[tilespmem:$0x8000] =	vst v63  }
0x96: {  	_ = 	snop  }
0x97: {  	[hbm4b:s9+s2] =	stream.linear.scatter [tilespmem:s23], [sflag:$0x1], $0x800, $0x38;
	[tilespmem:$0x8000] =	vst v63  }
0x98: {  	_ = 	snop  }
0x99: {  	[hbm4b:s10+s2] =	stream.linear.scatter [tilespmem:s24], [sflag:$0x1], $0x800, $0x38;
	[tilespmem:$0x8000] =	vst v63  }
0x9a: {  	_ = 	snop  }
0x9b: {  	[hbm4b:s11+s2] =	stream.linear.scatter [tilespmem:s25], [sflag:$0x1], $0x800, $0x38;
	[tilespmem:$0x8000] =	vst v63  }
0x9c: {  	_ = 	snop  }
0x9d: {  	[hbm4b:s12+s2] =	stream.linear.scatter [tilespmem:s26], [sflag:$0x1], $0x800, $0x38;
	[tilespmem:$0x8000] =	vst v63  }
0x9e: {  	_ = 	snop  }
0x9f: {  	[hbm4b:s13+s2] =	stream.linear.scatter [tilespmem:s28], [sflag:$0x1], $0x800, $0x38;
	[tilespmem:$0x8000] =	vst v63  }
0xa0: {  	_ =	swait.ge [sflag:s3], $0x800  }
0xa1: {  	[sflag:s3] =	ssyncset.done $0x0  }
0xa2: {  	[sflag:s3] =	ssyncadd.s32 $0xFFFFF800  }
0xa3: {  	_ =	swait.ge [sflag:s3], $0x800  }
0xa4: {  	[sflag:s3] =	ssyncset.done $0x0  }
0xa5: {  	[sflag:s3] =	ssyncadd.s32 $0xFFFFF800  }
0xa6: {  	_ =	swait.ge [sflag:s3], $0x800  }
0xa7: {  	[sflag:s3] =	ssyncset.done $0x0  }
0xa8: {  	[sflag:s3] =	ssyncadd.s32 $0xFFFFF800  }
0xa9: {  	_ =	swait.ge [sflag:s3], $0x800  }
0xaa: {  	[sflag:s3] =	ssyncset.done $0x0  }
0xab: {  	[sflag:s3] =	ssyncadd.s32 $0xFFFFF800  }
0xac: {  	_ =	swait.ge [sflag:s3], $0x800  }
0xad: {  	[sflag:s3] =	ssyncset.done $0x0  }
0xae: {  	[sflag:s3] =	ssyncadd.s32 $0xFFFFF800  }
0xaf: {  	_ =	swait.ge [sflag:s3], $0x800  }
0xb0: {  	[sflag:s3] =	ssyncset.done $0x0  }
0xb1: {  	[sflag:s3] =	ssyncadd.s32 $0xFFFFF800  }
0xb2: {  	_ =	swait.ge [sflag:s3], $0x800  }
0xb3: {  	[sflag:s3] =	ssyncset.done $0x0  }
0xb4: {  	[sflag:s3] =	ssyncadd.s32 $0xFFFFF800  }
0xb5: {  	_ =	swait.ge [sflag:s3], $0x800  }
0xb6: {  	[sflag:s3] =	ssyncset.done $0x0  }
0xb7: {  	[sflag:s3] =	ssyncadd.s32 $0xFFFFF800  }
0xb8: {  	_ =	swait.ge [sflag:s3], $0x800  }
0xb9: {  	[sflag:s3] =	ssyncset.done $0x0  }
0xba: {  	[sflag:s3] =	ssyncadd.s32 $0xFFFFF800  }
0xbb: {  	_ =	swait.ge [sflag:s3], $0x800  }
0xbc: {  	[sflag:s3] =	ssyncset.done $0x0  }
0xbd: {  	[sflag:s3] =	ssyncadd.s32 $0xFFFFF800  }
0xbe: {  	_ =	swait.ge [sflag:s3], $0x800  }
0xbf: {  	[sflag:s3] =	ssyncset.done $0x0  }
0xc0: {  	[sflag:s3] =	ssyncadd.s32 $0xFFFFF800  }
0xc1: {  	_ =	swait.ge [sflag:s3], $0x800  }
0xc2: {  	[sflag:s3] =	ssyncset.done $0x0  }
0xc3: {  	[sflag:s3] =	ssyncadd.s32 $0xFFFFF800  }
0xc4: {  	_ =	swait.ge [sflag:s3], $0x800  }
0xc5: {  	[sflag:s3] =	ssyncset.done $0x0  }
0xc6: {  	[sflag:s3] =	ssyncadd.s32 $0xFFFFF800  }
0xc7: {  	_ =	swait.ge [sflag:s3], $0x800  }
0xc8: {  	[sflag:s3] =	ssyncset.done $0x0  }
0xc9: {  	[sflag:s3] =	ssyncadd.s32 $0xFFFFF800  }
0xca: {  	_ =	swait.ge [sflag:s3], $0x800  }
0xcb: {  	p0 =	por $0x1, $0x1;
	s26 =	rddreg [dreg:$0x1a]  }
0xcc: {  	s29 =	simm.s32 $0x7800;
	s15 =	simm.s32 $0x800;
	p1 =	sne.s32 s26, $0x1  }
.Ltmp1:
0xcd: {  	s22 =	simm.s32 $0x1000;
	s23 =	simm.s32 $0x5000;
	(pc) =	sbr.rel @!p1 .LBB2_6-.Ltmp1, $4  }
0xce: {  	s24 =	simm.s32 $0x5800;
	s25 =	simm.s32 $0x6000;
	[sflag:s3] =	ssyncset.done $0x0  }
0xcf: {  	s28 =	simm.s32 $0x7000;
	[sflag:s3] =	ssyncadd.s32 $0xFFFFF800;
	s1 =	sadd.s32 $0xFFFFFFFF, s26  }
0xd0: {  	s26 =	simm.s32 $0x6800;
	_ =	swait.ge [sflag:s3], $0x800;
	[dreg:$0x19] =	wrdreg s14  }
0xd1: {  	s14 =	simm.s32 $0x1800;
	s0 =	rddreg [dreg:$0x3];
	[sflag:s3] =	ssyncset.done $0x0  }
0xd2: {  	s21 =	simm.s32 $0x2000;
	s16 =	simm.s32 $0x2800;
	s17 =	simm.s32 $0x3000  }
0xd3: {  	s18 =	simm.s32 $0x3800;
	s19 =	simm.s32 $0x4000;
	s20 =	simm.s32 $0x4800  }
.LBB2_3:
0xd4: {  	[sflag:s3] =	ssyncadd.s32 $0xFFFFF800;
	s4 =	smov.u32 s13  }
0xd5: {  	s13 =	smov.u32 s12;
	s12 =	smov.u32 s11;
	s11 =	smov.u32 s10  }
0xd6: {  	s10 =	smov.u32 s9;
	s9 =	smov.u32 s8;
	s8 =	smov.u32 s7  }
0xd7: {  	[tilespmem:s2], [sflag:$0x1] =	stream.strided.gather [hbm4b:s0+s30], $0x7E0, s31, s30, $0x38;
	[tilespmem:$0x8000] =	vst v63  }
0xd8: {  	s7 =	smov.u32 s6;
	s6 =	smov.u32 s5;
	s5 =	rddreg [dreg:$0x4]  }
0xd9: {  	[tilespmem:s15], [sflag:$0x1] =	stream.strided.gather [hbm4b:s5+s30], $0x7E0, s31, s30, $0x38;
	[tilespmem:$0x8000] =	vst v63  }
0xda: {  	s0 =	rddreg [dreg:$0x5]  }
0xdb: {  	[tilespmem:s22], [sflag:$0x1] =	stream.strided.gather [hbm4b:s0+s30], $0x7E0, s31, s30, $0x38;
	[tilespmem:$0x8000] =	vst v63  }
0xdc: {  	s5 =	rddreg [dreg:$0x6]  }
0xdd: {  	[tilespmem:s14], [sflag:$0x1] =	stream.strided.gather [hbm4b:s5+s30], $0x7E0, s31, s30, $0x38;
	[tilespmem:$0x8000] =	vst v63  }
0xde: {  	s0 =	rddreg [dreg:$0x7]  }
0xdf: {  	[tilespmem:s21], [sflag:$0x1] =	stream.strided.gather [hbm4b:s0+s30], $0x7E0, s31, s30, $0x38;
	[tilespmem:$0x8000] =	vst v63  }
0xe0: {  	s5 =	rddreg [dreg:$0x8]  }
0xe1: {  	[tilespmem:s16], [sflag:$0x1] =	stream.strided.gather [hbm4b:s5+s30], $0x7E0, s31, s30, $0x38;
	[tilespmem:$0x8000] =	vst v63  }
0xe2: {  	s0 =	rddreg [dreg:$0x9]  }
0xe3: {  	[tilespmem:s17], [sflag:$0x1] =	stream.strided.gather [hbm4b:s0+s30], $0x7E0, s31, s30, $0x38;
	[tilespmem:$0x8000] =	vst v63  }
0xe4: {  	s5 =	rddreg [dreg:$0xa]  }
0xe5: {  	[tilespmem:s18], [sflag:$0x1] =	stream.strided.gather [hbm4b:s5+s30], $0x7E0, s31, s30, $0x38;
	[tilespmem:$0x8000] =	vst v63  }
0xe6: {  	s0 =	rddreg [dreg:$0xb]  }
0xe7: {  	[tilespmem:s19], [sflag:$0x1] =	stream.strided.gather [hbm4b:s0+s30], $0x7E0, s31, s30, $0x38;
	[tilespmem:$0x8000] =	vst v63  }
0xe8: {  	s5 =	rddreg [dreg:$0xc]  }
0xe9: {  	[tilespmem:s20], [sflag:$0x1] =	stream.strided.gather [hbm4b:s5+s30], $0x7E0, s31, s30, $0x38;
	[tilespmem:$0x8000] =	vst v63  }
0xea: {  	s0 =	rddreg [dreg:$0xd]  }
0xeb: {  	[tilespmem:s23], [sflag:$0x1] =	stream.strided.gather [hbm4b:s0+s30], $0x7E0, s31, s30, $0x38;
	[tilespmem:$0x8000] =	vst v63  }
0xec: {  	s5 =	rddreg [dreg:$0xe]  }
0xed: {  	[tilespmem:s24], [sflag:$0x1] =	stream.strided.gather [hbm4b:s5+s30], $0x7E0, s31, s30, $0x38;
	[tilespmem:$0x8000] =	vst v63  }
0xee: {  	s0 =	rddreg [dreg:$0xf]  }
0xef: {  	[tilespmem:s25], [sflag:$0x1] =	stream.strided.gather [hbm4b:s0+s30], $0x7E0, s31, s30, $0x38;
	[tilespmem:$0x8000] =	vst v63  }
0xf0: {  	s5 =	rddreg [dreg:$0x10]  }
0xf1: {  	[tilespmem:s26], [sflag:$0x1] =	stream.strided.gather [hbm4b:s5+s30], $0x7E0, s31, s30, $0x38;
	[tilespmem:$0x8000] =	vst v63  }
0xf2: {  	s0 =	rddreg [dreg:$0x11]  }
0xf3: {  	[tilespmem:s28], [sflag:$0x1] =	stream.strided.gather [hbm4b:s0+s30], $0x7E0, s31, s30, $0x38;
	[tilespmem:$0x8000] =	vst v63  }
0xf4: {  	s5 =	rddreg [dreg:$0x12]  }
0xf5: {  	[tilespmem:s29], [sflag:$0x1] =	stream.strided.gather [hbm4b:s5+s30], $0x7E0, s31, s30, $0x38;
	[tilespmem:$0x8000] =	vst v63  }
0xf6: {  	_ =	swait.ge [sflag:s3], $0x7E0  }
0xf7: {  	[sflag:s3] =	ssyncset.done $0x0  }
0xf8: {  	[sflag:s3] =	ssyncadd.s32 $0xFFFFF820  }
0xf9: {  	_ =	swait.ge [sflag:s3], $0x7E0  }
0xfa: {  	[sflag:s3] =	ssyncset.done $0x0  }
0xfb: {  	[sflag:s3] =	ssyncadd.s32 $0xFFFFF820  }
0xfc: {  	_ =	swait.ge [sflag:s3], $0x7E0  }
0xfd: {  	[sflag:s3] =	ssyncset.done $0x0  }
0xfe: {  	[sflag:s3] =	ssyncadd.s32 $0xFFFFF820  }
0xff: {  	_ =	swait.ge [sflag:s3], $0x7E0  }
0x100: {  	[sflag:s3] =	ssyncset.done $0x0  }
0x101: {  	[sflag:s3] =	ssyncadd.s32 $0xFFFFF820  }
0x102: {  	_ =	swait.ge [sflag:s3], $0x7E0  }
0x103: {  	[sflag:s3] =	ssyncset.done $0x0  }
0x104: {  	[sflag:s3] =	ssyncadd.s32 $0xFFFFF820  }
0x105: {  	_ =	swait.ge [sflag:s3], $0x7E0  }
0x106: {  	[sflag:s3] =	ssyncset.done $0x0  }
0x107: {  	[sflag:s3] =	ssyncadd.s32 $0xFFFFF820  }
0x108: {  	_ =	swait.ge [sflag:s3], $0x7E0  }
0x109: {  	[sflag:s3] =	ssyncset.done $0x0  }
0x10a: {  	[sflag:s3] =	ssyncadd.s32 $0xFFFFF820  }
0x10b: {  	_ =	swait.ge [sflag:s3], $0x7E0  }
0x10c: {  	[sflag:s3] =	ssyncset.done $0x0  }
0x10d: {  	[sflag:s3] =	ssyncadd.s32 $0xFFFFF820  }
0x10e: {  	_ =	swait.ge [sflag:s3], $0x7E0  }
0x10f: {  	[sflag:s3] =	ssyncset.done $0x0  }
0x110: {  	[sflag:s3] =	ssyncadd.s32 $0xFFFFF820  }
0x111: {  	_ =	swait.ge [sflag:s3], $0x7E0  }
0x112: {  	[sflag:s3] =	ssyncset.done $0x0  }
0x113: {  	[sflag:s3] =	ssyncadd.s32 $0xFFFFF820  }
0x114: {  	_ =	swait.ge [sflag:s3], $0x7E0  }
0x115: {  	[sflag:s3] =	ssyncset.done $0x0  }
0x116: {  	[sflag:s3] =	ssyncadd.s32 $0xFFFFF820  }
0x117: {  	_ =	swait.ge [sflag:s3], $0x7E0  }
0x118: {  	[sflag:s3] =	ssyncset.done $0x0  }
0x119: {  	[sflag:s3] =	ssyncadd.s32 $0xFFFFF820  }
0x11a: {  	_ =	swait.ge [sflag:s3], $0x7E0  }
0x11b: {  	[sflag:s3] =	ssyncset.done $0x0  }
0x11c: {  	[sflag:s3] =	ssyncadd.s32 $0xFFFFF820  }
0x11d: {  	_ =	swait.ge [sflag:s3], $0x7E0  }
0x11e: {  	[sflag:s3] =	ssyncset.done $0x0  }
0x11f: {  	[sflag:s3] =	ssyncadd.s32 $0xFFFFF820  }
0x120: {  	_ =	swait.ge [sflag:s3], $0x7E0  }
0x121: {  	[sflag:s3] =	ssyncset.done $0x0  }
0x122: {  	[sflag:s3] =	ssyncadd.s32 $0xFFFFF820  }
0x123: {  	_ =	swait.ge [sflag:s3], $0x7E0  }
0x124: {  	[sflag:s3] =	ssyncset.done $0x0  }
0x125: {  	s5 =	rddreg [dreg:$0x19];
	[sflag:s3] =	ssyncadd.s32 $0xFFFFF820  }
0x126: {  	[hbm4b:s5+s2] =	stream.linear.scatter [tilespmem:s2], [sflag:$0x1], $0x800, $0x38;
	[tilespmem:$0x8000] =	vst v63  }
0x127: {  	s0 =	rddreg [dreg:$0x13]  }
0x128: {  	[hbm4b:s0+s2] =	stream.linear.scatter [tilespmem:s15], [sflag:$0x1], $0x800, $0x38;
	[tilespmem:$0x8000] =	vst v63  }
0x129: {  	s5 =	rddreg [dreg:$0x14]  }
0x12a: {  	[hbm4b:s5+s2] =	stream.linear.scatter [tilespmem:s22], [sflag:$0x1], $0x800, $0x38;
	[tilespmem:$0x8000] =	vst v63  }
0x12b: {  	s0 =	rddreg [dreg:$0x15]  }
0x12c: {  	[hbm4b:s0+s2] =	stream.linear.scatter [tilespmem:s14], [sflag:$0x1], $0x800, $0x38;
	[tilespmem:$0x8000] =	vst v63  }
0x12d: {  	s5 =	rddreg [dreg:$0x16]  }
0x12e: {  	[hbm4b:s5+s2] =	stream.linear.scatter [tilespmem:s21], [sflag:$0x1], $0x800, $0x38;
	[tilespmem:$0x8000] =	vst v63  }
0x12f: {  	s0 =	rddreg [dreg:$0x17]  }
0x130: {  	[hbm4b:s0+s2] =	stream.linear.scatter [tilespmem:s16], [sflag:$0x1], $0x800, $0x38;
	[tilespmem:$0x8000] =	vst v63  }
0x131: {  	s5 =	rddreg [dreg:$0x18]  }
0x132: {  	[hbm4b:s5+s2] =	stream.linear.scatter [tilespmem:s17], [sflag:$0x1], $0x800, $0x38;
	[tilespmem:$0x8000] =	vst v63  }
0x133: {  	s5 =	smov.u32 s6  }
0x134: {  	[hbm4b:s5+s2] =	stream.linear.scatter [tilespmem:s18], [sflag:$0x1], $0x800, $0x38;
	[tilespmem:$0x8000] =	vst v63  }
0x135: {  	s6 =	smov.u32 s7  }
0x136: {  	[hbm4b:s6+s2] =	stream.linear.scatter [tilespmem:s19], [sflag:$0x1], $0x800, $0x38;
	[tilespmem:$0x8000] =	vst v63  }
0x137: {  	s7 =	smov.u32 s8  }
0x138: {  	[hbm4b:s7+s2] =	stream.linear.scatter [tilespmem:s20], [sflag:$0x1], $0x800, $0x38;
	[tilespmem:$0x8000] =	vst v63  }
0x139: {  	s8 =	smov.u32 s9  }
0x13a: {  	[hbm4b:s8+s2] =	stream.linear.scatter [tilespmem:s23], [sflag:$0x1], $0x800, $0x38;
	[tilespmem:$0x8000] =	vst v63  }
0x13b: {  	s9 =	smov.u32 s10  }
0x13c: {  	[hbm4b:s9+s2] =	stream.linear.scatter [tilespmem:s24], [sflag:$0x1], $0x800, $0x38;
	[tilespmem:$0x8000] =	vst v63  }
0x13d: {  	s10 =	smov.u32 s11  }
0x13e: {  	[hbm4b:s10+s2] =	stream.linear.scatter [tilespmem:s25], [sflag:$0x1], $0x800, $0x38;
	[tilespmem:$0x8000] =	vst v63  }
0x13f: {  	s11 =	smov.u32 s12  }
0x140: {  	[hbm4b:s11+s2] =	stream.linear.scatter [tilespmem:s26], [sflag:$0x1], $0x800, $0x38;
	[tilespmem:$0x8000] =	vst v63  }
0x141: {  	s12 =	smov.u32 s13  }
0x142: {  	[hbm4b:s12+s2] =	stream.linear.scatter [tilespmem:s28], [sflag:$0x1], $0x800, $0x38;
	[tilespmem:$0x8000] =	vst v63  }
0x143: {  	_ = 	snop  }
0x144: {  	[hbm4b:s4+s2] =	stream.linear.scatter [tilespmem:s29], [sflag:$0x1], $0x800, $0x38;
	[tilespmem:$0x8000] =	vst v63  }
0x145: {  	_ =	swait.ge [sflag:s3], $0x800  }
0x146: {  	[sflag:s3] =	ssyncset.done $0x0  }
0x147: {  	[sflag:s3] =	ssyncadd.s32 $0xFFFFF800  }
0x148: {  	_ =	swait.ge [sflag:s3], $0x800  }
0x149: {  	[sflag:s3] =	ssyncset.done $0x0  }
0x14a: {  	[sflag:s3] =	ssyncadd.s32 $0xFFFFF800  }
0x14b: {  	_ =	swait.ge [sflag:s3], $0x800  }
0x14c: {  	[sflag:s3] =	ssyncset.done $0x0  }
0x14d: {  	[sflag:s3] =	ssyncadd.s32 $0xFFFFF800  }
0x14e: {  	_ =	swait.ge [sflag:s3], $0x800  }
0x14f: {  	[sflag:s3] =	ssyncset.done $0x0  }
0x150: {  	[sflag:s3] =	ssyncadd.s32 $0xFFFFF800  }
0x151: {  	_ =	swait.ge [sflag:s3], $0x800  }
0x152: {  	[sflag:s3] =	ssyncset.done $0x0  }
0x153: {  	[sflag:s3] =	ssyncadd.s32 $0xFFFFF800  }
0x154: {  	_ =	swait.ge [sflag:s3], $0x800  }
0x155: {  	[sflag:s3] =	ssyncset.done $0x0  }
0x156: {  	[sflag:s3] =	ssyncadd.s32 $0xFFFFF800  }
0x157: {  	_ =	swait.ge [sflag:s3], $0x800  }
0x158: {  	[sflag:s3] =	ssyncset.done $0x0  }
0x159: {  	[sflag:s3] =	ssyncadd.s32 $0xFFFFF800  }
0x15a: {  	_ =	swait.ge [sflag:s3], $0x800  }
0x15b: {  	[sflag:s3] =	ssyncset.done $0x0  }
0x15c: {  	[sflag:s3] =	ssyncadd.s32 $0xFFFFF800  }
0x15d: {  	_ =	swait.ge [sflag:s3], $0x800  }
0x15e: {  	[sflag:s3] =	ssyncset.done $0x0  }
0x15f: {  	[sflag:s3] =	ssyncadd.s32 $0xFFFFF800  }
0x160: {  	_ =	swait.ge [sflag:s3], $0x800  }
0x161: {  	[sflag:s3] =	ssyncset.done $0x0  }
0x162: {  	[sflag:s3] =	ssyncadd.s32 $0xFFFFF800  }
0x163: {  	_ =	swait.ge [sflag:s3], $0x800  }
0x164: {  	[sflag:s3] =	ssyncset.done $0x0  }
0x165: {  	[sflag:s3] =	ssyncadd.s32 $0xFFFFF800  }
0x166: {  	_ =	swait.ge [sflag:s3], $0x800  }
0x167: {  	[sflag:s3] =	ssyncset.done $0x0  }
0x168: {  	[sflag:s3] =	ssyncadd.s32 $0xFFFFF800  }
0x169: {  	_ =	swait.ge [sflag:s3], $0x800  }
0x16a: {  	[sflag:s3] =	ssyncset.done $0x0  }
0x16b: {  	[sflag:s3] =	ssyncadd.s32 $0xFFFFF800  }
0x16c: {  	_ =	swait.ge [sflag:s3], $0x800  }
0x16d: {  	[sflag:s3] =	ssyncset.done $0x0  }
0x16e: {  	p1 =	sne.s32 s1, $0x1;
	[sflag:s3] =	ssyncadd.s32 $0xFFFFF800  }
.Ltmp2:
0x16f: {  	_ =	swait.ge [sflag:s3], $0x800;
	(pc) =	sbr.rel @p1 .LBB2_3-.Ltmp2, $4  }
0x170: {  	[sflag:s3] =	ssyncset.done $0x0  }
0x171: {  	[sflag:s3] =	ssyncadd.s32 $0xFFFFF800  }
0x172: {  	s1 =	sadd.s32 $0xFFFFFFFF, s1;
	_ =	swait.ge [sflag:s3], $0x800  }
0x173: {  	s13 =	smov.u32 s4;
	s0 =	rddreg [dreg:$0x3];
	[sflag:s3] =	ssyncset.done $0x0  }
0x174: {  	s14 =	rddreg [dreg:$0x19]  }
0x175: {  	s4 =	simm.s32 $0x2800;
	s15 =	simm.s32 $0x3000;
	s16 =	simm.s32 $0x3800  }
0x176: {  	s17 =	simm.s32 $0x4000;
	s18 =	simm.s32 $0x4800;
	s19 =	simm.s32 $0x2000  }
0x177: {  	s20 =	simm.s32 $0x1800;
	s21 =	simm.s32 $0x1000;
	s22 =	simm.s32 $0x5000  }
0x178: {  	s23 =	simm.s32 $0x5800;
	s24 =	simm.s32 $0x6000;
	s25 =	simm.s32 $0x6800  }
0x179: {  	s26 =	simm.s32 $0x7000;
	s28 =	simm.s32 $0x7800;
	s29 =	simm.s32 $0x800  }
.LBB2_5:
0x17a: {  	[sflag:s3] =	ssyncadd.s32 @p0 $0xFFFFF800  }
0x17b: {  	[tilespmem:s2], [sflag:$0x1] =	stream.strided.gather [hbm4b:s0+s30], $0x7E0, s31, s30, $0x38;
	[tilespmem:$0x8000] =	vst v63  }
0x17c: {  	s1 =	rddreg [dreg:$0x4]  }
0x17d: {  	[tilespmem:s29], [sflag:$0x1] =	stream.strided.gather [hbm4b:s1+s30], $0x7E0, s31, s30, $0x38;
	[tilespmem:$0x8000] =	vst v63  }
0x17e: {  	s0 =	rddreg [dreg:$0x5]  }
0x17f: {  	[tilespmem:s21], [sflag:$0x1] =	stream.strided.gather [hbm4b:s0+s30], $0x7E0, s31, s30, $0x38;
	[tilespmem:$0x8000] =	vst v63  }
0x180: {  	s1 =	rddreg [dreg:$0x6]  }
0x181: {  	[tilespmem:s20], [sflag:$0x1] =	stream.strided.gather [hbm4b:s1+s30], $0x7E0, s31, s30, $0x38;
	[tilespmem:$0x8000] =	vst v63  }
0x182: {  	s0 =	rddreg [dreg:$0x7]  }
0x183: {  	[tilespmem:s19], [sflag:$0x1] =	stream.strided.gather [hbm4b:s0+s30], $0x7E0, s31, s30, $0x38;
	[tilespmem:$0x8000] =	vst v63  }
0x184: {  	s1 =	rddreg [dreg:$0x8]  }
0x185: {  	[tilespmem:s4], [sflag:$0x1] =	stream.strided.gather [hbm4b:s1+s30], $0x7E0, s31, s30, $0x38;
	[tilespmem:$0x8000] =	vst v63  }
0x186: {  	s0 =	rddreg [dreg:$0x9]  }
0x187: {  	[tilespmem:s15], [sflag:$0x1] =	stream.strided.gather [hbm4b:s0+s30], $0x7E0, s31, s30, $0x38;
	[tilespmem:$0x8000] =	vst v63  }
0x188: {  	s1 =	rddreg [dreg:$0xa]  }
0x189: {  	[tilespmem:s16], [sflag:$0x1] =	stream.strided.gather [hbm4b:s1+s30], $0x7E0, s31, s30, $0x38;
	[tilespmem:$0x8000] =	vst v63  }
0x18a: {  	s0 =	rddreg [dreg:$0xb]  }
0x18b: {  	[tilespmem:s17], [sflag:$0x1] =	stream.strided.gather [hbm4b:s0+s30], $0x7E0, s31, s30, $0x38;
	[tilespmem:$0x8000] =	vst v63  }
0x18c: {  	s1 =	rddreg [dreg:$0xc]  }
0x18d: {  	[tilespmem:s18], [sflag:$0x1] =	stream.strided.gather [hbm4b:s1+s30], $0x7E0, s31, s30, $0x38;
	[tilespmem:$0x8000] =	vst v63  }
0x18e: {  	s0 =	rddreg [dreg:$0xd]  }
0x18f: {  	[tilespmem:s22], [sflag:$0x1] =	stream.strided.gather [hbm4b:s0+s30], $0x7E0, s31, s30, $0x38;
	[tilespmem:$0x8000] =	vst v63  }
0x190: {  	s1 =	rddreg [dreg:$0xe]  }
0x191: {  	[tilespmem:s23], [sflag:$0x1] =	stream.strided.gather [hbm4b:s1+s30], $0x7E0, s31, s30, $0x38;
	[tilespmem:$0x8000] =	vst v63  }
0x192: {  	s0 =	rddreg [dreg:$0xf]  }
0x193: {  	[tilespmem:s24], [sflag:$0x1] =	stream.strided.gather [hbm4b:s0+s30], $0x7E0, s31, s30, $0x38;
	[tilespmem:$0x8000] =	vst v63  }
0x194: {  	s1 =	rddreg [dreg:$0x10]  }
0x195: {  	[tilespmem:s25], [sflag:$0x1] =	stream.strided.gather [hbm4b:s1+s30], $0x7E0, s31, s30, $0x38;
	[tilespmem:$0x8000] =	vst v63  }
0x196: {  	s0 =	rddreg [dreg:$0x11]  }
0x197: {  	[tilespmem:s26], [sflag:$0x1] =	stream.strided.gather [hbm4b:s0+s30], $0x7E0, s31, s30, $0x38;
	[tilespmem:$0x8000] =	vst v63  }
0x198: {  	s1 =	rddreg [dreg:$0x12]  }
0x199: {  	[tilespmem:s28], [sflag:$0x1] =	stream.strided.gather [hbm4b:s1+s30], $0x7E0, s31, s30, $0x38;
	[tilespmem:$0x8000] =	vst v63  }
0x19a: {  	_ =	swait.ge [sflag:s3], $0x7E0  }
0x19b: {  	[sflag:s3] =	ssyncset.done $0x0  }
0x19c: {  	[sflag:s3] =	ssyncadd.s32 $0xFFFFF820  }
0x19d: {  	_ =	swait.ge [sflag:s3], $0x7E0  }
0x19e: {  	[sflag:s3] =	ssyncset.done $0x0  }
0x19f: {  	[sflag:s3] =	ssyncadd.s32 $0xFFFFF820  }
0x1a0: {  	_ =	swait.ge [sflag:s3], $0x7E0  }
0x1a1: {  	[sflag:s3] =	ssyncset.done $0x0  }
0x1a2: {  	[sflag:s3] =	ssyncadd.s32 $0xFFFFF820  }
0x1a3: {  	_ =	swait.ge [sflag:s3], $0x7E0  }
0x1a4: {  	[sflag:s3] =	ssyncset.done $0x0  }
0x1a5: {  	[sflag:s3] =	ssyncadd.s32 $0xFFFFF820  }
0x1a6: {  	_ =	swait.ge [sflag:s3], $0x7E0  }
0x1a7: {  	[sflag:s3] =	ssyncset.done $0x0  }
0x1a8: {  	[sflag:s3] =	ssyncadd.s32 $0xFFFFF820  }
0x1a9: {  	_ =	swait.ge [sflag:s3], $0x7E0  }
0x1aa: {  	[sflag:s3] =	ssyncset.done $0x0  }
0x1ab: {  	[sflag:s3] =	ssyncadd.s32 $0xFFFFF820  }
0x1ac: {  	_ =	swait.ge [sflag:s3], $0x7E0  }
0x1ad: {  	[sflag:s3] =	ssyncset.done $0x0  }
0x1ae: {  	[sflag:s3] =	ssyncadd.s32 $0xFFFFF820  }
0x1af: {  	_ =	swait.ge [sflag:s3], $0x7E0  }
0x1b0: {  	[sflag:s3] =	ssyncset.done $0x0  }
0x1b1: {  	[sflag:s3] =	ssyncadd.s32 $0xFFFFF820  }
0x1b2: {  	_ =	swait.ge [sflag:s3], $0x7E0  }
0x1b3: {  	[sflag:s3] =	ssyncset.done $0x0  }
0x1b4: {  	[sflag:s3] =	ssyncadd.s32 $0xFFFFF820  }
0x1b5: {  	_ =	swait.ge [sflag:s3], $0x7E0  }
0x1b6: {  	[sflag:s3] =	ssyncset.done $0x0  }
0x1b7: {  	[sflag:s3] =	ssyncadd.s32 $0xFFFFF820  }
0x1b8: {  	_ =	swait.ge [sflag:s3], $0x7E0  }
0x1b9: {  	[sflag:s3] =	ssyncset.done $0x0  }
0x1ba: {  	[sflag:s3] =	ssyncadd.s32 $0xFFFFF820  }
0x1bb: {  	_ =	swait.ge [sflag:s3], $0x7E0  }
0x1bc: {  	[sflag:s3] =	ssyncset.done $0x0  }
0x1bd: {  	[sflag:s3] =	ssyncadd.s32 $0xFFFFF820  }
0x1be: {  	_ =	swait.ge [sflag:s3], $0x7E0  }
0x1bf: {  	[sflag:s3] =	ssyncset.done $0x0  }
0x1c0: {  	[sflag:s3] =	ssyncadd.s32 $0xFFFFF820  }
0x1c1: {  	_ =	swait.ge [sflag:s3], $0x7E0  }
0x1c2: {  	[sflag:s3] =	ssyncset.done $0x0  }
0x1c3: {  	[sflag:s3] =	ssyncadd.s32 $0xFFFFF820  }
0x1c4: {  	_ =	swait.ge [sflag:s3], $0x7E0  }
0x1c5: {  	[sflag:s3] =	ssyncset.done $0x0  }
0x1c6: {  	[sflag:s3] =	ssyncadd.s32 $0xFFFFF820  }
0x1c7: {  	_ =	swait.ge [sflag:s3], $0x7E0  }
0x1c8: {  	[sflag:s3] =	ssyncset.done $0x0  }
0x1c9: {  	[sflag:s3] =	ssyncadd.s32 $0xFFFFF820  }
0x1ca: {  	[hbm4b:s14+s2] =	stream.linear.scatter [tilespmem:s2], [sflag:$0x1], $0x800, $0x38;
	[tilespmem:$0x8000] =	vst v63  }
0x1cb: {  	s30 =	rddreg [dreg:$0x13]  }
0x1cc: {  	[hbm4b:s30+s2] =	stream.linear.scatter [tilespmem:s29], [sflag:$0x1], $0x800, $0x38;
	[tilespmem:$0x8000] =	vst v63  }
0x1cd: {  	s31 =	rddreg [dreg:$0x14]  }
0x1ce: {  	[hbm4b:s31+s2] =	stream.linear.scatter [tilespmem:s21], [sflag:$0x1], $0x800, $0x38;
	[tilespmem:$0x8000] =	vst v63  }
0x1cf: {  	s14 =	rddreg [dreg:$0x15]  }
0x1d0: {  	[hbm4b:s14+s2] =	stream.linear.scatter [tilespmem:s20], [sflag:$0x1], $0x800, $0x38;
	[tilespmem:$0x8000] =	vst v63  }
0x1d1: {  	s21 =	rddreg [dreg:$0x16]  }
0x1d2: {  	[hbm4b:s21+s2] =	stream.linear.scatter [tilespmem:s19], [sflag:$0x1], $0x800, $0x38;
	[tilespmem:$0x8000] =	vst v63  }
0x1d3: {  	s29 =	rddreg [dreg:$0x17]  }
0x1d4: {  	[hbm4b:s29+s2] =	stream.linear.scatter [tilespmem:s4], [sflag:$0x1], $0x800, $0x38;
	[tilespmem:$0x8000] =	vst v63  }
0x1d5: {  	s30 =	rddreg [dreg:$0x18]  }
0x1d6: {  	[hbm4b:s30+s2] =	stream.linear.scatter [tilespmem:s15], [sflag:$0x1], $0x800, $0x38;
	[tilespmem:$0x8000] =	vst v63  }
0x1d7: {  	_ = 	snop  }
0x1d8: {  	[hbm4b:s5+s2] =	stream.linear.scatter [tilespmem:s16], [sflag:$0x1], $0x800, $0x38;
	[tilespmem:$0x8000] =	vst v63  }
0x1d9: {  	_ = 	snop  }
0x1da: {  	[hbm4b:s6+s2] =	stream.linear.scatter [tilespmem:s17], [sflag:$0x1], $0x800, $0x38;
	[tilespmem:$0x8000] =	vst v63  }
0x1db: {  	_ = 	snop  }
0x1dc: {  	[hbm4b:s7+s2] =	stream.linear.scatter [tilespmem:s18], [sflag:$0x1], $0x800, $0x38;
	[tilespmem:$0x8000] =	vst v63  }
0x1dd: {  	_ = 	snop  }
0x1de: {  	[hbm4b:s8+s2] =	stream.linear.scatter [tilespmem:s22], [sflag:$0x1], $0x800, $0x38;
	[tilespmem:$0x8000] =	vst v63  }
0x1df: {  	_ = 	snop  }
0x1e0: {  	[hbm4b:s9+s2] =	stream.linear.scatter [tilespmem:s23], [sflag:$0x1], $0x800, $0x38;
	[tilespmem:$0x8000] =	vst v63  }
0x1e1: {  	_ = 	snop  }
0x1e2: {  	[hbm4b:s10+s2] =	stream.linear.scatter [tilespmem:s24], [sflag:$0x1], $0x800, $0x38;
	[tilespmem:$0x8000] =	vst v63  }
0x1e3: {  	_ = 	snop  }
0x1e4: {  	[hbm4b:s11+s2] =	stream.linear.scatter [tilespmem:s25], [sflag:$0x1], $0x800, $0x38;
	[tilespmem:$0x8000] =	vst v63  }
0x1e5: {  	_ = 	snop  }
0x1e6: {  	[hbm4b:s12+s2] =	stream.linear.scatter [tilespmem:s26], [sflag:$0x1], $0x800, $0x38;
	[tilespmem:$0x8000] =	vst v63  }
0x1e7: {  	_ = 	snop  }
0x1e8: {  	[hbm4b:s13+s2] =	stream.linear.scatter [tilespmem:s28], [sflag:$0x1], $0x800, $0x38;
	[tilespmem:$0x8000] =	vst v63  }
0x1e9: {  	_ =	swait.ge [sflag:s3], $0x800  }
0x1ea: {  	[sflag:s3] =	ssyncset.done $0x0  }
0x1eb: {  	[sflag:s3] =	ssyncadd.s32 $0xFFFFF800  }
0x1ec: {  	_ =	swait.ge [sflag:s3], $0x800  }
0x1ed: {  	[sflag:s3] =	ssyncset.done $0x0  }
0x1ee: {  	[sflag:s3] =	ssyncadd.s32 $0xFFFFF800  }
0x1ef: {  	_ =	swait.ge [sflag:s3], $0x800  }
0x1f0: {  	[sflag:s3] =	ssyncset.done $0x0  }
0x1f1: {  	[sflag:s3] =	ssyncadd.s32 $0xFFFFF800  }
0x1f2: {  	_ =	swait.ge [sflag:s3], $0x800  }
0x1f3: {  	[sflag:s3] =	ssyncset.done $0x0  }
0x1f4: {  	[sflag:s3] =	ssyncadd.s32 $0xFFFFF800  }
0x1f5: {  	_ =	swait.ge [sflag:s3], $0x800  }
0x1f6: {  	[sflag:s3] =	ssyncset.done $0x0  }
0x1f7: {  	[sflag:s3] =	ssyncadd.s32 $0xFFFFF800  }
0x1f8: {  	_ =	swait.ge [sflag:s3], $0x800  }
0x1f9: {  	[sflag:s3] =	ssyncset.done $0x0  }
0x1fa: {  	[sflag:s3] =	ssyncadd.s32 $0xFFFFF800  }
0x1fb: {  	_ =	swait.ge [sflag:s3], $0x800  }
0x1fc: {  	[sflag:s3] =	ssyncset.done $0x0  }
0x1fd: {  	[sflag:s3] =	ssyncadd.s32 $0xFFFFF800  }
0x1fe: {  	_ =	swait.ge [sflag:s3], $0x800  }
0x1ff: {  	[sflag:s3] =	ssyncset.done $0x0  }
0x200: {  	[sflag:s3] =	ssyncadd.s32 $0xFFFFF800  }
0x201: {  	_ =	swait.ge [sflag:s3], $0x800  }
0x202: {  	[sflag:s3] =	ssyncset.done $0x0  }
0x203: {  	[sflag:s3] =	ssyncadd.s32 $0xFFFFF800  }
0x204: {  	_ =	swait.ge [sflag:s3], $0x800  }
0x205: {  	[sflag:s3] =	ssyncset.done $0x0  }
0x206: {  	[sflag:s3] =	ssyncadd.s32 $0xFFFFF800  }
0x207: {  	_ =	swait.ge [sflag:s3], $0x800  }
0x208: {  	[sflag:s3] =	ssyncset.done $0x0  }
0x209: {  	[sflag:s3] =	ssyncadd.s32 $0xFFFFF800  }
0x20a: {  	_ =	swait.ge [sflag:s3], $0x800  }
0x20b: {  	[sflag:s3] =	ssyncset.done $0x0  }
0x20c: {  	[sflag:s3] =	ssyncadd.s32 $0xFFFFF800  }
0x20d: {  	_ =	swait.ge [sflag:s3], $0x800  }
0x20e: {  	[sflag:s3] =	ssyncset.done $0x0  }
0x20f: {  	[sflag:s3] =	ssyncadd.s32 $0xFFFFF800  }
0x210: {  	_ =	swait.ge [sflag:s3], $0x800  }
0x211: {  	[sflag:s3] =	ssyncset.done $0x0  }
0x212: {  	[sflag:s3] =	ssyncadd.s32 $0xFFFFF800  }
0x213: {  	_ =	swait.ge [sflag:s3], $0x800  }
0x214: {  	[sflag:s3] =	ssyncset.done $0x0  }
0x215: {  	[sflag:s3] =	ssyncadd.s32 $0xFFFFF800  }
0x216: {  	_ =	swait.ge [sflag:s3], $0x800  }
0x217: {  	[sflag:s3] =	ssyncset.done $0x0  }
0x218: {  	[sflag:s3] =	ssyncadd.s32 $0xFFFFF800  }
0x219: {  	_ =	sfence.sel $0x180000  }
0x21a: {  	[bflag:$0x0] =	sbarrier.arrive $0xFFFF  }
0x21b: {  	_ =	strace $0x90000047  }
0x21c: {  	s31 =	stileid.u32;
	[bflag:$0x2] =	sbarrier.arrive $0xFFFF  }
0x21d: {  	p0 =	sne.s32 s31, $0x0;
	s0 =	rddreg [dreg:$0x2]  }
0x21e: {  	s0 =	sadd.s32 @!p0 $0x100000, s0  }
0x21f: {  	[sflag:s0] =	ssyncadd.tile.s32 @!p0 $0x1;
	_ =	shalt  }
.LBB2_6:
0x220: {  	s14 =	rddreg [dreg:$0x19];
	s4 =	simm.s32 $0x2800  }
.Ltmp3:
0x221: {  	s15 =	simm.s32 $0x3000;
	s16 =	simm.s32 $0x3800;
	(pc) =	sbr.rel .LBB2_5-.Ltmp3, $4  }
0x222: {  	s17 =	simm.s32 $0x4000;
	s18 =	simm.s32 $0x4800;
	s19 =	simm.s32 $0x2000  }
0x223: {  	s20 =	simm.s32 $0x1800;
	s21 =	simm.s32 $0x1000;
	s22 =	simm.s32 $0x5000  }
0x224: {  	s23 =	simm.s32 $0x5800;
	s24 =	simm.s32 $0x6000;
	s25 =	simm.s32 $0x6800  }
0x225: {  	s26 =	simm.s32 $0x7000;
	s28 =	simm.s32 $0x7800;
	s29 =	simm.s32 $0x800  }
.Lfunc_end2:
_tile_overlayer_lowered:
.L_overlay_start_2:
0x226: {  	(tag) =	ssettag $0x2  }
0x227: {  	s0 =	rddreg [dreg:$0x0];
	s2 =	stileid.u32  }
0x228: {  	s1 =	rddreg [dreg:$0x1];
	p0 =	sne.s32 s2, $0x0  }
0x229: {  	s3 =	rddreg [dreg:$0x2];
	[bflag:$0x3] =	sbarrier.arrive $0xFFFF;
	s2 =	simm.s32 @!p0 $0x1C02  }
0x22a: {  	[timem:s3], [sflag:s2] =	dma.local @!p0 [hbm:s0], s1  }
0x22b: {  	s0 =	simm.s32 @!p0 $0x2  }
0x22c: {  	_ =	swait.ge @!p0 [sflag:s0], s1  }
0x22d: {  	s1 =	ssub.s32 @!p0 $0x0, s1;
	[sflag:s0] =	ssyncset.done @!p0 $0x0  }
0x22e: {  	[sflag:s0] =	ssyncadd.s32 @!p0 s1  }
0x22f: {  	[bflag:$0x3] =	sbarrier.arrive $0xFFFF  }
0x230: {  	_ =	shalt  }

</sc_bundles>
